<compile_context>
chip_gen: v7x
topology: tpu7x:2x2x1
jax: 0.10.2.dev20260603
libtpu: 0.0.44.dev20260713+nightly
codegen_flags: <defaults>
</compile_context>

<pallas_src>
import functools

import jax
import jax.numpy as jnp
from jax import lax
from jax.experimental import pallas as pl
from jax.experimental.pallas import tpu as pltpu
from jax.experimental.pallas import tpu_sc as plsc

N = 50000
E = 800000
D_IN = 8
N_PAD = 50176
E_PAD = 802816
N_CHUNKS = 196
CHUNK = 128
ROWS_PER_TILE = N_PAD // 16
RB = 3584
GRID = N_PAD // RB

_SC_PARAMS = pltpu.CompilerParams(use_tc_tiling_on_sc=False)


@functools.lru_cache(maxsize=None)
def _mesh():
    return plsc.VectorSubcoreMesh(core_axis_name="c", subcore_axis_name="s")


def _zero_acc(zeros_ref, zb_v, acc_sh, base):
    pltpu.sync_copy(zeros_ref, zb_v)

    def cp(k, carry):
        pltpu.sync_copy(zb_v, acc_sh.at[pl.ds(base + k * CHUNK, CHUNK)])
        return carry

    lax.fori_loop(0, ROWS_PER_TILE // CHUNK, cp, 0)
    rem = ROWS_PER_TILE - (ROWS_PER_TILE // CHUNK) * CHUNK
    if rem:
        pltpu.sync_copy(
            zb_v.at[pl.ds(0, rem)],
            acc_sh.at[pl.ds(base + (ROWS_PER_TILE // CHUNK) * CHUNK, rem)])



@functools.lru_cache(maxsize=None)
def _sc_degree_kernel():

    @functools.partial(
        pl.kernel,
        out_type=jax.ShapeDtypeStruct((2, N_PAD, 8), jnp.float32),
        mesh=_mesh(),
        scratch_types=[
            pltpu.VMEM((1, CHUNK), jnp.int32),
            pltpu.VMEM((1, CHUNK), jnp.int32),
            pltpu.VMEM((CHUNK, 8), jnp.float32),
            pltpu.VMEM((CHUNK, 8), jnp.float32),
            pltpu.SemaphoreType.DMA,
            pltpu.SemaphoreType.DMA,
            pltpu.VMEM_SHARED((N_PAD, 8), jnp.float32),
        ],
        compiler_params=_SC_PARAMS,
    )
    def deg_kernel(dst_ref, ones_ref, zeros_ref, out_ref, dst_a, dst_b,
                   ones_v, zb_v, sem_a, sem_b, acc_sh):
        c = lax.axis_index("c")
        s = lax.axis_index("s")
        base = s * ROWS_PER_TILE
        _zero_acc(zeros_ref, zb_v, acc_sh, base)
        pltpu.sync_copy(ones_ref, ones_v)
        plsc.subcore_barrier()

        pltpu.async_copy(dst_ref.at[c, s, 0], dst_a.at[0], sem_a)
        pltpu.async_copy(dst_ref.at[c, s, 1], dst_b.at[0], sem_b)

        def body(i, carry):
            j0 = 2 * i
            pltpu.make_async_copy(dst_ref.at[c, s, j0], dst_a.at[0],
                                  sem_a).wait()
            pltpu.sync_copy(ones_v, acc_sh.at[dst_a.at[0]], add=True)

            @pl.when(j0 + 2 < N_CHUNKS)
            def _():
                pltpu.async_copy(dst_ref.at[c, s, j0 + 2], dst_a.at[0], sem_a)

            pltpu.make_async_copy(dst_ref.at[c, s, j0 + 1], dst_b.at[0],
                                  sem_b).wait()
            pltpu.sync_copy(ones_v, acc_sh.at[dst_b.at[0]], add=True)

            @pl.when(j0 + 3 < N_CHUNKS)
            def _():
                pltpu.async_copy(dst_ref.at[c, s, j0 + 3], dst_b.at[0], sem_b)

            return carry

        lax.fori_loop(0, N_CHUNKS // 2, body, 0)
        plsc.subcore_barrier()
        pltpu.sync_copy(acc_sh.at[pl.ds(base, ROWS_PER_TILE)],
                        out_ref.at[c, pl.ds(base, ROWS_PER_TILE)])

    return deg_kernel


@functools.lru_cache(maxsize=None)
def _make_sc_propagate(D, dtype=jnp.float32):
    NBLK = 7
    BCH = N_CHUNKS // NBLK
    assert BCH % 2 == 0 and NBLK * BCH == N_CHUNKS

    @functools.partial(
        pl.kernel,
        out_type=jax.ShapeDtypeStruct((2, N_PAD, D), dtype),
        mesh=_mesh(),
        scratch_types=[
            pltpu.VMEM((BCH, CHUNK), jnp.int32),
            pltpu.VMEM((BCH, CHUNK), jnp.int32),
            pltpu.VMEM((CHUNK, D), dtype),
            pltpu.VMEM((CHUNK, D), dtype),
            pltpu.SemaphoreType.DMA,
            pltpu.SemaphoreType.DMA,
            pltpu.SemaphoreType.DMA,
            pltpu.SemaphoreType.DMA,
            pltpu.VMEM_SHARED((N_PAD, D), dtype),
        ],
        compiler_params=_SC_PARAMS,
    )
    def prop_kernel(table_ref, src_ref, dst_ref, zeros_ref, out_ref,
                    sidx, didx, rows_a, rows_b,
                    sem_ga, sem_gb, sem_sca, sem_scb, acc_sh):
        c = lax.axis_index("c")
        s = lax.axis_index("s")
        base = s * ROWS_PER_TILE
        _zero_acc(zeros_ref, rows_a, acc_sh, base)
        plsc.subcore_barrier()

        def blk_body(blk, carry):
            @pl.when(blk >= 1)
            def _():
                pltpu.make_async_copy(rows_a, acc_sh.at[didx.at[0]],
                                      sem_sca).wait()
                pltpu.make_async_copy(rows_b, acc_sh.at[didx.at[0]],
                                      sem_scb).wait()

            j0 = blk * BCH
            pltpu.sync_copy(src_ref.at[c, s, pl.ds(j0, BCH)], sidx)
            pltpu.sync_copy(dst_ref.at[c, s, pl.ds(j0, BCH)], didx)

            def body(i, carry2):
                @pl.when(i >= 1)
                def _():
                    pltpu.make_async_copy(rows_a, acc_sh.at[didx.at[0]],
                                          sem_sca).wait()
                ca = pltpu.async_copy(table_ref.at[sidx.at[2 * i]], rows_a,
                                      sem_ga)

                @pl.when(i >= 1)
                def _():
                    pltpu.make_async_copy(rows_b, acc_sh.at[didx.at[0]],
                                          sem_scb).wait()
                cb = pltpu.async_copy(table_ref.at[sidx.at[2 * i + 1]], rows_b,
                                      sem_gb)

                ca.wait()
                pltpu.async_copy(rows_a, acc_sh.at[didx.at[2 * i]], sem_sca,
                                 add=True)
                cb.wait()
                pltpu.async_copy(rows_b, acc_sh.at[didx.at[2 * i + 1]], sem_scb,
                                 add=True)
                return carry2

            lax.fori_loop(0, BCH // 2, body, 0)
            return carry

        lax.fori_loop(0, NBLK, blk_body, 0)
        pltpu.make_async_copy(rows_a, acc_sh.at[didx.at[0]], sem_sca).wait()
        pltpu.make_async_copy(rows_b, acc_sh.at[didx.at[0]], sem_scb).wait()
        plsc.subcore_barrier()
        pltpu.sync_copy(acc_sh.at[pl.ds(base, ROWS_PER_TILE)],
                        out_ref.at[c, pl.ds(base, ROWS_PER_TILE)])

    return prop_kernel



def _sp(shape, imap):
    return pl.BlockSpec(shape, imap)


def _tc_k1(deg3, x):

    def body(dA, dB, xb, dinv_ref, t1_ref):
        i = pl.program_id(0)
        deg = (dA[0][:, 0:1].astype(jnp.float32)
               + dB[0][:, 0:1].astype(jnp.float32) + 1.0)
        dinv = lax.rsqrt(deg)
        rows = i * RB + lax.broadcasted_iota(jnp.int32, (RB, 1), 0)
        dinv_ref[...] = dinv.astype(jnp.bfloat16)
        t1_ref[...] = jnp.where(rows < N, xb[...] * dinv, 0.0)

    return pl.pallas_call(
        body,
        grid=(GRID,),
        in_specs=[
            _sp((1, RB, 8), lambda i: (0, i, 0)),
            _sp((1, RB, 8), lambda i: (1, i, 0)),
            _sp((RB, 8), lambda i: (i, 0)),
        ],
        out_specs=[
            _sp((RB, 1), lambda i: (i, 0)),
            _sp((RB, 8), lambda i: (i, 0)),
        ],
        out_shape=[
            jax.ShapeDtypeStruct((N_PAD, 1), jnp.bfloat16),
            jax.ShapeDtypeStruct((N_PAD, 8), jnp.float32),
        ],
    )(deg3, deg3, x)


def _tc_k2(u1, t1, dinv, W1, b1, W2):

    def body(ua, ub, t1b, dv, w1, bias1, w2, t2_ref):
        i = pl.program_id(0)
        dvf = dv[...].astype(jnp.float32)
        sh = dvf * (ua[0].astype(jnp.float32) + ub[0].astype(jnp.float32)
                    + t1b[...].astype(jnp.float32))
        h1 = jnp.maximum(
            jnp.dot(sh, w1[...], preferred_element_type=jnp.float32) + bias1[...],
            0.0)
        rows = i * RB + lax.broadcasted_iota(jnp.int32, (RB, 1), 0)
        h1 = jnp.where(rows < N, h1, 0.0)
        t2 = dvf * jnp.dot(h1, w2[...], preferred_element_type=jnp.float32)
        t2_ref[...] = t2.astype(jnp.bfloat16)

    return pl.pallas_call(
        body,
        grid=(GRID,),
        in_specs=[
            _sp((1, RB, 8), lambda i: (0, i, 0)),
            _sp((1, RB, 8), lambda i: (1, i, 0)),
            _sp((RB, 8), lambda i: (i, 0)),
            _sp((RB, 1), lambda i: (i, 0)),
            _sp((8, 128), lambda i: (0, 0)),
            _sp((1, 128), lambda i: (0, 0)),
            _sp((128, 64), lambda i: (0, 0)),
        ],
        out_specs=_sp((RB, 64), lambda i: (i, 0)),
        out_shape=jax.ShapeDtypeStruct((N_PAD, 64), jnp.bfloat16),
    )(u1, u1, t1, dinv, W1, b1, W2)


def _tc_k3(u2, t2, dinv, b2, W3):

    def body(a0, a1, ta, dv, bias2, w3, t3_ref):
        i = pl.program_id(0)
        u2f = a0[0].astype(jnp.float32) + a1[0].astype(jnp.float32)
        dvf = dv[...].astype(jnp.float32)
        h2 = dvf * (u2f + ta[...].astype(jnp.float32))
        h2 = jnp.maximum(h2 + bias2[...], 0.0)
        rows = i * RB + lax.broadcasted_iota(jnp.int32, (RB, 1), 0)
        h2 = jnp.where(rows < N, h2, 0.0)
        t3 = dvf * jnp.dot(h2, w3[...], preferred_element_type=jnp.float32)
        t3_ref[...] = t3.astype(jnp.bfloat16)

    return pl.pallas_call(
        body,
        grid=(GRID,),
        in_specs=[
            _sp((1, RB, 64), lambda i: (0, i, 0)),
            _sp((1, RB, 64), lambda i: (1, i, 0)),
            _sp((RB, 64), lambda i: (i, 0)),
            _sp((RB, 1), lambda i: (i, 0)),
            _sp((1, 64), lambda i: (0, 0)),
            _sp((64, 32), lambda i: (0, 0)),
        ],
        out_specs=_sp((RB, 32), lambda i: (i, 0)),
        out_shape=jax.ShapeDtypeStruct((N_PAD, 32), jnp.bfloat16),
    )(u2, u2, t2, dinv, b2, W3)


def _tc_k4(u3, t3, dinv, b3, Wp1, bp1, Wp2, bp2):

    def body(ua, ub, tb, dv, bias3, wp1, biasp1, wp2, biasp2, out_ref, acc):
        i = pl.program_id(0)
        u3f = ua[0].astype(jnp.float32) + ub[0].astype(jnp.float32)
        h3 = dv[...].astype(jnp.float32) * (u3f + tb[...].astype(jnp.float32))
        h3 = jnp.maximum(h3 + bias3[...], 0.0)
        rows = i * RB + lax.broadcasted_iota(jnp.int32, (RB, 1), 0)
        h3 = jnp.where(rows < N, h3, 0.0)
        part = jnp.sum(h3, axis=0, keepdims=True)

        @pl.when(i == 0)
        def _():
            acc[...] = part

        @pl.when(i > 0)
        def _():
            acc[...] = acc[...] + part

        @pl.when(i == GRID - 1)
        def _():
            g = acc[...] * (1.0 / N)
            p = jnp.maximum(
                jnp.dot(g, wp1[...], preferred_element_type=jnp.float32)
                + biasp1[...], 0.0)
            out_ref[...] = (jnp.dot(p, wp2[...],
                                    preferred_element_type=jnp.float32)
                            + biasp2[...])

    return pl.pallas_call(
        body,
        grid=(GRID,),
        in_specs=[
            _sp((1, RB, 32), lambda i: (0, i, 0)),
            _sp((1, RB, 32), lambda i: (1, i, 0)),
            _sp((RB, 32), lambda i: (i, 0)),
            _sp((RB, 1), lambda i: (i, 0)),
            _sp((1, 32), lambda i: (0, 0)),
            _sp((32, 16), lambda i: (0, 0)),
            _sp((1, 16), lambda i: (0, 0)),
            _sp((16, 1), lambda i: (0, 0)),
            _sp((1, 1), lambda i: (0, 0)),
        ],
        out_specs=_sp((1, 1), lambda i: (0, 0)),
        out_shape=jax.ShapeDtypeStruct((1, 1), jnp.float32),
        scratch_shapes=[pltpu.VMEM((1, 32), jnp.float32)],
    )(u3, u3, t3, dinv, b3, Wp1, bp1, Wp2, bp2)



def kernel(x, edge_index, W1, b1, W2, b2, W3, b3, Wp1, bp1, Wp2, bp2):
    pad_cols = jnp.full((2, E_PAD - E), N, jnp.int32)
    ei = jnp.concatenate([edge_index, pad_cols], axis=1)
    src_hbm = ei[0].reshape(2, 16, N_CHUNKS, CHUNK)
    dst_hbm = ei[1].reshape(2, 16, N_CHUNKS, CHUNK)

    ones8 = jnp.ones((CHUNK, 8), jnp.float32)
    zeros8 = jnp.zeros((CHUNK, 8), jnp.float32)
    zeros64b = jnp.zeros((CHUNK, 64), jnp.bfloat16)
    zeros32b = jnp.zeros((CHUNK, 32), jnp.bfloat16)

    deg = _sc_degree_kernel()(dst_hbm, ones8, zeros8)
    dinv, t1 = _tc_k1(deg, x)

    u1 = _make_sc_propagate(8)(t1, src_hbm, dst_hbm, zeros8)
    t2 = _tc_k2(u1, t1, dinv, W1, b1.reshape(1, 128), W2)

    u2 = _make_sc_propagate(64, jnp.bfloat16)(t2, src_hbm, dst_hbm, zeros64b)
    t3 = _tc_k3(u2, t2, dinv, b2.reshape(1, 64), W3)

    u3 = _make_sc_propagate(32, jnp.bfloat16)(t3, src_hbm, dst_hbm, zeros32b)
    out = _tc_k4(u3, t3, dinv, b3.reshape(1, 32),
                 Wp1, bp1.reshape(1, 16), Wp2, bp2.reshape(1, 1))
    return out.reshape(1)

# --- scband reference (transcript-rebuilt; emitter-appended) ---
"""Pipeline reference for scband-performance-predictor-40175124087285 (READ-ONLY COPY).

The authoritative reference and input builder live on the scoring server;
editing this copy changes nothing except your own understanding.
"""

import jax, jax.numpy as jnp
import numpy as np

N_NODES = 50000
N_EDGES = 800000
D_IN = 8
H = 128


def _winit(key, fan_in, fan_out):
    return jax.random.normal(key, (fan_in, fan_out), jnp.float32) * (1.0 / np.sqrt(fan_in))


def setup_inputs(seed: int = 0) -> dict:
    key = jax.random.key(seed)
    ks = jax.random.split(key, 12)
    x = jax.random.normal(ks[0], (N_NODES, D_IN), jnp.float32)
    edge_index = jax.random.randint(ks[1], (2, N_EDGES), 0, N_NODES, dtype=jnp.int32)
    W1 = _winit(ks[2], D_IN, H)
    b1 = jnp.zeros((H,), jnp.float32)
    W2 = _winit(ks[3], H, H // 2)
    b2 = jnp.zeros((H // 2,), jnp.float32)
    W3 = _winit(ks[4], H // 2, H // 4)
    b3 = jnp.zeros((H // 4,), jnp.float32)
    Wp1 = _winit(ks[5], H // 4, H // 8)
    bp1 = jnp.zeros((H // 8,), jnp.float32)
    Wp2 = _winit(ks[6], H // 8, 1)
    bp2 = jnp.zeros((1,), jnp.float32)
    return {"x": x, "edge_index": edge_index, "W1": W1, "b1": b1, "W2": W2, "b2": b2,
            "W3": W3, "b3": b3, "Wp1": Wp1, "bp1": bp1, "Wp2": Wp2, "bp2": bp2}


def reference(x, edge_index, W1, b1, W2, b2, W3, b3, Wp1, bp1, Wp2, bp2):
    n = x.shape[0]
    loop = jnp.arange(n, dtype=edge_index.dtype)
    src = jnp.concatenate([edge_index[0], loop])
    dst = jnp.concatenate([edge_index[1], loop])
    # GCN symmetric normalization with added self-loops (PyG GCNConv default)
    deg = jnp.zeros((n,), x.dtype).at[dst].add(1.0)
    dinv = jax.lax.rsqrt(jnp.maximum(deg, 1e-12))
    norm = dinv[src] * dinv[dst]

    def gcn_conv(h, W, b):
        h = h @ W
        msg = jnp.take(h, src, axis=0) * norm[:, None]
        out = jnp.zeros((n, W.shape[1]), h.dtype).at[dst].add(msg)
        return out + b

    h = jax.nn.relu(gcn_conv(x, W1, b1))
    h = jax.nn.relu(gcn_conv(h, W2, b2))
    h = jax.nn.relu(gcn_conv(h, W3, b3))
    # global mean pool over nodes, then MLP predictor (Dropout is identity in eval)
    g = jnp.mean(h, axis=0)
    p = jax.nn.relu(g @ Wp1 + bp1)
    out = p @ Wp2 + bp2
    return out

if __name__ == "__main__":
    import jax
    _d = setup_inputs()
    print(jax.jit(kernel)(*tuple(_d.values())))

</pallas_src>

<mosaic_0001>
#map = affine_map<(d0, d1) -> (0, 0, 0, 0)>
#map1 = affine_map<(d0, d1) -> (0, 0)>
#map2 = affine_map<(d0, d1) -> (0, 0, 0)>
module attributes {stable_mosaic.version = 14 : i64} {
  func.func @deg_kernel(%arg0: i32, %arg1: i32, %arg2: memref<2x16x196x128xi32, #tpu.memory_space<hbm>>, %arg3: memref<128x8xf32, #tpu.memory_space<hbm>>, %arg4: memref<128x8xf32, #tpu.memory_space<hbm>>, %arg5: memref<2x50176x8xf32, #tpu.memory_space<hbm>>, %arg6: memref<1x128xi32, #tpu.memory_space<vmem>>, %arg7: memref<1x128xi32, #tpu.memory_space<vmem>>, %arg8: memref<128x8xf32, #tpu.memory_space<vmem>>, %arg9: memref<128x8xf32, #tpu.memory_space<vmem>>, %arg10: memref<!tpu.dma_semaphore, #tpu.memory_space<semaphore_mem>>, %arg11: memref<!tpu.dma_semaphore, #tpu.memory_space<semaphore_mem>>, %arg12: memref<50176x8xf32, #tpu.memory_space<vmem_shared>>) attributes {dimension_semantics = [#tpu.dimension_semantics<core_parallel>, #tpu.dimension_semantics<subcore_parallel>], iteration_bounds = array<i64: 2, 16>, scalar_prefetch = 0 : i64, scratch_operands = 7 : i64, tpu.core_type = #tpu.core_type<sc_vector_subcore>, window_params = [{transform_indices = #map}, {transform_indices = #map1}, {transform_indices = #map1}, {transform_indices = #map2}]} {
    %mul3A = arith.constant 3136 : i32
    %mul3A_0 = arith.muli %arg1, %mul3A : i32
    "tpu.region"() ({
      %run_scoped3A = tpu.sem_alloc : memref<!tpu.dma_semaphore, #tpu.memory_space<semaphore_mem>>
      tpu.enqueue_dma source(%arg4 : memref<128x8xf32, #tpu.memory_space<hbm>>) target(%arg9 : memref<128x8xf32, #tpu.memory_space<vmem>>) target_semaphore(%run_scoped3A : memref<!tpu.dma_semaphore, #tpu.memory_space<semaphore_mem>>)
      tpu.wait_dma2 semaphore(%run_scoped3A : memref<!tpu.dma_semaphore, #tpu.memory_space<semaphore_mem>>) src(%arg4 : memref<128x8xf32, #tpu.memory_space<hbm>>) dst(%arg9 : memref<128x8xf32, #tpu.memory_space<vmem>>)
      tpu.yield
    }) : () -> ()
    %scan3A = arith.constant 0 : i32
    %scan3A_1 = arith.constant 0 : i32
    %scan3A_2 = arith.constant 24 : i32
    %scan3A_3 = arith.addi %scan3A_1, %scan3A_2 : i32
    %scan3A_4 = arith.constant 1 : i32
    scf.for %scan3A_41 = %scan3A_1 to %scan3A_3 step %scan3A_4  : i32 {
      %mul3A_42 = arith.constant 128 : i32
      %mul3A_43 = arith.muli %scan3A_41, %mul3A_42 : i32
      %add3A_44 = arith.addi %mul3A_0, %mul3A_43 : i32
      "tpu.region"() ({
        %run_scoped3A = tpu.sem_alloc : memref<!tpu.dma_semaphore, #tpu.memory_space<semaphore_mem>>
        %dma_start3A_45 = arith.constant 0 : i32
        %dma_start3A_46 = tpu.memref_slice %arg12[%add3A_44, %dma_start3A_45] : memref<50176x8xf32, #tpu.memory_space<vmem_shared>> -> memref<128x8xf32, #tpu.memory_space<vmem_shared>>
        %dma_start3A_47 = arith.constant 0 : i32
        %dma_start3A_48 = tpu.memref_slice %arg12[%add3A_44, %dma_start3A_47] : memref<50176x8xf32, #tpu.memory_space<vmem_shared>> -> memref<128x8xf32, #tpu.memory_space<vmem_shared>>
        tpu.enqueue_dma source(%arg9 : memref<128x8xf32, #tpu.memory_space<vmem>>) target(%dma_start3A_48 : memref<128x8xf32, #tpu.memory_space<vmem_shared>>) target_semaphore(%run_scoped3A : memref<!tpu.dma_semaphore, #tpu.memory_space<semaphore_mem>>)
        %dma_wait3A = arith.constant 0 : i32
        %dma_wait3A_49 = tpu.memref_slice %arg12[%add3A_44, %dma_wait3A] : memref<50176x8xf32, #tpu.memory_space<vmem_shared>> -> memref<128x8xf32, #tpu.memory_space<vmem_shared>>
        %dma_wait3A_50 = arith.constant 0 : i32
        %dma_wait3A_51 = tpu.memref_slice %arg12[%add3A_44, %dma_wait3A_50] : memref<50176x8xf32, #tpu.memory_space<vmem_shared>> -> memref<128x8xf32, #tpu.memory_space<vmem_shared>>
        tpu.wait_dma2 semaphore(%run_scoped3A : memref<!tpu.dma_semaphore, #tpu.memory_space<semaphore_mem>>) src(%arg9 : memref<128x8xf32, #tpu.memory_space<vmem>>) dst(%dma_wait3A_51 : memref<128x8xf32, #tpu.memory_space<vmem_shared>>)
        tpu.yield
      }) : () -> ()
    }
    %scan3A_5 = arith.constant 24 : i32
    %add3A = arith.constant 3072 : i32
    %add3A_6 = arith.addi %mul3A_0, %add3A : i32
    "tpu.region"() ({
      %run_scoped3A = tpu.sem_alloc : memref<!tpu.dma_semaphore, #tpu.memory_space<semaphore_mem>>
      %dma_start3A_41 = arith.constant 0 : i32
      %dma_start3A_42 = arith.constant 0 : i32
      %dma_start3A_43 = tpu.memref_slice %arg9[%dma_start3A_41, %dma_start3A_42] : memref<128x8xf32, #tpu.memory_space<vmem>> -> memref<64x8xf32, #tpu.memory_space<vmem>>
      %dma_start3A_44 = arith.constant 0 : i32
      %dma_start3A_45 = tpu.memref_slice %arg12[%add3A_6, %dma_start3A_44] : memref<50176x8xf32, #tpu.memory_space<vmem_shared>> -> memref<64x8xf32, #tpu.memory_space<vmem_shared>>
      %dma_start3A_46 = arith.constant 0 : i32
      %dma_start3A_47 = tpu.memref_slice %arg12[%add3A_6, %dma_start3A_46] : memref<50176x8xf32, #tpu.memory_space<vmem_shared>> -> memref<64x8xf32, #tpu.memory_space<vmem_shared>>
      %dma_start3A_48 = arith.constant 0 : i32
      %dma_start3A_49 = arith.constant 0 : i32
      %dma_start3A_50 = tpu.memref_slice %arg9[%dma_start3A_48, %dma_start3A_49] : memref<128x8xf32, #tpu.memory_space<vmem>> -> memref<64x8xf32, #tpu.memory_space<vmem>>
      tpu.enqueue_dma source(%dma_start3A_50 : memref<64x8xf32, #tpu.memory_space<vmem>>) target(%dma_start3A_47 : memref<64x8xf32, #tpu.memory_space<vmem_shared>>) target_semaphore(%run_scoped3A : memref<!tpu.dma_semaphore, #tpu.memory_space<semaphore_mem>>)
      %dma_wait3A = arith.constant 0 : i32
      %dma_wait3A_51 = arith.constant 0 : i32
      %dma_wait3A_52 = tpu.memref_slice %arg9[%dma_wait3A, %dma_wait3A_51] : memref<128x8xf32, #tpu.memory_space<vmem>> -> memref<64x8xf32, #tpu.memory_space<vmem>>
      %dma_wait3A_53 = arith.constant 0 : i32
      %dma_wait3A_54 = tpu.memref_slice %arg12[%add3A_6, %dma_wait3A_53] : memref<50176x8xf32, #tpu.memory_space<vmem_shared>> -> memref<64x8xf32, #tpu.memory_space<vmem_shared>>
      %dma_wait3A_55 = arith.constant 0 : i32
      %dma_wait3A_56 = tpu.memref_slice %arg12[%add3A_6, %dma_wait3A_55] : memref<50176x8xf32, #tpu.memory_space<vmem_shared>> -> memref<64x8xf32, #tpu.memory_space<vmem_shared>>
      %dma_wait3A_57 = arith.constant 0 : i32
      %dma_wait3A_58 = arith.constant 0 : i32
      %dma_wait3A_59 = tpu.memref_slice %arg9[%dma_wait3A_57, %dma_wait3A_58] : memref<128x8xf32, #tpu.memory_space<vmem>> -> memref<64x8xf32, #tpu.memory_space<vmem>>
      tpu.wait_dma2 semaphore(%run_scoped3A : memref<!tpu.dma_semaphore, #tpu.memory_space<semaphore_mem>>) src(%dma_wait3A_59 : memref<64x8xf32, #tpu.memory_space<vmem>>) dst(%dma_wait3A_56 : memref<64x8xf32, #tpu.memory_space<vmem_shared>>)
      tpu.yield
    }) : () -> ()
    "tpu.region"() ({
      %run_scoped3A = tpu.sem_alloc : memref<!tpu.dma_semaphore, #tpu.memory_space<semaphore_mem>>
      tpu.enqueue_dma source(%arg3 : memref<128x8xf32, #tpu.memory_space<hbm>>) target(%arg8 : memref<128x8xf32, #tpu.memory_space<vmem>>) target_semaphore(%run_scoped3A : memref<!tpu.dma_semaphore, #tpu.memory_space<semaphore_mem>>)
      tpu.wait_dma2 semaphore(%run_scoped3A : memref<!tpu.dma_semaphore, #tpu.memory_space<semaphore_mem>>) src(%arg3 : memref<128x8xf32, #tpu.memory_space<hbm>>) dst(%arg8 : memref<128x8xf32, #tpu.memory_space<vmem>>)
      tpu.yield
    }) : () -> ()
    %barrier3A = arith.constant 0 : index
    tpu.barrier barrier_id(%barrier3A)
    %dma_start3A = arith.constant 0 : i32
    %dma_start3A_7 = arith.constant 0 : i32
    %dma_start3A_8 = arith.constant 0 : i32
    %dma_start3A_9 = tpu.memref_slice %arg6[%dma_start3A_7, %dma_start3A_8] : memref<1x128xi32, #tpu.memory_space<vmem>> -> memref<1x128xi32, #tpu.memory_space<vmem>>
    %dma_start3A_10 = tpu.memref_squeeze %dma_start3A_9 : memref<1x128xi32, #tpu.memory_space<vmem>> -> memref<128xi32, #tpu.memory_space<vmem>>
    %dma_start3A_11 = arith.constant 0 : i32
    %dma_start3A_12 = tpu.memref_slice %arg2[%arg0, %arg1, %dma_start3A, %dma_start3A_11] : memref<2x16x196x128xi32, #tpu.memory_space<hbm>> -> memref<1x1x1x128xi32, #tpu.memory_space<hbm>>
    %dma_start3A_13 = tpu.memref_squeeze %dma_start3A_12 : memref<1x1x1x128xi32, #tpu.memory_space<hbm>> -> memref<128xi32, #tpu.memory_space<hbm>>
    %dma_start3A_14 = arith.constant 0 : i32
    %dma_start3A_15 = tpu.memref_slice %arg6[%dma_start3A_7, %dma_start3A_14] : memref<1x128xi32, #tpu.memory_space<vmem>> -> memref<1x128xi32, #tpu.memory_space<vmem>>
    %dma_start3A_16 = tpu.memref_squeeze %dma_start3A_15 : memref<1x128xi32, #tpu.memory_space<vmem>> -> memref<128xi32, #tpu.memory_space<vmem>>
    %dma_start3A_17 = arith.constant 0 : i32
    %dma_start3A_18 = tpu.memref_slice %arg2[%arg0, %arg1, %dma_start3A, %dma_start3A_17] : memref<2x16x196x128xi32, #tpu.memory_space<hbm>> -> memref<1x1x1x128xi32, #tpu.memory_space<hbm>>
    %dma_start3A_19 = tpu.memref_squeeze %dma_start3A_18 : memref<1x1x1x128xi32, #tpu.memory_space<hbm>> -> memref<128xi32, #tpu.memory_space<hbm>>
    tpu.enqueue_dma source(%dma_start3A_19 : memref<128xi32, #tpu.memory_space<hbm>>) target(%dma_start3A_16 : memref<128xi32, #tpu.memory_space<vmem>>) target_semaphore(%arg10 : memref<!tpu.dma_semaphore, #tpu.memory_space<semaphore_mem>>)
    %dma_start3A_20 = arith.constant 1 : i32
    %dma_start3A_21 = arith.constant 0 : i32
    %dma_start3A_22 = arith.constant 0 : i32
    %dma_start3A_23 = tpu.memref_slice %arg7[%dma_start3A_21, %dma_start3A_22] : memref<1x128xi32, #tpu.memory_space<vmem>> -> memref<1x128xi32, #tpu.memory_space<vmem>>
    %dma_start3A_24 = tpu.memref_squeeze %dma_start3A_23 : memref<1x128xi32, #tpu.memory_space<vmem>> -> memref<128xi32, #tpu.memory_space<vmem>>
    %dma_start3A_25 = arith.constant 0 : i32
    %dma_start3A_26 = tpu.memref_slice %arg2[%arg0, %arg1, %dma_start3A_20, %dma_start3A_25] : memref<2x16x196x128xi32, #tpu.memory_space<hbm>> -> memref<1x1x1x128xi32, #tpu.memory_space<hbm>>
    %dma_start3A_27 = tpu.memref_squeeze %dma_start3A_26 : memref<1x1x1x128xi32, #tpu.memory_space<hbm>> -> memref<128xi32, #tpu.memory_space<hbm>>
    %dma_start3A_28 = arith.constant 0 : i32
    %dma_start3A_29 = tpu.memref_slice %arg7[%dma_start3A_21, %dma_start3A_28] : memref<1x128xi32, #tpu.memory_space<vmem>> -> memref<1x128xi32, #tpu.memory_space<vmem>>
    %dma_start3A_30 = tpu.memref_squeeze %dma_start3A_29 : memref<1x128xi32, #tpu.memory_space<vmem>> -> memref<128xi32, #tpu.memory_space<vmem>>
    %dma_start3A_31 = arith.constant 0 : i32
    %dma_start3A_32 = tpu.memref_slice %arg2[%arg0, %arg1, %dma_start3A_20, %dma_start3A_31] : memref<2x16x196x128xi32, #tpu.memory_space<hbm>> -> memref<1x1x1x128xi32, #tpu.memory_space<hbm>>
    %dma_start3A_33 = tpu.memref_squeeze %dma_start3A_32 : memref<1x1x1x128xi32, #tpu.memory_space<hbm>> -> memref<128xi32, #tpu.memory_space<hbm>>
    tpu.enqueue_dma source(%dma_start3A_33 : memref<128xi32, #tpu.memory_space<hbm>>) target(%dma_start3A_30 : memref<128xi32, #tpu.memory_space<vmem>>) target_semaphore(%arg11 : memref<!tpu.dma_semaphore, #tpu.memory_space<semaphore_mem>>)
    %scan3A_34 = arith.constant 0 : i32
    %scan3A_35 = arith.constant 0 : i32
    %scan3A_36 = arith.constant 98 : i32
    %scan3A_37 = arith.addi %scan3A_35, %scan3A_36 : i32
    %scan3A_38 = arith.constant 1 : i32
    scf.for %scan3A_41 = %scan3A_35 to %scan3A_37 step %scan3A_38  : i32 {
      %mul3A_42 = arith.constant 2 : i32
      %mul3A_43 = arith.muli %mul3A_42, %scan3A_41 : i32
      %dma_wait3A = arith.constant 0 : i32
      %dma_wait3A_44 = arith.constant 0 : i32
      %dma_wait3A_45 = tpu.memref_slice %arg6[%dma_wait3A, %dma_wait3A_44] : memref<1x128xi32, #tpu.memory_space<vmem>> -> memref<1x128xi32, #tpu.memory_space<vmem>>
      %dma_wait3A_46 = tpu.memref_squeeze %dma_wait3A_45 : memref<1x128xi32, #tpu.memory_space<vmem>> -> memref<128xi32, #tpu.memory_space<vmem>>
      %dma_wait3A_47 = arith.constant 0 : i32
      %dma_wait3A_48 = tpu.memref_slice %arg2[%arg0, %arg1, %mul3A_43, %dma_wait3A_47] : memref<2x16x196x128xi32, #tpu.memory_space<hbm>> -> memref<1x1x1x128xi32, #tpu.memory_space<hbm>>
      %dma_wait3A_49 = tpu.memref_squeeze %dma_wait3A_48 : memref<1x1x1x128xi32, #tpu.memory_space<hbm>> -> memref<128xi32, #tpu.memory_space<hbm>>
      %dma_wait3A_50 = arith.constant 0 : i32
      %dma_wait3A_51 = tpu.memref_slice %arg6[%dma_wait3A, %dma_wait3A_50] : memref<1x128xi32, #tpu.memory_space<vmem>> -> memref<1x128xi32, #tpu.memory_space<vmem>>
      %dma_wait3A_52 = tpu.memref_squeeze %dma_wait3A_51 : memref<1x128xi32, #tpu.memory_space<vmem>> -> memref<128xi32, #tpu.memory_space<vmem>>
      %dma_wait3A_53 = arith.constant 0 : i32
      %dma_wait3A_54 = tpu.memref_slice %arg2[%arg0, %arg1, %mul3A_43, %dma_wait3A_53] : memref<2x16x196x128xi32, #tpu.memory_space<hbm>> -> memref<1x1x1x128xi32, #tpu.memory_space<hbm>>
      %dma_wait3A_55 = tpu.memref_squeeze %dma_wait3A_54 : memref<1x1x1x128xi32, #tpu.memory_space<hbm>> -> memref<128xi32, #tpu.memory_space<hbm>>
      tpu.wait_dma2 semaphore(%arg10 : memref<!tpu.dma_semaphore, #tpu.memory_space<semaphore_mem>>) src(%dma_wait3A_55 : memref<128xi32, #tpu.memory_space<hbm>>) dst(%dma_wait3A_52 : memref<128xi32, #tpu.memory_space<vmem>>)
      %run_scoped3A = arith.constant 0 : i32
      "tpu.region"() ({
        %run_scoped3A_83 = tpu.sem_alloc : memref<!tpu.dma_semaphore, #tpu.memory_space<semaphore_mem>>
        %dma_start3A_84 = arith.constant 0 : i32
        %dma_start3A_85 = tpu.memref_slice %arg6[%run_scoped3A, %dma_start3A_84] : memref<1x128xi32, #tpu.memory_space<vmem>> -> memref<1x128xi32, #tpu.memory_space<vmem>>
        %dma_start3A_86 = tpu.memref_squeeze %dma_start3A_85 : memref<1x128xi32, #tpu.memory_space<vmem>> -> memref<128xi32, #tpu.memory_space<vmem>>
        %dma_start3A_87 = arith.constant 0 : i32
        %dma_start3A_88 = arith.constant 0 : i32
        %dma_start3A_89 = tpu.memref_slice %arg12[%dma_start3A_87, %dma_start3A_88] : memref<50176x8xf32, #tpu.memory_space<vmem_shared>> -> memref<50176x8xf32, #tpu.memory_space<vmem_shared>>
        tpu.enqueue_indirect_dma source(%arg8 : memref<128x8xf32, #tpu.memory_space<vmem>>) target(%dma_start3A_89 : memref<50176x8xf32, #tpu.memory_space<vmem_shared>>) offsets(%dma_start3A_86 : memref<128xi32, #tpu.memory_space<vmem>>) semaphore(%run_scoped3A_83 : memref<!tpu.dma_semaphore, #tpu.memory_space<semaphore_mem>>) {add = true}
        %dma_wait3A_90 = arith.constant 0 : i32
        %dma_wait3A_91 = tpu.memref_slice %arg6[%run_scoped3A, %dma_wait3A_90] : memref<1x128xi32, #tpu.memory_space<vmem>> -> memref<1x128xi32, #tpu.memory_space<vmem>>
        %dma_wait3A_92 = tpu.memref_squeeze %dma_wait3A_91 : memref<1x128xi32, #tpu.memory_space<vmem>> -> memref<128xi32, #tpu.memory_space<vmem>>
        %dma_wait3A_93 = arith.constant 0 : i32
        %dma_wait3A_94 = arith.constant 0 : i32
        %dma_wait3A_95 = tpu.memref_slice %arg12[%dma_wait3A_93, %dma_wait3A_94] : memref<50176x8xf32, #tpu.memory_space<vmem_shared>> -> memref<50176x8xf32, #tpu.memory_space<vmem_shared>>
        tpu.wait_indirect_dma semaphore(%run_scoped3A_83 : memref<!tpu.dma_semaphore, #tpu.memory_space<semaphore_mem>>) src(%arg8 : memref<128x8xf32, #tpu.memory_space<vmem>>) dst(%dma_wait3A_95 : memref<50176x8xf32, #tpu.memory_space<vmem_shared>>)
        tpu.yield
      }) : () -> ()
      %add3A_56 = arith.constant 2 : i32
      %add3A_57 = arith.addi %mul3A_43, %add3A_56 : i32
      %lt3A = arith.constant 196 : i32
      %lt3A_58 = arith.cmpi slt, %add3A_57, %lt3A : i32
      %convert_element_type3A = arith.extui %lt3A_58 : i1 to i32
      %cond3A = arith.constant 0 : i32
      %cond3A_59 = arith.cmpi ne, %convert_element_type3A, %cond3A : i32
      scf.if %cond3A_59 {
        %add3A_83 = arith.constant 2 : i32
        %add3A_84 = arith.addi %mul3A_43, %add3A_83 : i32
        %dma_start3A_85 = arith.constant 0 : i32
        %dma_start3A_86 = arith.constant 0 : i32
        %dma_start3A_87 = tpu.memref_slice %arg6[%dma_start3A_85, %dma_start3A_86] : memref<1x128xi32, #tpu.memory_space<vmem>> -> memref<1x128xi32, #tpu.memory_space<vmem>>
        %dma_start3A_88 = tpu.memref_squeeze %dma_start3A_87 : memref<1x128xi32, #tpu.memory_space<vmem>> -> memref<128xi32, #tpu.memory_space<vmem>>
        %dma_start3A_89 = arith.constant 0 : i32
        %dma_start3A_90 = tpu.memref_slice %arg2[%arg0, %arg1, %add3A_84, %dma_start3A_89] : memref<2x16x196x128xi32, #tpu.memory_space<hbm>> -> memref<1x1x1x128xi32, #tpu.memory_space<hbm>>
        %dma_start3A_91 = tpu.memref_squeeze %dma_start3A_90 : memref<1x1x1x128xi32, #tpu.memory_space<hbm>> -> memref<128xi32, #tpu.memory_space<hbm>>
        %dma_start3A_92 = arith.constant 0 : i32
        %dma_start3A_93 = tpu.memref_slice %arg6[%dma_start3A_85, %dma_start3A_92] : memref<1x128xi32, #tpu.memory_space<vmem>> -> memref<1x128xi32, #tpu.memory_space<vmem>>
        %dma_start3A_94 = tpu.memref_squeeze %dma_start3A_93 : memref<1x128xi32, #tpu.memory_space<vmem>> -> memref<128xi32, #tpu.memory_space<vmem>>
        %dma_start3A_95 = arith.constant 0 : i32
        %dma_start3A_96 = tpu.memref_slice %arg2[%arg0, %arg1, %add3A_84, %dma_start3A_95] : memref<2x16x196x128xi32, #tpu.memory_space<hbm>> -> memref<1x1x1x128xi32, #tpu.memory_space<hbm>>
        %dma_start3A_97 = tpu.memref_squeeze %dma_start3A_96 : memref<1x1x1x128xi32, #tpu.memory_space<hbm>> -> memref<128xi32, #tpu.memory_space<hbm>>
        tpu.enqueue_dma source(%dma_start3A_97 : memref<128xi32, #tpu.memory_space<hbm>>) target(%dma_start3A_94 : memref<128xi32, #tpu.memory_space<vmem>>) target_semaphore(%arg10 : memref<!tpu.dma_semaphore, #tpu.memory_space<semaphore_mem>>)
      } else {
      }
      %add3A_60 = arith.constant 1 : i32
      %add3A_61 = arith.addi %mul3A_43, %add3A_60 : i32
      %dma_wait3A_62 = arith.constant 0 : i32
      %dma_wait3A_63 = arith.constant 0 : i32
      %dma_wait3A_64 = tpu.memref_slice %arg7[%dma_wait3A_62, %dma_wait3A_63] : memref<1x128xi32, #tpu.memory_space<vmem>> -> memref<1x128xi32, #tpu.memory_space<vmem>>
      %dma_wait3A_65 = tpu.memref_squeeze %dma_wait3A_64 : memref<1x128xi32, #tpu.memory_space<vmem>> -> memref<128xi32, #tpu.memory_space<vmem>>
      %dma_wait3A_66 = arith.constant 0 : i32
      %dma_wait3A_67 = tpu.memref_slice %arg2[%arg0, %arg1, %add3A_61, %dma_wait3A_66] : memref<2x16x196x128xi32, #tpu.memory_space<hbm>> -> memref<1x1x1x128xi32, #tpu.memory_space<hbm>>
      %dma_wait3A_68 = tpu.memref_squeeze %dma_wait3A_67 : memref<1x1x1x128xi32, #tpu.memory_space<hbm>> -> memref<128xi32, #tpu.memory_space<hbm>>
      %dma_wait3A_69 = arith.constant 0 : i32
      %dma_wait3A_70 = tpu.memref_slice %arg7[%dma_wait3A_62, %dma_wait3A_69] : memref<1x128xi32, #tpu.memory_space<vmem>> -> memref<1x128xi32, #tpu.memory_space<vmem>>
      %dma_wait3A_71 = tpu.memref_squeeze %dma_wait3A_70 : memref<1x128xi32, #tpu.memory_space<vmem>> -> memref<128xi32, #tpu.memory_space<vmem>>
      %dma_wait3A_72 = arith.constant 0 : i32
      %dma_wait3A_73 = tpu.memref_slice %arg2[%arg0, %arg1, %add3A_61, %dma_wait3A_72] : memref<2x16x196x128xi32, #tpu.memory_space<hbm>> -> memref<1x1x1x128xi32, #tpu.memory_space<hbm>>
      %dma_wait3A_74 = tpu.memref_squeeze %dma_wait3A_73 : memref<1x1x1x128xi32, #tpu.memory_space<hbm>> -> memref<128xi32, #tpu.memory_space<hbm>>
      tpu.wait_dma2 semaphore(%arg11 : memref<!tpu.dma_semaphore, #tpu.memory_space<semaphore_mem>>) src(%dma_wait3A_74 : memref<128xi32, #tpu.memory_space<hbm>>) dst(%dma_wait3A_71 : memref<128xi32, #tpu.memory_space<vmem>>)
      %run_scoped3A_75 = arith.constant 0 : i32
      "tpu.region"() ({
        %run_scoped3A_83 = tpu.sem_alloc : memref<!tpu.dma_semaphore, #tpu.memory_space<semaphore_mem>>
        %dma_start3A_84 = arith.constant 0 : i32
        %dma_start3A_85 = tpu.memref_slice %arg7[%run_scoped3A_75, %dma_start3A_84] : memref<1x128xi32, #tpu.memory_space<vmem>> -> memref<1x128xi32, #tpu.memory_space<vmem>>
        %dma_start3A_86 = tpu.memref_squeeze %dma_start3A_85 : memref<1x128xi32, #tpu.memory_space<vmem>> -> memref<128xi32, #tpu.memory_space<vmem>>
        %dma_start3A_87 = arith.constant 0 : i32
        %dma_start3A_88 = arith.constant 0 : i32
        %dma_start3A_89 = tpu.memref_slice %arg12[%dma_start3A_87, %dma_start3A_88] : memref<50176x8xf32, #tpu.memory_space<vmem_shared>> -> memref<50176x8xf32, #tpu.memory_space<vmem_shared>>
        tpu.enqueue_indirect_dma source(%arg8 : memref<128x8xf32, #tpu.memory_space<vmem>>) target(%dma_start3A_89 : memref<50176x8xf32, #tpu.memory_space<vmem_shared>>) offsets(%dma_start3A_86 : memref<128xi32, #tpu.memory_space<vmem>>) semaphore(%run_scoped3A_83 : memref<!tpu.dma_semaphore, #tpu.memory_space<semaphore_mem>>) {add = true}
        %dma_wait3A_90 = arith.constant 0 : i32
        %dma_wait3A_91 = tpu.memref_slice %arg7[%run_scoped3A_75, %dma_wait3A_90] : memref<1x128xi32, #tpu.memory_space<vmem>> -> memref<1x128xi32, #tpu.memory_space<vmem>>
        %dma_wait3A_92 = tpu.memref_squeeze %dma_wait3A_91 : memref<1x128xi32, #tpu.memory_space<vmem>> -> memref<128xi32, #tpu.memory_space<vmem>>
        %dma_wait3A_93 = arith.constant 0 : i32
        %dma_wait3A_94 = arith.constant 0 : i32
        %dma_wait3A_95 = tpu.memref_slice %arg12[%dma_wait3A_93, %dma_wait3A_94] : memref<50176x8xf32, #tpu.memory_space<vmem_shared>> -> memref<50176x8xf32, #tpu.memory_space<vmem_shared>>
        tpu.wait_indirect_dma semaphore(%run_scoped3A_83 : memref<!tpu.dma_semaphore, #tpu.memory_space<semaphore_mem>>) src(%arg8 : memref<128x8xf32, #tpu.memory_space<vmem>>) dst(%dma_wait3A_95 : memref<50176x8xf32, #tpu.memory_space<vmem_shared>>)
        tpu.yield
      }) : () -> ()
      %add3A_76 = arith.constant 3 : i32
      %add3A_77 = arith.addi %mul3A_43, %add3A_76 : i32
      %lt3A_78 = arith.constant 196 : i32
      %lt3A_79 = arith.cmpi slt, %add3A_77, %lt3A_78 : i32
      %convert_element_type3A_80 = arith.extui %lt3A_79 : i1 to i32
      %cond3A_81 = arith.constant 0 : i32
      %cond3A_82 = arith.cmpi ne, %convert_element_type3A_80, %cond3A_81 : i32
      scf.if %cond3A_82 {
        %add3A_83 = arith.constant 3 : i32
        %add3A_84 = arith.addi %mul3A_43, %add3A_83 : i32
        %dma_start3A_85 = arith.constant 0 : i32
        %dma_start3A_86 = arith.constant 0 : i32
        %dma_start3A_87 = tpu.memref_slice %arg7[%dma_start3A_85, %dma_start3A_86] : memref<1x128xi32, #tpu.memory_space<vmem>> -> memref<1x128xi32, #tpu.memory_space<vmem>>
        %dma_start3A_88 = tpu.memref_squeeze %dma_start3A_87 : memref<1x128xi32, #tpu.memory_space<vmem>> -> memref<128xi32, #tpu.memory_space<vmem>>
        %dma_start3A_89 = arith.constant 0 : i32
        %dma_start3A_90 = tpu.memref_slice %arg2[%arg0, %arg1, %add3A_84, %dma_start3A_89] : memref<2x16x196x128xi32, #tpu.memory_space<hbm>> -> memref<1x1x1x128xi32, #tpu.memory_space<hbm>>
        %dma_start3A_91 = tpu.memref_squeeze %dma_start3A_90 : memref<1x1x1x128xi32, #tpu.memory_space<hbm>> -> memref<128xi32, #tpu.memory_space<hbm>>
        %dma_start3A_92 = arith.constant 0 : i32
        %dma_start3A_93 = tpu.memref_slice %arg7[%dma_start3A_85, %dma_start3A_92] : memref<1x128xi32, #tpu.memory_space<vmem>> -> memref<1x128xi32, #tpu.memory_space<vmem>>
        %dma_start3A_94 = tpu.memref_squeeze %dma_start3A_93 : memref<1x128xi32, #tpu.memory_space<vmem>> -> memref<128xi32, #tpu.memory_space<vmem>>
        %dma_start3A_95 = arith.constant 0 : i32
        %dma_start3A_96 = tpu.memref_slice %arg2[%arg0, %arg1, %add3A_84, %dma_start3A_95] : memref<2x16x196x128xi32, #tpu.memory_space<hbm>> -> memref<1x1x1x128xi32, #tpu.memory_space<hbm>>
        %dma_start3A_97 = tpu.memref_squeeze %dma_start3A_96 : memref<1x1x1x128xi32, #tpu.memory_space<hbm>> -> memref<128xi32, #tpu.memory_space<hbm>>
        tpu.enqueue_dma source(%dma_start3A_97 : memref<128xi32, #tpu.memory_space<hbm>>) target(%dma_start3A_94 : memref<128xi32, #tpu.memory_space<vmem>>) target_semaphore(%arg11 : memref<!tpu.dma_semaphore, #tpu.memory_space<semaphore_mem>>)
      } else {
      }
    }
    %scan3A_39 = arith.constant 98 : i32
    %barrier3A_40 = arith.constant 0 : index
    tpu.barrier barrier_id(%barrier3A_40)
    "tpu.region"() ({
      %run_scoped3A = tpu.sem_alloc : memref<!tpu.dma_semaphore, #tpu.memory_space<semaphore_mem>>
      %dma_start3A_41 = arith.constant 0 : i32
      %dma_start3A_42 = tpu.memref_slice %arg5[%arg0, %mul3A_0, %dma_start3A_41] : memref<2x50176x8xf32, #tpu.memory_space<hbm>> -> memref<1x3136x8xf32, #tpu.memory_space<hbm>>
      %dma_start3A_43 = tpu.memref_squeeze %dma_start3A_42 : memref<1x3136x8xf32, #tpu.memory_space<hbm>> -> memref<3136x8xf32, #tpu.memory_space<hbm>>
      %dma_start3A_44 = arith.constant 0 : i32
      %dma_start3A_45 = tpu.memref_slice %arg12[%mul3A_0, %dma_start3A_44] : memref<50176x8xf32, #tpu.memory_space<vmem_shared>> -> memref<3136x8xf32, #tpu.memory_space<vmem_shared>>
      tpu.enqueue_dma source(%dma_start3A_45 : memref<3136x8xf32, #tpu.memory_space<vmem_shared>>) target(%dma_start3A_43 : memref<3136x8xf32, #tpu.memory_space<hbm>>) target_semaphore(%run_scoped3A : memref<!tpu.dma_semaphore, #tpu.memory_space<semaphore_mem>>)
      %dma_wait3A = arith.constant 0 : i32
      %dma_wait3A_46 = tpu.memref_slice %arg5[%arg0, %mul3A_0, %dma_wait3A] : memref<2x50176x8xf32, #tpu.memory_space<hbm>> -> memref<1x3136x8xf32, #tpu.memory_space<hbm>>
      %dma_wait3A_47 = tpu.memref_squeeze %dma_wait3A_46 : memref<1x3136x8xf32, #tpu.memory_space<hbm>> -> memref<3136x8xf32, #tpu.memory_space<hbm>>
      %dma_wait3A_48 = arith.constant 0 : i32
      %dma_wait3A_49 = tpu.memref_slice %arg12[%mul3A_0, %dma_wait3A_48] : memref<50176x8xf32, #tpu.memory_space<vmem_shared>> -> memref<3136x8xf32, #tpu.memory_space<vmem_shared>>
      tpu.wait_dma2 semaphore(%run_scoped3A : memref<!tpu.dma_semaphore, #tpu.memory_space<semaphore_mem>>) src(%dma_wait3A_49 : memref<3136x8xf32, #tpu.memory_space<vmem_shared>>) dst(%dma_wait3A_47 : memref<3136x8xf32, #tpu.memory_space<hbm>>)
      tpu.yield
    }) : () -> ()
    return
  }
}

#map = affine_map<(d0, d1) -> (0, 0)>
#map1 = affine_map<(d0, d1) -> (0, 0, 0, 0)>
#map2 = affine_map<(d0, d1) -> (0, 0, 0)>
module attributes {stable_mosaic.version = 14 : i64} {
  func.func @prop_kernel(%arg0: i32, %arg1: i32, %arg2: memref<50176x32xbf16, #tpu.memory_space<hbm>>, %arg3: memref<2x16x196x128xi32, #tpu.memory_space<hbm>>, %arg4: memref<2x16x196x128xi32, #tpu.memory_space<hbm>>, %arg5: memref<128x32xbf16, #tpu.memory_space<hbm>>, %arg6: memref<2x50176x32xbf16, #tpu.memory_space<hbm>>, %arg7: memref<28x128xi32, #tpu.memory_space<vmem>>, %arg8: memref<28x128xi32, #tpu.memory_space<vmem>>, %arg9: memref<128x32xbf16, #tpu.memory_space<vmem>>, %arg10: memref<128x32xbf16, #tpu.memory_space<vmem>>, %arg11: memref<!tpu.dma_semaphore, #tpu.memory_space<semaphore_mem>>, %arg12: memref<!tpu.dma_semaphore, #tpu.memory_space<semaphore_mem>>, %arg13: memref<!tpu.dma_semaphore, #tpu.memory_space<semaphore_mem>>, %arg14: memref<!tpu.dma_semaphore, #tpu.memory_space<semaphore_mem>>, %arg15: memref<50176x32xbf16, #tpu.memory_space<vmem_shared>>) attributes {dimension_semantics = [#tpu.dimension_semantics<core_parallel>, #tpu.dimension_semantics<subcore_parallel>], iteration_bounds = array<i64: 2, 16>, scalar_prefetch = 0 : i64, scratch_operands = 9 : i64, tpu.core_type = #tpu.core_type<sc_vector_subcore>, window_params = [{transform_indices = #map}, {transform_indices = #map1}, {transform_indices = #map1}, {transform_indices = #map}, {transform_indices = #map2}]} {
    %mul3A = arith.constant 3136 : i32
    %mul3A_0 = arith.muli %arg1, %mul3A : i32
    "tpu.region"() ({
      %run_scoped3A = tpu.sem_alloc : memref<!tpu.dma_semaphore, #tpu.memory_space<semaphore_mem>>
      tpu.enqueue_dma source(%arg5 : memref<128x32xbf16, #tpu.memory_space<hbm>>) target(%arg9 : memref<128x32xbf16, #tpu.memory_space<vmem>>) target_semaphore(%run_scoped3A : memref<!tpu.dma_semaphore, #tpu.memory_space<semaphore_mem>>)
      tpu.wait_dma2 semaphore(%run_scoped3A : memref<!tpu.dma_semaphore, #tpu.memory_space<semaphore_mem>>) src(%arg5 : memref<128x32xbf16, #tpu.memory_space<hbm>>) dst(%arg9 : memref<128x32xbf16, #tpu.memory_space<vmem>>)
      tpu.yield
    }) : () -> ()
    %scan3A = arith.constant 0 : i32
    %scan3A_1 = arith.constant 0 : i32
    %scan3A_2 = arith.constant 24 : i32
    %scan3A_3 = arith.addi %scan3A_1, %scan3A_2 : i32
    %scan3A_4 = arith.constant 1 : i32
    scf.for %scan3A_27 = %scan3A_1 to %scan3A_3 step %scan3A_4  : i32 {
      %mul3A_28 = arith.constant 128 : i32
      %mul3A_29 = arith.muli %scan3A_27, %mul3A_28 : i32
      %add3A_30 = arith.addi %mul3A_0, %mul3A_29 : i32
      "tpu.region"() ({
        %run_scoped3A = tpu.sem_alloc : memref<!tpu.dma_semaphore, #tpu.memory_space<semaphore_mem>>
        %dma_start3A = arith.constant 0 : i32
        %dma_start3A_31 = tpu.memref_slice %arg15[%add3A_30, %dma_start3A] : memref<50176x32xbf16, #tpu.memory_space<vmem_shared>> -> memref<128x32xbf16, #tpu.memory_space<vmem_shared>>
        %dma_start3A_32 = arith.constant 0 : i32
        %dma_start3A_33 = tpu.memref_slice %arg15[%add3A_30, %dma_start3A_32] : memref<50176x32xbf16, #tpu.memory_space<vmem_shared>> -> memref<128x32xbf16, #tpu.memory_space<vmem_shared>>
        tpu.enqueue_dma source(%arg9 : memref<128x32xbf16, #tpu.memory_space<vmem>>) target(%dma_start3A_33 : memref<128x32xbf16, #tpu.memory_space<vmem_shared>>) target_semaphore(%run_scoped3A : memref<!tpu.dma_semaphore, #tpu.memory_space<semaphore_mem>>)
        %dma_wait3A_34 = arith.constant 0 : i32
        %dma_wait3A_35 = tpu.memref_slice %arg15[%add3A_30, %dma_wait3A_34] : memref<50176x32xbf16, #tpu.memory_space<vmem_shared>> -> memref<128x32xbf16, #tpu.memory_space<vmem_shared>>
        %dma_wait3A_36 = arith.constant 0 : i32
        %dma_wait3A_37 = tpu.memref_slice %arg15[%add3A_30, %dma_wait3A_36] : memref<50176x32xbf16, #tpu.memory_space<vmem_shared>> -> memref<128x32xbf16, #tpu.memory_space<vmem_shared>>
        tpu.wait_dma2 semaphore(%run_scoped3A : memref<!tpu.dma_semaphore, #tpu.memory_space<semaphore_mem>>) src(%arg9 : memref<128x32xbf16, #tpu.memory_space<vmem>>) dst(%dma_wait3A_37 : memref<128x32xbf16, #tpu.memory_space<vmem_shared>>)
        tpu.yield
      }) : () -> ()
    }
    %scan3A_5 = arith.constant 24 : i32
    %add3A = arith.constant 3072 : i32
    %add3A_6 = arith.addi %mul3A_0, %add3A : i32
    "tpu.region"() ({
      %run_scoped3A = tpu.sem_alloc : memref<!tpu.dma_semaphore, #tpu.memory_space<semaphore_mem>>
      %dma_start3A = arith.constant 0 : i32
      %dma_start3A_27 = arith.constant 0 : i32
      %dma_start3A_28 = tpu.memref_slice %arg9[%dma_start3A, %dma_start3A_27] : memref<128x32xbf16, #tpu.memory_space<vmem>> -> memref<64x32xbf16, #tpu.memory_space<vmem>>
      %dma_start3A_29 = arith.constant 0 : i32
      %dma_start3A_30 = tpu.memref_slice %arg15[%add3A_6, %dma_start3A_29] : memref<50176x32xbf16, #tpu.memory_space<vmem_shared>> -> memref<64x32xbf16, #tpu.memory_space<vmem_shared>>
      %dma_start3A_31 = arith.constant 0 : i32
      %dma_start3A_32 = tpu.memref_slice %arg15[%add3A_6, %dma_start3A_31] : memref<50176x32xbf16, #tpu.memory_space<vmem_shared>> -> memref<64x32xbf16, #tpu.memory_space<vmem_shared>>
      %dma_start3A_33 = arith.constant 0 : i32
      %dma_start3A_34 = arith.constant 0 : i32
      %dma_start3A_35 = tpu.memref_slice %arg9[%dma_start3A_33, %dma_start3A_34] : memref<128x32xbf16, #tpu.memory_space<vmem>> -> memref<64x32xbf16, #tpu.memory_space<vmem>>
      tpu.enqueue_dma source(%dma_start3A_35 : memref<64x32xbf16, #tpu.memory_space<vmem>>) target(%dma_start3A_32 : memref<64x32xbf16, #tpu.memory_space<vmem_shared>>) target_semaphore(%run_scoped3A : memref<!tpu.dma_semaphore, #tpu.memory_space<semaphore_mem>>)
      %dma_wait3A_36 = arith.constant 0 : i32
      %dma_wait3A_37 = arith.constant 0 : i32
      %dma_wait3A_38 = tpu.memref_slice %arg9[%dma_wait3A_36, %dma_wait3A_37] : memref<128x32xbf16, #tpu.memory_space<vmem>> -> memref<64x32xbf16, #tpu.memory_space<vmem>>
      %dma_wait3A_39 = arith.constant 0 : i32
      %dma_wait3A_40 = tpu.memref_slice %arg15[%add3A_6, %dma_wait3A_39] : memref<50176x32xbf16, #tpu.memory_space<vmem_shared>> -> memref<64x32xbf16, #tpu.memory_space<vmem_shared>>
      %dma_wait3A_41 = arith.constant 0 : i32
      %dma_wait3A_42 = tpu.memref_slice %arg15[%add3A_6, %dma_wait3A_41] : memref<50176x32xbf16, #tpu.memory_space<vmem_shared>> -> memref<64x32xbf16, #tpu.memory_space<vmem_shared>>
      %dma_wait3A_43 = arith.constant 0 : i32
      %dma_wait3A_44 = arith.constant 0 : i32
      %dma_wait3A_45 = tpu.memref_slice %arg9[%dma_wait3A_43, %dma_wait3A_44] : memref<128x32xbf16, #tpu.memory_space<vmem>> -> memref<64x32xbf16, #tpu.memory_space<vmem>>
      tpu.wait_dma2 semaphore(%run_scoped3A : memref<!tpu.dma_semaphore, #tpu.memory_space<semaphore_mem>>) src(%dma_wait3A_45 : memref<64x32xbf16, #tpu.memory_space<vmem>>) dst(%dma_wait3A_42 : memref<64x32xbf16, #tpu.memory_space<vmem_shared>>)
      tpu.yield
    }) : () -> ()
    %barrier3A = arith.constant 0 : index
    tpu.barrier barrier_id(%barrier3A)
    %scan3A_7 = arith.constant 0 : i32
    %scan3A_8 = arith.constant 0 : i32
    %scan3A_9 = arith.constant 7 : i32
    %scan3A_10 = arith.addi %scan3A_8, %scan3A_9 : i32
    %scan3A_11 = arith.constant 1 : i32
    scf.for %scan3A_27 = %scan3A_8 to %scan3A_10 step %scan3A_11  : i32 {
      %ge3A = arith.constant 1 : i32
      %ge3A_28 = arith.cmpi sge, %scan3A_27, %ge3A : i32
      %convert_element_type3A = arith.extui %ge3A_28 : i1 to i32
      %cond3A = arith.constant 0 : i32
      %cond3A_29 = arith.cmpi ne, %convert_element_type3A, %cond3A : i32
      scf.if %cond3A_29 {
        %dma_wait3A_38 = arith.constant 0 : i32
        %dma_wait3A_39 = arith.constant 0 : i32
        %dma_wait3A_40 = tpu.memref_slice %arg8[%dma_wait3A_38, %dma_wait3A_39] : memref<28x128xi32, #tpu.memory_space<vmem>> -> memref<1x128xi32, #tpu.memory_space<vmem>>
        %dma_wait3A_41 = tpu.memref_squeeze %dma_wait3A_40 : memref<1x128xi32, #tpu.memory_space<vmem>> -> memref<128xi32, #tpu.memory_space<vmem>>
        %dma_wait3A_42 = arith.constant 0 : i32
        %dma_wait3A_43 = arith.constant 0 : i32
        %dma_wait3A_44 = tpu.memref_slice %arg15[%dma_wait3A_42, %dma_wait3A_43] : memref<50176x32xbf16, #tpu.memory_space<vmem_shared>> -> memref<50176x32xbf16, #tpu.memory_space<vmem_shared>>
        tpu.wait_indirect_dma semaphore(%arg13 : memref<!tpu.dma_semaphore, #tpu.memory_space<semaphore_mem>>) src(%arg9 : memref<128x32xbf16, #tpu.memory_space<vmem>>) dst(%dma_wait3A_44 : memref<50176x32xbf16, #tpu.memory_space<vmem_shared>>)
        %dma_wait3A_45 = arith.constant 0 : i32
        %dma_wait3A_46 = arith.constant 0 : i32
        %dma_wait3A_47 = tpu.memref_slice %arg8[%dma_wait3A_45, %dma_wait3A_46] : memref<28x128xi32, #tpu.memory_space<vmem>> -> memref<1x128xi32, #tpu.memory_space<vmem>>
        %dma_wait3A_48 = tpu.memref_squeeze %dma_wait3A_47 : memref<1x128xi32, #tpu.memory_space<vmem>> -> memref<128xi32, #tpu.memory_space<vmem>>
        %dma_wait3A_49 = arith.constant 0 : i32
        %dma_wait3A_50 = arith.constant 0 : i32
        %dma_wait3A_51 = tpu.memref_slice %arg15[%dma_wait3A_49, %dma_wait3A_50] : memref<50176x32xbf16, #tpu.memory_space<vmem_shared>> -> memref<50176x32xbf16, #tpu.memory_space<vmem_shared>>
        tpu.wait_indirect_dma semaphore(%arg14 : memref<!tpu.dma_semaphore, #tpu.memory_space<semaphore_mem>>) src(%arg10 : memref<128x32xbf16, #tpu.memory_space<vmem>>) dst(%dma_wait3A_51 : memref<50176x32xbf16, #tpu.memory_space<vmem_shared>>)
      } else {
      }
      %mul3A_30 = arith.constant 28 : i32
      %mul3A_31 = arith.muli %scan3A_27, %mul3A_30 : i32
      "tpu.region"() ({
        %run_scoped3A = tpu.sem_alloc : memref<!tpu.dma_semaphore, #tpu.memory_space<semaphore_mem>>
        %dma_start3A = arith.constant 0 : i32
        %dma_start3A_38 = tpu.memref_slice %arg3[%arg0, %arg1, %mul3A_31, %dma_start3A] : memref<2x16x196x128xi32, #tpu.memory_space<hbm>> -> memref<1x1x28x128xi32, #tpu.memory_space<hbm>>
        %dma_start3A_39 = tpu.memref_squeeze %dma_start3A_38 : memref<1x1x28x128xi32, #tpu.memory_space<hbm>> -> memref<28x128xi32, #tpu.memory_space<hbm>>
        %dma_start3A_40 = arith.constant 0 : i32
        %dma_start3A_41 = tpu.memref_slice %arg3[%arg0, %arg1, %mul3A_31, %dma_start3A_40] : memref<2x16x196x128xi32, #tpu.memory_space<hbm>> -> memref<1x1x28x128xi32, #tpu.memory_space<hbm>>
        %dma_start3A_42 = tpu.memref_squeeze %dma_start3A_41 : memref<1x1x28x128xi32, #tpu.memory_space<hbm>> -> memref<28x128xi32, #tpu.memory_space<hbm>>
        tpu.enqueue_dma source(%dma_start3A_42 : memref<28x128xi32, #tpu.memory_space<hbm>>) target(%arg7 : memref<28x128xi32, #tpu.memory_space<vmem>>) target_semaphore(%run_scoped3A : memref<!tpu.dma_semaphore, #tpu.memory_space<semaphore_mem>>)
        %dma_wait3A_43 = arith.constant 0 : i32
        %dma_wait3A_44 = tpu.memref_slice %arg3[%arg0, %arg1, %mul3A_31, %dma_wait3A_43] : memref<2x16x196x128xi32, #tpu.memory_space<hbm>> -> memref<1x1x28x128xi32, #tpu.memory_space<hbm>>
        %dma_wait3A_45 = tpu.memref_squeeze %dma_wait3A_44 : memref<1x1x28x128xi32, #tpu.memory_space<hbm>> -> memref<28x128xi32, #tpu.memory_space<hbm>>
        %dma_wait3A_46 = arith.constant 0 : i32
        %dma_wait3A_47 = tpu.memref_slice %arg3[%arg0, %arg1, %mul3A_31, %dma_wait3A_46] : memref<2x16x196x128xi32, #tpu.memory_space<hbm>> -> memref<1x1x28x128xi32, #tpu.memory_space<hbm>>
        %dma_wait3A_48 = tpu.memref_squeeze %dma_wait3A_47 : memref<1x1x28x128xi32, #tpu.memory_space<hbm>> -> memref<28x128xi32, #tpu.memory_space<hbm>>
        tpu.wait_dma2 semaphore(%run_scoped3A : memref<!tpu.dma_semaphore, #tpu.memory_space<semaphore_mem>>) src(%dma_wait3A_48 : memref<28x128xi32, #tpu.memory_space<hbm>>) dst(%arg7 : memref<28x128xi32, #tpu.memory_space<vmem>>)
        tpu.yield
      }) : () -> ()
      "tpu.region"() ({
        %run_scoped3A = tpu.sem_alloc : memref<!tpu.dma_semaphore, #tpu.memory_space<semaphore_mem>>
        %dma_start3A = arith.constant 0 : i32
        %dma_start3A_38 = tpu.memref_slice %arg4[%arg0, %arg1, %mul3A_31, %dma_start3A] : memref<2x16x196x128xi32, #tpu.memory_space<hbm>> -> memref<1x1x28x128xi32, #tpu.memory_space<hbm>>
        %dma_start3A_39 = tpu.memref_squeeze %dma_start3A_38 : memref<1x1x28x128xi32, #tpu.memory_space<hbm>> -> memref<28x128xi32, #tpu.memory_space<hbm>>
        %dma_start3A_40 = arith.constant 0 : i32
        %dma_start3A_41 = tpu.memref_slice %arg4[%arg0, %arg1, %mul3A_31, %dma_start3A_40] : memref<2x16x196x128xi32, #tpu.memory_space<hbm>> -> memref<1x1x28x128xi32, #tpu.memory_space<hbm>>
        %dma_start3A_42 = tpu.memref_squeeze %dma_start3A_41 : memref<1x1x28x128xi32, #tpu.memory_space<hbm>> -> memref<28x128xi32, #tpu.memory_space<hbm>>
        tpu.enqueue_dma source(%dma_start3A_42 : memref<28x128xi32, #tpu.memory_space<hbm>>) target(%arg8 : memref<28x128xi32, #tpu.memory_space<vmem>>) target_semaphore(%run_scoped3A : memref<!tpu.dma_semaphore, #tpu.memory_space<semaphore_mem>>)
        %dma_wait3A_43 = arith.constant 0 : i32
        %dma_wait3A_44 = tpu.memref_slice %arg4[%arg0, %arg1, %mul3A_31, %dma_wait3A_43] : memref<2x16x196x128xi32, #tpu.memory_space<hbm>> -> memref<1x1x28x128xi32, #tpu.memory_space<hbm>>
        %dma_wait3A_45 = tpu.memref_squeeze %dma_wait3A_44 : memref<1x1x28x128xi32, #tpu.memory_space<hbm>> -> memref<28x128xi32, #tpu.memory_space<hbm>>
        %dma_wait3A_46 = arith.constant 0 : i32
        %dma_wait3A_47 = tpu.memref_slice %arg4[%arg0, %arg1, %mul3A_31, %dma_wait3A_46] : memref<2x16x196x128xi32, #tpu.memory_space<hbm>> -> memref<1x1x28x128xi32, #tpu.memory_space<hbm>>
        %dma_wait3A_48 = tpu.memref_squeeze %dma_wait3A_47 : memref<1x1x28x128xi32, #tpu.memory_space<hbm>> -> memref<28x128xi32, #tpu.memory_space<hbm>>
        tpu.wait_dma2 semaphore(%run_scoped3A : memref<!tpu.dma_semaphore, #tpu.memory_space<semaphore_mem>>) src(%dma_wait3A_48 : memref<28x128xi32, #tpu.memory_space<hbm>>) dst(%arg8 : memref<28x128xi32, #tpu.memory_space<vmem>>)
        tpu.yield
      }) : () -> ()
      %scan3A_32 = arith.constant 0 : i32
      %scan3A_33 = arith.constant 0 : i32
      %scan3A_34 = arith.constant 14 : i32
      %scan3A_35 = arith.addi %scan3A_33, %scan3A_34 : i32
      %scan3A_36 = arith.constant 1 : i32
      scf.for %scan3A_38 = %scan3A_33 to %scan3A_35 step %scan3A_36  : i32 {
        %ge3A_39 = arith.constant 1 : i32
        %ge3A_40 = arith.cmpi sge, %scan3A_38, %ge3A_39 : i32
        %convert_element_type3A_41 = arith.extui %ge3A_40 : i1 to i32
        %cond3A_42 = arith.constant 0 : i32
        %cond3A_43 = arith.cmpi ne, %convert_element_type3A_41, %cond3A_42 : i32
        scf.if %cond3A_43 {
          %dma_wait3A_96 = arith.constant 0 : i32
          %dma_wait3A_97 = arith.constant 0 : i32
          %dma_wait3A_98 = tpu.memref_slice %arg8[%dma_wait3A_96, %dma_wait3A_97] : memref<28x128xi32, #tpu.memory_space<vmem>> -> memref<1x128xi32, #tpu.memory_space<vmem>>
          %dma_wait3A_99 = tpu.memref_squeeze %dma_wait3A_98 : memref<1x128xi32, #tpu.memory_space<vmem>> -> memref<128xi32, #tpu.memory_space<vmem>>
          %dma_wait3A_100 = arith.constant 0 : i32
          %dma_wait3A_101 = arith.constant 0 : i32
          %dma_wait3A_102 = tpu.memref_slice %arg15[%dma_wait3A_100, %dma_wait3A_101] : memref<50176x32xbf16, #tpu.memory_space<vmem_shared>> -> memref<50176x32xbf16, #tpu.memory_space<vmem_shared>>
          tpu.wait_indirect_dma semaphore(%arg13 : memref<!tpu.dma_semaphore, #tpu.memory_space<semaphore_mem>>) src(%arg9 : memref<128x32xbf16, #tpu.memory_space<vmem>>) dst(%dma_wait3A_102 : memref<50176x32xbf16, #tpu.memory_space<vmem_shared>>)
        } else {
        }
        %mul3A_44 = arith.constant 2 : i32
        %mul3A_45 = arith.muli %mul3A_44, %scan3A_38 : i32
        %dma_start3A = arith.constant 0 : i32
        %dma_start3A_46 = tpu.memref_slice %arg7[%mul3A_45, %dma_start3A] : memref<28x128xi32, #tpu.memory_space<vmem>> -> memref<1x128xi32, #tpu.memory_space<vmem>>
        %dma_start3A_47 = tpu.memref_squeeze %dma_start3A_46 : memref<1x128xi32, #tpu.memory_space<vmem>> -> memref<128xi32, #tpu.memory_space<vmem>>
        %dma_start3A_48 = arith.constant 0 : i32
        %dma_start3A_49 = arith.constant 0 : i32
        %dma_start3A_50 = tpu.memref_slice %arg2[%dma_start3A_48, %dma_start3A_49] : memref<50176x32xbf16, #tpu.memory_space<hbm>> -> memref<50176x32xbf16, #tpu.memory_space<hbm>>
        tpu.enqueue_indirect_dma source(%dma_start3A_50 : memref<50176x32xbf16, #tpu.memory_space<hbm>>) target(%arg9 : memref<128x32xbf16, #tpu.memory_space<vmem>>) offsets(%dma_start3A_47 : memref<128xi32, #tpu.memory_space<vmem>>) semaphore(%arg11 : memref<!tpu.dma_semaphore, #tpu.memory_space<semaphore_mem>>)
        %ge3A_51 = arith.constant 1 : i32
        %ge3A_52 = arith.cmpi sge, %scan3A_38, %ge3A_51 : i32
        %convert_element_type3A_53 = arith.extui %ge3A_52 : i1 to i32
        %cond3A_54 = arith.constant 0 : i32
        %cond3A_55 = arith.cmpi ne, %convert_element_type3A_53, %cond3A_54 : i32
        scf.if %cond3A_55 {
          %dma_wait3A_96 = arith.constant 0 : i32
          %dma_wait3A_97 = arith.constant 0 : i32
          %dma_wait3A_98 = tpu.memref_slice %arg8[%dma_wait3A_96, %dma_wait3A_97] : memref<28x128xi32, #tpu.memory_space<vmem>> -> memref<1x128xi32, #tpu.memory_space<vmem>>
          %dma_wait3A_99 = tpu.memref_squeeze %dma_wait3A_98 : memref<1x128xi32, #tpu.memory_space<vmem>> -> memref<128xi32, #tpu.memory_space<vmem>>
          %dma_wait3A_100 = arith.constant 0 : i32
          %dma_wait3A_101 = arith.constant 0 : i32
          %dma_wait3A_102 = tpu.memref_slice %arg15[%dma_wait3A_100, %dma_wait3A_101] : memref<50176x32xbf16, #tpu.memory_space<vmem_shared>> -> memref<50176x32xbf16, #tpu.memory_space<vmem_shared>>
          tpu.wait_indirect_dma semaphore(%arg14 : memref<!tpu.dma_semaphore, #tpu.memory_space<semaphore_mem>>) src(%arg10 : memref<128x32xbf16, #tpu.memory_space<vmem>>) dst(%dma_wait3A_102 : memref<50176x32xbf16, #tpu.memory_space<vmem_shared>>)
        } else {
        }
        %mul3A_56 = arith.constant 2 : i32
        %mul3A_57 = arith.muli %mul3A_56, %scan3A_38 : i32
        %add3A_58 = arith.constant 1 : i32
        %add3A_59 = arith.addi %mul3A_57, %add3A_58 : i32
        %dma_start3A_60 = arith.constant 0 : i32
        %dma_start3A_61 = tpu.memref_slice %arg7[%add3A_59, %dma_start3A_60] : memref<28x128xi32, #tpu.memory_space<vmem>> -> memref<1x128xi32, #tpu.memory_space<vmem>>
        %dma_start3A_62 = tpu.memref_squeeze %dma_start3A_61 : memref<1x128xi32, #tpu.memory_space<vmem>> -> memref<128xi32, #tpu.memory_space<vmem>>
        %dma_start3A_63 = arith.constant 0 : i32
        %dma_start3A_64 = arith.constant 0 : i32
        %dma_start3A_65 = tpu.memref_slice %arg2[%dma_start3A_63, %dma_start3A_64] : memref<50176x32xbf16, #tpu.memory_space<hbm>> -> memref<50176x32xbf16, #tpu.memory_space<hbm>>
        tpu.enqueue_indirect_dma source(%dma_start3A_65 : memref<50176x32xbf16, #tpu.memory_space<hbm>>) target(%arg10 : memref<128x32xbf16, #tpu.memory_space<vmem>>) offsets(%dma_start3A_62 : memref<128xi32, #tpu.memory_space<vmem>>) semaphore(%arg12 : memref<!tpu.dma_semaphore, #tpu.memory_space<semaphore_mem>>)
        %dma_wait3A_66 = arith.constant 0 : i32
        %dma_wait3A_67 = tpu.memref_slice %arg7[%mul3A_45, %dma_wait3A_66] : memref<28x128xi32, #tpu.memory_space<vmem>> -> memref<1x128xi32, #tpu.memory_space<vmem>>
        %dma_wait3A_68 = tpu.memref_squeeze %dma_wait3A_67 : memref<1x128xi32, #tpu.memory_space<vmem>> -> memref<128xi32, #tpu.memory_space<vmem>>
        %dma_wait3A_69 = arith.constant 0 : i32
        %dma_wait3A_70 = arith.constant 0 : i32
        %dma_wait3A_71 = tpu.memref_slice %arg2[%dma_wait3A_69, %dma_wait3A_70] : memref<50176x32xbf16, #tpu.memory_space<hbm>> -> memref<50176x32xbf16, #tpu.memory_space<hbm>>
        tpu.wait_indirect_dma semaphore(%arg11 : memref<!tpu.dma_semaphore, #tpu.memory_space<semaphore_mem>>) src(%dma_wait3A_71 : memref<50176x32xbf16, #tpu.memory_space<hbm>>) dst(%arg9 : memref<128x32xbf16, #tpu.memory_space<vmem>>)
        %mul3A_72 = arith.constant 2 : i32
        %mul3A_73 = arith.muli %mul3A_72, %scan3A_38 : i32
        %dma_start3A_74 = arith.constant 0 : i32
        %dma_start3A_75 = tpu.memref_slice %arg8[%mul3A_73, %dma_start3A_74] : memref<28x128xi32, #tpu.memory_space<vmem>> -> memref<1x128xi32, #tpu.memory_space<vmem>>
        %dma_start3A_76 = tpu.memref_squeeze %dma_start3A_75 : memref<1x128xi32, #tpu.memory_space<vmem>> -> memref<128xi32, #tpu.memory_space<vmem>>
        %dma_start3A_77 = arith.constant 0 : i32
        %dma_start3A_78 = arith.constant 0 : i32
        %dma_start3A_79 = tpu.memref_slice %arg15[%dma_start3A_77, %dma_start3A_78] : memref<50176x32xbf16, #tpu.memory_space<vmem_shared>> -> memref<50176x32xbf16, #tpu.memory_space<vmem_shared>>
        tpu.enqueue_indirect_dma source(%arg9 : memref<128x32xbf16, #tpu.memory_space<vmem>>) target(%dma_start3A_79 : memref<50176x32xbf16, #tpu.memory_space<vmem_shared>>) offsets(%dma_start3A_76 : memref<128xi32, #tpu.memory_space<vmem>>) semaphore(%arg13 : memref<!tpu.dma_semaphore, #tpu.memory_space<semaphore_mem>>) {add = true}
        %dma_wait3A_80 = arith.constant 0 : i32
        %dma_wait3A_81 = tpu.memref_slice %arg7[%add3A_59, %dma_wait3A_80] : memref<28x128xi32, #tpu.memory_space<vmem>> -> memref<1x128xi32, #tpu.memory_space<vmem>>
        %dma_wait3A_82 = tpu.memref_squeeze %dma_wait3A_81 : memref<1x128xi32, #tpu.memory_space<vmem>> -> memref<128xi32, #tpu.memory_space<vmem>>
        %dma_wait3A_83 = arith.constant 0 : i32
        %dma_wait3A_84 = arith.constant 0 : i32
        %dma_wait3A_85 = tpu.memref_slice %arg2[%dma_wait3A_83, %dma_wait3A_84] : memref<50176x32xbf16, #tpu.memory_space<hbm>> -> memref<50176x32xbf16, #tpu.memory_space<hbm>>
        tpu.wait_indirect_dma semaphore(%arg12 : memref<!tpu.dma_semaphore, #tpu.memory_space<semaphore_mem>>) src(%dma_wait3A_85 : memref<50176x32xbf16, #tpu.memory_space<hbm>>) dst(%arg10 : memref<128x32xbf16, #tpu.memory_space<vmem>>)
        %mul3A_86 = arith.constant 2 : i32
        %mul3A_87 = arith.muli %mul3A_86, %scan3A_38 : i32
        %add3A_88 = arith.constant 1 : i32
        %add3A_89 = arith.addi %mul3A_87, %add3A_88 : i32
        %dma_start3A_90 = arith.constant 0 : i32
        %dma_start3A_91 = tpu.memref_slice %arg8[%add3A_89, %dma_start3A_90] : memref<28x128xi32, #tpu.memory_space<vmem>> -> memref<1x128xi32, #tpu.memory_space<vmem>>
        %dma_start3A_92 = tpu.memref_squeeze %dma_start3A_91 : memref<1x128xi32, #tpu.memory_space<vmem>> -> memref<128xi32, #tpu.memory_space<vmem>>
        %dma_start3A_93 = arith.constant 0 : i32
        %dma_start3A_94 = arith.constant 0 : i32
        %dma_start3A_95 = tpu.memref_slice %arg15[%dma_start3A_93, %dma_start3A_94] : memref<50176x32xbf16, #tpu.memory_space<vmem_shared>> -> memref<50176x32xbf16, #tpu.memory_space<vmem_shared>>
        tpu.enqueue_indirect_dma source(%arg10 : memref<128x32xbf16, #tpu.memory_space<vmem>>) target(%dma_start3A_95 : memref<50176x32xbf16, #tpu.memory_space<vmem_shared>>) offsets(%dma_start3A_92 : memref<128xi32, #tpu.memory_space<vmem>>) semaphore(%arg14 : memref<!tpu.dma_semaphore, #tpu.memory_space<semaphore_mem>>) {add = true}
      }
      %scan3A_37 = arith.constant 14 : i32
    }
    %scan3A_12 = arith.constant 7 : i32
    %dma_wait3A = arith.constant 0 : i32
    %dma_wait3A_13 = arith.constant 0 : i32
    %dma_wait3A_14 = tpu.memref_slice %arg8[%dma_wait3A, %dma_wait3A_13] : memref<28x128xi32, #tpu.memory_space<vmem>> -> memref<1x128xi32, #tpu.memory_space<vmem>>
    %dma_wait3A_15 = tpu.memref_squeeze %dma_wait3A_14 : memref<1x128xi32, #tpu.memory_space<vmem>> -> memref<128xi32, #tpu.memory_space<vmem>>
    %dma_wait3A_16 = arith.constant 0 : i32
    %dma_wait3A_17 = arith.constant 0 : i32
    %dma_wait3A_18 = tpu.memref_slice %arg15[%dma_wait3A_16, %dma_wait3A_17] : memref<50176x32xbf16, #tpu.memory_space<vmem_shared>> -> memref<50176x32xbf16, #tpu.memory_space<vmem_shared>>
    tpu.wait_indirect_dma semaphore(%arg13 : memref<!tpu.dma_semaphore, #tpu.memory_space<semaphore_mem>>) src(%arg9 : memref<128x32xbf16, #tpu.memory_space<vmem>>) dst(%dma_wait3A_18 : memref<50176x32xbf16, #tpu.memory_space<vmem_shared>>)
    %dma_wait3A_19 = arith.constant 0 : i32
    %dma_wait3A_20 = arith.constant 0 : i32
    %dma_wait3A_21 = tpu.memref_slice %arg8[%dma_wait3A_19, %dma_wait3A_20] : memref<28x128xi32, #tpu.memory_space<vmem>> -> memref<1x128xi32, #tpu.memory_space<vmem>>
    %dma_wait3A_22 = tpu.memref_squeeze %dma_wait3A_21 : memref<1x128xi32, #tpu.memory_space<vmem>> -> memref<128xi32, #tpu.memory_space<vmem>>
    %dma_wait3A_23 = arith.constant 0 : i32
    %dma_wait3A_24 = arith.constant 0 : i32
    %dma_wait3A_25 = tpu.memref_slice %arg15[%dma_wait3A_23, %dma_wait3A_24] : memref<50176x32xbf16, #tpu.memory_space<vmem_shared>> -> memref<50176x32xbf16, #tpu.memory_space<vmem_shared>>
    tpu.wait_indirect_dma semaphore(%arg14 : memref<!tpu.dma_semaphore, #tpu.memory_space<semaphore_mem>>) src(%arg10 : memref<128x32xbf16, #tpu.memory_space<vmem>>) dst(%dma_wait3A_25 : memref<50176x32xbf16, #tpu.memory_space<vmem_shared>>)
    %barrier3A_26 = arith.constant 0 : index
    tpu.barrier barrier_id(%barrier3A_26)
    "tpu.region"() ({
      %run_scoped3A = tpu.sem_alloc : memref<!tpu.dma_semaphore, #tpu.memory_space<semaphore_mem>>
      %dma_start3A = arith.constant 0 : i32
      %dma_start3A_27 = tpu.memref_slice %arg6[%arg0, %mul3A_0, %dma_start3A] : memref<2x50176x32xbf16, #tpu.memory_space<hbm>> -> memref<1x3136x32xbf16, #tpu.memory_space<hbm>>
      %dma_start3A_28 = tpu.memref_squeeze %dma_start3A_27 : memref<1x3136x32xbf16, #tpu.memory_space<hbm>> -> memref<3136x32xbf16, #tpu.memory_space<hbm>>
      %dma_start3A_29 = arith.constant 0 : i32
      %dma_start3A_30 = tpu.memref_slice %arg15[%mul3A_0, %dma_start3A_29] : memref<50176x32xbf16, #tpu.memory_space<vmem_shared>> -> memref<3136x32xbf16, #tpu.memory_space<vmem_shared>>
      tpu.enqueue_dma source(%dma_start3A_30 : memref<3136x32xbf16, #tpu.memory_space<vmem_shared>>) target(%dma_start3A_28 : memref<3136x32xbf16, #tpu.memory_space<hbm>>) target_semaphore(%run_scoped3A : memref<!tpu.dma_semaphore, #tpu.memory_space<semaphore_mem>>)
      %dma_wait3A_31 = arith.constant 0 : i32
      %dma_wait3A_32 = tpu.memref_slice %arg6[%arg0, %mul3A_0, %dma_wait3A_31] : memref<2x50176x32xbf16, #tpu.memory_space<hbm>> -> memref<1x3136x32xbf16, #tpu.memory_space<hbm>>
      %dma_wait3A_33 = tpu.memref_squeeze %dma_wait3A_32 : memref<1x3136x32xbf16, #tpu.memory_space<hbm>> -> memref<3136x32xbf16, #tpu.memory_space<hbm>>
      %dma_wait3A_34 = arith.constant 0 : i32
      %dma_wait3A_35 = tpu.memref_slice %arg15[%mul3A_0, %dma_wait3A_34] : memref<50176x32xbf16, #tpu.memory_space<vmem_shared>> -> memref<3136x32xbf16, #tpu.memory_space<vmem_shared>>
      tpu.wait_dma2 semaphore(%run_scoped3A : memref<!tpu.dma_semaphore, #tpu.memory_space<semaphore_mem>>) src(%dma_wait3A_35 : memref<3136x32xbf16, #tpu.memory_space<vmem_shared>>) dst(%dma_wait3A_33 : memref<3136x32xbf16, #tpu.memory_space<hbm>>)
      tpu.yield
    }) : () -> ()
    return
  }
}

#map = affine_map<(d0, d1) -> (0, 0)>
#map1 = affine_map<(d0, d1) -> (0, 0, 0, 0)>
#map2 = affine_map<(d0, d1) -> (0, 0, 0)>
module attributes {stable_mosaic.version = 14 : i64} {
  func.func @prop_kernel(%arg0: i32, %arg1: i32, %arg2: memref<50176x8xf32, #tpu.memory_space<hbm>>, %arg3: memref<2x16x196x128xi32, #tpu.memory_space<hbm>>, %arg4: memref<2x16x196x128xi32, #tpu.memory_space<hbm>>, %arg5: memref<128x8xf32, #tpu.memory_space<hbm>>, %arg6: memref<2x50176x8xf32, #tpu.memory_space<hbm>>, %arg7: memref<28x128xi32, #tpu.memory_space<vmem>>, %arg8: memref<28x128xi32, #tpu.memory_space<vmem>>, %arg9: memref<128x8xf32, #tpu.memory_space<vmem>>, %arg10: memref<128x8xf32, #tpu.memory_space<vmem>>, %arg11: memref<!tpu.dma_semaphore, #tpu.memory_space<semaphore_mem>>, %arg12: memref<!tpu.dma_semaphore, #tpu.memory_space<semaphore_mem>>, %arg13: memref<!tpu.dma_semaphore, #tpu.memory_space<semaphore_mem>>, %arg14: memref<!tpu.dma_semaphore, #tpu.memory_space<semaphore_mem>>, %arg15: memref<50176x8xf32, #tpu.memory_space<vmem_shared>>) attributes {dimension_semantics = [#tpu.dimension_semantics<core_parallel>, #tpu.dimension_semantics<subcore_parallel>], iteration_bounds = array<i64: 2, 16>, scalar_prefetch = 0 : i64, scratch_operands = 9 : i64, tpu.core_type = #tpu.core_type<sc_vector_subcore>, window_params = [{transform_indices = #map}, {transform_indices = #map1}, {transform_indices = #map1}, {transform_indices = #map}, {transform_indices = #map2}]} {
    %mul3A = arith.constant 3136 : i32
    %mul3A_0 = arith.muli %arg1, %mul3A : i32
    "tpu.region"() ({
      %run_scoped3A = tpu.sem_alloc : memref<!tpu.dma_semaphore, #tpu.memory_space<semaphore_mem>>
      tpu.enqueue_dma source(%arg5 : memref<128x8xf32, #tpu.memory_space<hbm>>) target(%arg9 : memref<128x8xf32, #tpu.memory_space<vmem>>) target_semaphore(%run_scoped3A : memref<!tpu.dma_semaphore, #tpu.memory_space<semaphore_mem>>)
      tpu.wait_dma2 semaphore(%run_scoped3A : memref<!tpu.dma_semaphore, #tpu.memory_space<semaphore_mem>>) src(%arg5 : memref<128x8xf32, #tpu.memory_space<hbm>>) dst(%arg9 : memref<128x8xf32, #tpu.memory_space<vmem>>)
      tpu.yield
    }) : () -> ()
    %scan3A = arith.constant 0 : i32
    %scan3A_1 = arith.constant 0 : i32
    %scan3A_2 = arith.constant 24 : i32
    %scan3A_3 = arith.addi %scan3A_1, %scan3A_2 : i32
    %scan3A_4 = arith.constant 1 : i32
    scf.for %scan3A_27 = %scan3A_1 to %scan3A_3 step %scan3A_4  : i32 {
      %mul3A_28 = arith.constant 128 : i32
      %mul3A_29 = arith.muli %scan3A_27, %mul3A_28 : i32
      %add3A_30 = arith.addi %mul3A_0, %mul3A_29 : i32
      "tpu.region"() ({
        %run_scoped3A = tpu.sem_alloc : memref<!tpu.dma_semaphore, #tpu.memory_space<semaphore_mem>>
        %dma_start3A = arith.constant 0 : i32
        %dma_start3A_31 = tpu.memref_slice %arg15[%add3A_30, %dma_start3A] : memref<50176x8xf32, #tpu.memory_space<vmem_shared>> -> memref<128x8xf32, #tpu.memory_space<vmem_shared>>
        %dma_start3A_32 = arith.constant 0 : i32
        %dma_start3A_33 = tpu.memref_slice %arg15[%add3A_30, %dma_start3A_32] : memref<50176x8xf32, #tpu.memory_space<vmem_shared>> -> memref<128x8xf32, #tpu.memory_space<vmem_shared>>
        tpu.enqueue_dma source(%arg9 : memref<128x8xf32, #tpu.memory_space<vmem>>) target(%dma_start3A_33 : memref<128x8xf32, #tpu.memory_space<vmem_shared>>) target_semaphore(%run_scoped3A : memref<!tpu.dma_semaphore, #tpu.memory_space<semaphore_mem>>)
        %dma_wait3A_34 = arith.constant 0 : i32
        %dma_wait3A_35 = tpu.memref_slice %arg15[%add3A_30, %dma_wait3A_34] : memref<50176x8xf32, #tpu.memory_space<vmem_shared>> -> memref<128x8xf32, #tpu.memory_space<vmem_shared>>
        %dma_wait3A_36 = arith.constant 0 : i32
        %dma_wait3A_37 = tpu.memref_slice %arg15[%add3A_30, %dma_wait3A_36] : memref<50176x8xf32, #tpu.memory_space<vmem_shared>> -> memref<128x8xf32, #tpu.memory_space<vmem_shared>>
        tpu.wait_dma2 semaphore(%run_scoped3A : memref<!tpu.dma_semaphore, #tpu.memory_space<semaphore_mem>>) src(%arg9 : memref<128x8xf32, #tpu.memory_space<vmem>>) dst(%dma_wait3A_37 : memref<128x8xf32, #tpu.memory_space<vmem_shared>>)
        tpu.yield
      }) : () -> ()
    }
    %scan3A_5 = arith.constant 24 : i32
    %add3A = arith.constant 3072 : i32
    %add3A_6 = arith.addi %mul3A_0, %add3A : i32
    "tpu.region"() ({
      %run_scoped3A = tpu.sem_alloc : memref<!tpu.dma_semaphore, #tpu.memory_space<semaphore_mem>>
      %dma_start3A = arith.constant 0 : i32
      %dma_start3A_27 = arith.constant 0 : i32
      %dma_start3A_28 = tpu.memref_slice %arg9[%dma_start3A, %dma_start3A_27] : memref<128x8xf32, #tpu.memory_space<vmem>> -> memref<64x8xf32, #tpu.memory_space<vmem>>
      %dma_start3A_29 = arith.constant 0 : i32
      %dma_start3A_30 = tpu.memref_slice %arg15[%add3A_6, %dma_start3A_29] : memref<50176x8xf32, #tpu.memory_space<vmem_shared>> -> memref<64x8xf32, #tpu.memory_space<vmem_shared>>
      %dma_start3A_31 = arith.constant 0 : i32
      %dma_start3A_32 = tpu.memref_slice %arg15[%add3A_6, %dma_start3A_31] : memref<50176x8xf32, #tpu.memory_space<vmem_shared>> -> memref<64x8xf32, #tpu.memory_space<vmem_shared>>
      %dma_start3A_33 = arith.constant 0 : i32
      %dma_start3A_34 = arith.constant 0 : i32
      %dma_start3A_35 = tpu.memref_slice %arg9[%dma_start3A_33, %dma_start3A_34] : memref<128x8xf32, #tpu.memory_space<vmem>> -> memref<64x8xf32, #tpu.memory_space<vmem>>
      tpu.enqueue_dma source(%dma_start3A_35 : memref<64x8xf32, #tpu.memory_space<vmem>>) target(%dma_start3A_32 : memref<64x8xf32, #tpu.memory_space<vmem_shared>>) target_semaphore(%run_scoped3A : memref<!tpu.dma_semaphore, #tpu.memory_space<semaphore_mem>>)
      %dma_wait3A_36 = arith.constant 0 : i32
      %dma_wait3A_37 = arith.constant 0 : i32
      %dma_wait3A_38 = tpu.memref_slice %arg9[%dma_wait3A_36, %dma_wait3A_37] : memref<128x8xf32, #tpu.memory_space<vmem>> -> memref<64x8xf32, #tpu.memory_space<vmem>>
      %dma_wait3A_39 = arith.constant 0 : i32
      %dma_wait3A_40 = tpu.memref_slice %arg15[%add3A_6, %dma_wait3A_39] : memref<50176x8xf32, #tpu.memory_space<vmem_shared>> -> memref<64x8xf32, #tpu.memory_space<vmem_shared>>
      %dma_wait3A_41 = arith.constant 0 : i32
      %dma_wait3A_42 = tpu.memref_slice %arg15[%add3A_6, %dma_wait3A_41] : memref<50176x8xf32, #tpu.memory_space<vmem_shared>> -> memref<64x8xf32, #tpu.memory_space<vmem_shared>>
      %dma_wait3A_43 = arith.constant 0 : i32
      %dma_wait3A_44 = arith.constant 0 : i32
      %dma_wait3A_45 = tpu.memref_slice %arg9[%dma_wait3A_43, %dma_wait3A_44] : memref<128x8xf32, #tpu.memory_space<vmem>> -> memref<64x8xf32, #tpu.memory_space<vmem>>
      tpu.wait_dma2 semaphore(%run_scoped3A : memref<!tpu.dma_semaphore, #tpu.memory_space<semaphore_mem>>) src(%dma_wait3A_45 : memref<64x8xf32, #tpu.memory_space<vmem>>) dst(%dma_wait3A_42 : memref<64x8xf32, #tpu.memory_space<vmem_shared>>)
      tpu.yield
    }) : () -> ()
    %barrier3A = arith.constant 0 : index
    tpu.barrier barrier_id(%barrier3A)
    %scan3A_7 = arith.constant 0 : i32
    %scan3A_8 = arith.constant 0 : i32
    %scan3A_9 = arith.constant 7 : i32
    %scan3A_10 = arith.addi %scan3A_8, %scan3A_9 : i32
    %scan3A_11 = arith.constant 1 : i32
    scf.for %scan3A_27 = %scan3A_8 to %scan3A_10 step %scan3A_11  : i32 {
      %ge3A = arith.constant 1 : i32
      %ge3A_28 = arith.cmpi sge, %scan3A_27, %ge3A : i32
      %convert_element_type3A = arith.extui %ge3A_28 : i1 to i32
      %cond3A = arith.constant 0 : i32
      %cond3A_29 = arith.cmpi ne, %convert_element_type3A, %cond3A : i32
      scf.if %cond3A_29 {
        %dma_wait3A_38 = arith.constant 0 : i32
        %dma_wait3A_39 = arith.constant 0 : i32
        %dma_wait3A_40 = tpu.memref_slice %arg8[%dma_wait3A_38, %dma_wait3A_39] : memref<28x128xi32, #tpu.memory_space<vmem>> -> memref<1x128xi32, #tpu.memory_space<vmem>>
        %dma_wait3A_41 = tpu.memref_squeeze %dma_wait3A_40 : memref<1x128xi32, #tpu.memory_space<vmem>> -> memref<128xi32, #tpu.memory_space<vmem>>
        %dma_wait3A_42 = arith.constant 0 : i32
        %dma_wait3A_43 = arith.constant 0 : i32
        %dma_wait3A_44 = tpu.memref_slice %arg15[%dma_wait3A_42, %dma_wait3A_43] : memref<50176x8xf32, #tpu.memory_space<vmem_shared>> -> memref<50176x8xf32, #tpu.memory_space<vmem_shared>>
        tpu.wait_indirect_dma semaphore(%arg13 : memref<!tpu.dma_semaphore, #tpu.memory_space<semaphore_mem>>) src(%arg9 : memref<128x8xf32, #tpu.memory_space<vmem>>) dst(%dma_wait3A_44 : memref<50176x8xf32, #tpu.memory_space<vmem_shared>>)
        %dma_wait3A_45 = arith.constant 0 : i32
        %dma_wait3A_46 = arith.constant 0 : i32
        %dma_wait3A_47 = tpu.memref_slice %arg8[%dma_wait3A_45, %dma_wait3A_46] : memref<28x128xi32, #tpu.memory_space<vmem>> -> memref<1x128xi32, #tpu.memory_space<vmem>>
        %dma_wait3A_48 = tpu.memref_squeeze %dma_wait3A_47 : memref<1x128xi32, #tpu.memory_space<vmem>> -> memref<128xi32, #tpu.memory_space<vmem>>
        %dma_wait3A_49 = arith.constant 0 : i32
        %dma_wait3A_50 = arith.constant 0 : i32
        %dma_wait3A_51 = tpu.memref_slice %arg15[%dma_wait3A_49, %dma_wait3A_50] : memref<50176x8xf32, #tpu.memory_space<vmem_shared>> -> memref<50176x8xf32, #tpu.memory_space<vmem_shared>>
        tpu.wait_indirect_dma semaphore(%arg14 : memref<!tpu.dma_semaphore, #tpu.memory_space<semaphore_mem>>) src(%arg10 : memref<128x8xf32, #tpu.memory_space<vmem>>) dst(%dma_wait3A_51 : memref<50176x8xf32, #tpu.memory_space<vmem_shared>>)
      } else {
      }
      %mul3A_30 = arith.constant 28 : i32
      %mul3A_31 = arith.muli %scan3A_27, %mul3A_30 : i32
      "tpu.region"() ({
        %run_scoped3A = tpu.sem_alloc : memref<!tpu.dma_semaphore, #tpu.memory_space<semaphore_mem>>
        %dma_start3A = arith.constant 0 : i32
        %dma_start3A_38 = tpu.memref_slice %arg3[%arg0, %arg1, %mul3A_31, %dma_start3A] : memref<2x16x196x128xi32, #tpu.memory_space<hbm>> -> memref<1x1x28x128xi32, #tpu.memory_space<hbm>>
        %dma_start3A_39 = tpu.memref_squeeze %dma_start3A_38 : memref<1x1x28x128xi32, #tpu.memory_space<hbm>> -> memref<28x128xi32, #tpu.memory_space<hbm>>
        %dma_start3A_40 = arith.constant 0 : i32
        %dma_start3A_41 = tpu.memref_slice %arg3[%arg0, %arg1, %mul3A_31, %dma_start3A_40] : memref<2x16x196x128xi32, #tpu.memory_space<hbm>> -> memref<1x1x28x128xi32, #tpu.memory_space<hbm>>
        %dma_start3A_42 = tpu.memref_squeeze %dma_start3A_41 : memref<1x1x28x128xi32, #tpu.memory_space<hbm>> -> memref<28x128xi32, #tpu.memory_space<hbm>>
        tpu.enqueue_dma source(%dma_start3A_42 : memref<28x128xi32, #tpu.memory_space<hbm>>) target(%arg7 : memref<28x128xi32, #tpu.memory_space<vmem>>) target_semaphore(%run_scoped3A : memref<!tpu.dma_semaphore, #tpu.memory_space<semaphore_mem>>)
        %dma_wait3A_43 = arith.constant 0 : i32
        %dma_wait3A_44 = tpu.memref_slice %arg3[%arg0, %arg1, %mul3A_31, %dma_wait3A_43] : memref<2x16x196x128xi32, #tpu.memory_space<hbm>> -> memref<1x1x28x128xi32, #tpu.memory_space<hbm>>
        %dma_wait3A_45 = tpu.memref_squeeze %dma_wait3A_44 : memref<1x1x28x128xi32, #tpu.memory_space<hbm>> -> memref<28x128xi32, #tpu.memory_space<hbm>>
        %dma_wait3A_46 = arith.constant 0 : i32
        %dma_wait3A_47 = tpu.memref_slice %arg3[%arg0, %arg1, %mul3A_31, %dma_wait3A_46] : memref<2x16x196x128xi32, #tpu.memory_space<hbm>> -> memref<1x1x28x128xi32, #tpu.memory_space<hbm>>
        %dma_wait3A_48 = tpu.memref_squeeze %dma_wait3A_47 : memref<1x1x28x128xi32, #tpu.memory_space<hbm>> -> memref<28x128xi32, #tpu.memory_space<hbm>>
        tpu.wait_dma2 semaphore(%run_scoped3A : memref<!tpu.dma_semaphore, #tpu.memory_space<semaphore_mem>>) src(%dma_wait3A_48 : memref<28x128xi32, #tpu.memory_space<hbm>>) dst(%arg7 : memref<28x128xi32, #tpu.memory_space<vmem>>)
        tpu.yield
      }) : () -> ()
      "tpu.region"() ({
        %run_scoped3A = tpu.sem_alloc : memref<!tpu.dma_semaphore, #tpu.memory_space<semaphore_mem>>
        %dma_start3A = arith.constant 0 : i32
        %dma_start3A_38 = tpu.memref_slice %arg4[%arg0, %arg1, %mul3A_31, %dma_start3A] : memref<2x16x196x128xi32, #tpu.memory_space<hbm>> -> memref<1x1x28x128xi32, #tpu.memory_space<hbm>>
        %dma_start3A_39 = tpu.memref_squeeze %dma_start3A_38 : memref<1x1x28x128xi32, #tpu.memory_space<hbm>> -> memref<28x128xi32, #tpu.memory_space<hbm>>
        %dma_start3A_40 = arith.constant 0 : i32
        %dma_start3A_41 = tpu.memref_slice %arg4[%arg0, %arg1, %mul3A_31, %dma_start3A_40] : memref<2x16x196x128xi32, #tpu.memory_space<hbm>> -> memref<1x1x28x128xi32, #tpu.memory_space<hbm>>
        %dma_start3A_42 = tpu.memref_squeeze %dma_start3A_41 : memref<1x1x28x128xi32, #tpu.memory_space<hbm>> -> memref<28x128xi32, #tpu.memory_space<hbm>>
        tpu.enqueue_dma source(%dma_start3A_42 : memref<28x128xi32, #tpu.memory_space<hbm>>) target(%arg8 : memref<28x128xi32, #tpu.memory_space<vmem>>) target_semaphore(%run_scoped3A : memref<!tpu.dma_semaphore, #tpu.memory_space<semaphore_mem>>)
        %dma_wait3A_43 = arith.constant 0 : i32
        %dma_wait3A_44 = tpu.memref_slice %arg4[%arg0, %arg1, %mul3A_31, %dma_wait3A_43] : memref<2x16x196x128xi32, #tpu.memory_space<hbm>> -> memref<1x1x28x128xi32, #tpu.memory_space<hbm>>
        %dma_wait3A_45 = tpu.memref_squeeze %dma_wait3A_44 : memref<1x1x28x128xi32, #tpu.memory_space<hbm>> -> memref<28x128xi32, #tpu.memory_space<hbm>>
        %dma_wait3A_46 = arith.constant 0 : i32
        %dma_wait3A_47 = tpu.memref_slice %arg4[%arg0, %arg1, %mul3A_31, %dma_wait3A_46] : memref<2x16x196x128xi32, #tpu.memory_space<hbm>> -> memref<1x1x28x128xi32, #tpu.memory_space<hbm>>
        %dma_wait3A_48 = tpu.memref_squeeze %dma_wait3A_47 : memref<1x1x28x128xi32, #tpu.memory_space<hbm>> -> memref<28x128xi32, #tpu.memory_space<hbm>>
        tpu.wait_dma2 semaphore(%run_scoped3A : memref<!tpu.dma_semaphore, #tpu.memory_space<semaphore_mem>>) src(%dma_wait3A_48 : memref<28x128xi32, #tpu.memory_space<hbm>>) dst(%arg8 : memref<28x128xi32, #tpu.memory_space<vmem>>)
        tpu.yield
      }) : () -> ()
      %scan3A_32 = arith.constant 0 : i32
      %scan3A_33 = arith.constant 0 : i32
      %scan3A_34 = arith.constant 14 : i32
      %scan3A_35 = arith.addi %scan3A_33, %scan3A_34 : i32
      %scan3A_36 = arith.constant 1 : i32
      scf.for %scan3A_38 = %scan3A_33 to %scan3A_35 step %scan3A_36  : i32 {
        %ge3A_39 = arith.constant 1 : i32
        %ge3A_40 = arith.cmpi sge, %scan3A_38, %ge3A_39 : i32
        %convert_element_type3A_41 = arith.extui %ge3A_40 : i1 to i32
        %cond3A_42 = arith.constant 0 : i32
        %cond3A_43 = arith.cmpi ne, %convert_element_type3A_41, %cond3A_42 : i32
        scf.if %cond3A_43 {
          %dma_wait3A_96 = arith.constant 0 : i32
          %dma_wait3A_97 = arith.constant 0 : i32
          %dma_wait3A_98 = tpu.memref_slice %arg8[%dma_wait3A_96, %dma_wait3A_97] : memref<28x128xi32, #tpu.memory_space<vmem>> -> memref<1x128xi32, #tpu.memory_space<vmem>>
          %dma_wait3A_99 = tpu.memref_squeeze %dma_wait3A_98 : memref<1x128xi32, #tpu.memory_space<vmem>> -> memref<128xi32, #tpu.memory_space<vmem>>
          %dma_wait3A_100 = arith.constant 0 : i32
          %dma_wait3A_101 = arith.constant 0 : i32
          %dma_wait3A_102 = tpu.memref_slice %arg15[%dma_wait3A_100, %dma_wait3A_101] : memref<50176x8xf32, #tpu.memory_space<vmem_shared>> -> memref<50176x8xf32, #tpu.memory_space<vmem_shared>>
          tpu.wait_indirect_dma semaphore(%arg13 : memref<!tpu.dma_semaphore, #tpu.memory_space<semaphore_mem>>) src(%arg9 : memref<128x8xf32, #tpu.memory_space<vmem>>) dst(%dma_wait3A_102 : memref<50176x8xf32, #tpu.memory_space<vmem_shared>>)
        } else {
        }
        %mul3A_44 = arith.constant 2 : i32
        %mul3A_45 = arith.muli %mul3A_44, %scan3A_38 : i32
        %dma_start3A = arith.constant 0 : i32
        %dma_start3A_46 = tpu.memref_slice %arg7[%mul3A_45, %dma_start3A] : memref<28x128xi32, #tpu.memory_space<vmem>> -> memref<1x128xi32, #tpu.memory_space<vmem>>
        %dma_start3A_47 = tpu.memref_squeeze %dma_start3A_46 : memref<1x128xi32, #tpu.memory_space<vmem>> -> memref<128xi32, #tpu.memory_space<vmem>>
        %dma_start3A_48 = arith.constant 0 : i32
        %dma_start3A_49 = arith.constant 0 : i32
        %dma_start3A_50 = tpu.memref_slice %arg2[%dma_start3A_48, %dma_start3A_49] : memref<50176x8xf32, #tpu.memory_space<hbm>> -> memref<50176x8xf32, #tpu.memory_space<hbm>>
        tpu.enqueue_indirect_dma source(%dma_start3A_50 : memref<50176x8xf32, #tpu.memory_space<hbm>>) target(%arg9 : memref<128x8xf32, #tpu.memory_space<vmem>>) offsets(%dma_start3A_47 : memref<128xi32, #tpu.memory_space<vmem>>) semaphore(%arg11 : memref<!tpu.dma_semaphore, #tpu.memory_space<semaphore_mem>>)
        %ge3A_51 = arith.constant 1 : i32
        %ge3A_52 = arith.cmpi sge, %scan3A_38, %ge3A_51 : i32
        %convert_element_type3A_53 = arith.extui %ge3A_52 : i1 to i32
        %cond3A_54 = arith.constant 0 : i32
        %cond3A_55 = arith.cmpi ne, %convert_element_type3A_53, %cond3A_54 : i32
        scf.if %cond3A_55 {
          %dma_wait3A_96 = arith.constant 0 : i32
          %dma_wait3A_97 = arith.constant 0 : i32
          %dma_wait3A_98 = tpu.memref_slice %arg8[%dma_wait3A_96, %dma_wait3A_97] : memref<28x128xi32, #tpu.memory_space<vmem>> -> memref<1x128xi32, #tpu.memory_space<vmem>>
          %dma_wait3A_99 = tpu.memref_squeeze %dma_wait3A_98 : memref<1x128xi32, #tpu.memory_space<vmem>> -> memref<128xi32, #tpu.memory_space<vmem>>
          %dma_wait3A_100 = arith.constant 0 : i32
          %dma_wait3A_101 = arith.constant 0 : i32
          %dma_wait3A_102 = tpu.memref_slice %arg15[%dma_wait3A_100, %dma_wait3A_101] : memref<50176x8xf32, #tpu.memory_space<vmem_shared>> -> memref<50176x8xf32, #tpu.memory_space<vmem_shared>>
          tpu.wait_indirect_dma semaphore(%arg14 : memref<!tpu.dma_semaphore, #tpu.memory_space<semaphore_mem>>) src(%arg10 : memref<128x8xf32, #tpu.memory_space<vmem>>) dst(%dma_wait3A_102 : memref<50176x8xf32, #tpu.memory_space<vmem_shared>>)
        } else {
        }
        %mul3A_56 = arith.constant 2 : i32
        %mul3A_57 = arith.muli %mul3A_56, %scan3A_38 : i32
        %add3A_58 = arith.constant 1 : i32
        %add3A_59 = arith.addi %mul3A_57, %add3A_58 : i32
        %dma_start3A_60 = arith.constant 0 : i32
        %dma_start3A_61 = tpu.memref_slice %arg7[%add3A_59, %dma_start3A_60] : memref<28x128xi32, #tpu.memory_space<vmem>> -> memref<1x128xi32, #tpu.memory_space<vmem>>
        %dma_start3A_62 = tpu.memref_squeeze %dma_start3A_61 : memref<1x128xi32, #tpu.memory_space<vmem>> -> memref<128xi32, #tpu.memory_space<vmem>>
        %dma_start3A_63 = arith.constant 0 : i32
        %dma_start3A_64 = arith.constant 0 : i32
        %dma_start3A_65 = tpu.memref_slice %arg2[%dma_start3A_63, %dma_start3A_64] : memref<50176x8xf32, #tpu.memory_space<hbm>> -> memref<50176x8xf32, #tpu.memory_space<hbm>>
        tpu.enqueue_indirect_dma source(%dma_start3A_65 : memref<50176x8xf32, #tpu.memory_space<hbm>>) target(%arg10 : memref<128x8xf32, #tpu.memory_space<vmem>>) offsets(%dma_start3A_62 : memref<128xi32, #tpu.memory_space<vmem>>) semaphore(%arg12 : memref<!tpu.dma_semaphore, #tpu.memory_space<semaphore_mem>>)
        %dma_wait3A_66 = arith.constant 0 : i32
        %dma_wait3A_67 = tpu.memref_slice %arg7[%mul3A_45, %dma_wait3A_66] : memref<28x128xi32, #tpu.memory_space<vmem>> -> memref<1x128xi32, #tpu.memory_space<vmem>>
        %dma_wait3A_68 = tpu.memref_squeeze %dma_wait3A_67 : memref<1x128xi32, #tpu.memory_space<vmem>> -> memref<128xi32, #tpu.memory_space<vmem>>
        %dma_wait3A_69 = arith.constant 0 : i32
        %dma_wait3A_70 = arith.constant 0 : i32
        %dma_wait3A_71 = tpu.memref_slice %arg2[%dma_wait3A_69, %dma_wait3A_70] : memref<50176x8xf32, #tpu.memory_space<hbm>> -> memref<50176x8xf32, #tpu.memory_space<hbm>>
        tpu.wait_indirect_dma semaphore(%arg11 : memref<!tpu.dma_semaphore, #tpu.memory_space<semaphore_mem>>) src(%dma_wait3A_71 : memref<50176x8xf32, #tpu.memory_space<hbm>>) dst(%arg9 : memref<128x8xf32, #tpu.memory_space<vmem>>)
        %mul3A_72 = arith.constant 2 : i32
        %mul3A_73 = arith.muli %mul3A_72, %scan3A_38 : i32
        %dma_start3A_74 = arith.constant 0 : i32
        %dma_start3A_75 = tpu.memref_slice %arg8[%mul3A_73, %dma_start3A_74] : memref<28x128xi32, #tpu.memory_space<vmem>> -> memref<1x128xi32, #tpu.memory_space<vmem>>
        %dma_start3A_76 = tpu.memref_squeeze %dma_start3A_75 : memref<1x128xi32, #tpu.memory_space<vmem>> -> memref<128xi32, #tpu.memory_space<vmem>>
        %dma_start3A_77 = arith.constant 0 : i32
        %dma_start3A_78 = arith.constant 0 : i32
        %dma_start3A_79 = tpu.memref_slice %arg15[%dma_start3A_77, %dma_start3A_78] : memref<50176x8xf32, #tpu.memory_space<vmem_shared>> -> memref<50176x8xf32, #tpu.memory_space<vmem_shared>>
        tpu.enqueue_indirect_dma source(%arg9 : memref<128x8xf32, #tpu.memory_space<vmem>>) target(%dma_start3A_79 : memref<50176x8xf32, #tpu.memory_space<vmem_shared>>) offsets(%dma_start3A_76 : memref<128xi32, #tpu.memory_space<vmem>>) semaphore(%arg13 : memref<!tpu.dma_semaphore, #tpu.memory_space<semaphore_mem>>) {add = true}
        %dma_wait3A_80 = arith.constant 0 : i32
        %dma_wait3A_81 = tpu.memref_slice %arg7[%add3A_59, %dma_wait3A_80] : memref<28x128xi32, #tpu.memory_space<vmem>> -> memref<1x128xi32, #tpu.memory_space<vmem>>
        %dma_wait3A_82 = tpu.memref_squeeze %dma_wait3A_81 : memref<1x128xi32, #tpu.memory_space<vmem>> -> memref<128xi32, #tpu.memory_space<vmem>>
        %dma_wait3A_83 = arith.constant 0 : i32
        %dma_wait3A_84 = arith.constant 0 : i32
        %dma_wait3A_85 = tpu.memref_slice %arg2[%dma_wait3A_83, %dma_wait3A_84] : memref<50176x8xf32, #tpu.memory_space<hbm>> -> memref<50176x8xf32, #tpu.memory_space<hbm>>
        tpu.wait_indirect_dma semaphore(%arg12 : memref<!tpu.dma_semaphore, #tpu.memory_space<semaphore_mem>>) src(%dma_wait3A_85 : memref<50176x8xf32, #tpu.memory_space<hbm>>) dst(%arg10 : memref<128x8xf32, #tpu.memory_space<vmem>>)
        %mul3A_86 = arith.constant 2 : i32
        %mul3A_87 = arith.muli %mul3A_86, %scan3A_38 : i32
        %add3A_88 = arith.constant 1 : i32
        %add3A_89 = arith.addi %mul3A_87, %add3A_88 : i32
        %dma_start3A_90 = arith.constant 0 : i32
        %dma_start3A_91 = tpu.memref_slice %arg8[%add3A_89, %dma_start3A_90] : memref<28x128xi32, #tpu.memory_space<vmem>> -> memref<1x128xi32, #tpu.memory_space<vmem>>
        %dma_start3A_92 = tpu.memref_squeeze %dma_start3A_91 : memref<1x128xi32, #tpu.memory_space<vmem>> -> memref<128xi32, #tpu.memory_space<vmem>>
        %dma_start3A_93 = arith.constant 0 : i32
        %dma_start3A_94 = arith.constant 0 : i32
        %dma_start3A_95 = tpu.memref_slice %arg15[%dma_start3A_93, %dma_start3A_94] : memref<50176x8xf32, #tpu.memory_space<vmem_shared>> -> memref<50176x8xf32, #tpu.memory_space<vmem_shared>>
        tpu.enqueue_indirect_dma source(%arg10 : memref<128x8xf32, #tpu.memory_space<vmem>>) target(%dma_start3A_95 : memref<50176x8xf32, #tpu.memory_space<vmem_shared>>) offsets(%dma_start3A_92 : memref<128xi32, #tpu.memory_space<vmem>>) semaphore(%arg14 : memref<!tpu.dma_semaphore, #tpu.memory_space<semaphore_mem>>) {add = true}
      }
      %scan3A_37 = arith.constant 14 : i32
    }
    %scan3A_12 = arith.constant 7 : i32
    %dma_wait3A = arith.constant 0 : i32
    %dma_wait3A_13 = arith.constant 0 : i32
    %dma_wait3A_14 = tpu.memref_slice %arg8[%dma_wait3A, %dma_wait3A_13] : memref<28x128xi32, #tpu.memory_space<vmem>> -> memref<1x128xi32, #tpu.memory_space<vmem>>
    %dma_wait3A_15 = tpu.memref_squeeze %dma_wait3A_14 : memref<1x128xi32, #tpu.memory_space<vmem>> -> memref<128xi32, #tpu.memory_space<vmem>>
    %dma_wait3A_16 = arith.constant 0 : i32
    %dma_wait3A_17 = arith.constant 0 : i32
    %dma_wait3A_18 = tpu.memref_slice %arg15[%dma_wait3A_16, %dma_wait3A_17] : memref<50176x8xf32, #tpu.memory_space<vmem_shared>> -> memref<50176x8xf32, #tpu.memory_space<vmem_shared>>
    tpu.wait_indirect_dma semaphore(%arg13 : memref<!tpu.dma_semaphore, #tpu.memory_space<semaphore_mem>>) src(%arg9 : memref<128x8xf32, #tpu.memory_space<vmem>>) dst(%dma_wait3A_18 : memref<50176x8xf32, #tpu.memory_space<vmem_shared>>)
    %dma_wait3A_19 = arith.constant 0 : i32
    %dma_wait3A_20 = arith.constant 0 : i32
    %dma_wait3A_21 = tpu.memref_slice %arg8[%dma_wait3A_19, %dma_wait3A_20] : memref<28x128xi32, #tpu.memory_space<vmem>> -> memref<1x128xi32, #tpu.memory_space<vmem>>
    %dma_wait3A_22 = tpu.memref_squeeze %dma_wait3A_21 : memref<1x128xi32, #tpu.memory_space<vmem>> -> memref<128xi32, #tpu.memory_space<vmem>>
    %dma_wait3A_23 = arith.constant 0 : i32
    %dma_wait3A_24 = arith.constant 0 : i32
    %dma_wait3A_25 = tpu.memref_slice %arg15[%dma_wait3A_23, %dma_wait3A_24] : memref<50176x8xf32, #tpu.memory_space<vmem_shared>> -> memref<50176x8xf32, #tpu.memory_space<vmem_shared>>
    tpu.wait_indirect_dma semaphore(%arg14 : memref<!tpu.dma_semaphore, #tpu.memory_space<semaphore_mem>>) src(%arg10 : memref<128x8xf32, #tpu.memory_space<vmem>>) dst(%dma_wait3A_25 : memref<50176x8xf32, #tpu.memory_space<vmem_shared>>)
    %barrier3A_26 = arith.constant 0 : index
    tpu.barrier barrier_id(%barrier3A_26)
    "tpu.region"() ({
      %run_scoped3A = tpu.sem_alloc : memref<!tpu.dma_semaphore, #tpu.memory_space<semaphore_mem>>
      %dma_start3A = arith.constant 0 : i32
      %dma_start3A_27 = tpu.memref_slice %arg6[%arg0, %mul3A_0, %dma_start3A] : memref<2x50176x8xf32, #tpu.memory_space<hbm>> -> memref<1x3136x8xf32, #tpu.memory_space<hbm>>
      %dma_start3A_28 = tpu.memref_squeeze %dma_start3A_27 : memref<1x3136x8xf32, #tpu.memory_space<hbm>> -> memref<3136x8xf32, #tpu.memory_space<hbm>>
      %dma_start3A_29 = arith.constant 0 : i32
      %dma_start3A_30 = tpu.memref_slice %arg15[%mul3A_0, %dma_start3A_29] : memref<50176x8xf32, #tpu.memory_space<vmem_shared>> -> memref<3136x8xf32, #tpu.memory_space<vmem_shared>>
      tpu.enqueue_dma source(%dma_start3A_30 : memref<3136x8xf32, #tpu.memory_space<vmem_shared>>) target(%dma_start3A_28 : memref<3136x8xf32, #tpu.memory_space<hbm>>) target_semaphore(%run_scoped3A : memref<!tpu.dma_semaphore, #tpu.memory_space<semaphore_mem>>)
      %dma_wait3A_31 = arith.constant 0 : i32
      %dma_wait3A_32 = tpu.memref_slice %arg6[%arg0, %mul3A_0, %dma_wait3A_31] : memref<2x50176x8xf32, #tpu.memory_space<hbm>> -> memref<1x3136x8xf32, #tpu.memory_space<hbm>>
      %dma_wait3A_33 = tpu.memref_squeeze %dma_wait3A_32 : memref<1x3136x8xf32, #tpu.memory_space<hbm>> -> memref<3136x8xf32, #tpu.memory_space<hbm>>
      %dma_wait3A_34 = arith.constant 0 : i32
      %dma_wait3A_35 = tpu.memref_slice %arg15[%mul3A_0, %dma_wait3A_34] : memref<50176x8xf32, #tpu.memory_space<vmem_shared>> -> memref<3136x8xf32, #tpu.memory_space<vmem_shared>>
      tpu.wait_dma2 semaphore(%run_scoped3A : memref<!tpu.dma_semaphore, #tpu.memory_space<semaphore_mem>>) src(%dma_wait3A_35 : memref<3136x8xf32, #tpu.memory_space<vmem_shared>>) dst(%dma_wait3A_33 : memref<3136x8xf32, #tpu.memory_space<hbm>>)
      tpu.yield
    }) : () -> ()
    return
  }
}

#map = affine_map<(d0, d1) -> (0, 0)>
#map1 = affine_map<(d0, d1) -> (0, 0, 0, 0)>
#map2 = affine_map<(d0, d1) -> (0, 0, 0)>
module attributes {stable_mosaic.version = 14 : i64} {
  func.func @prop_kernel(%arg0: i32, %arg1: i32, %arg2: memref<50176x64xbf16, #tpu.memory_space<hbm>>, %arg3: memref<2x16x196x128xi32, #tpu.memory_space<hbm>>, %arg4: memref<2x16x196x128xi32, #tpu.memory_space<hbm>>, %arg5: memref<128x64xbf16, #tpu.memory_space<hbm>>, %arg6: memref<2x50176x64xbf16, #tpu.memory_space<hbm>>, %arg7: memref<28x128xi32, #tpu.memory_space<vmem>>, %arg8: memref<28x128xi32, #tpu.memory_space<vmem>>, %arg9: memref<128x64xbf16, #tpu.memory_space<vmem>>, %arg10: memref<128x64xbf16, #tpu.memory_space<vmem>>, %arg11: memref<!tpu.dma_semaphore, #tpu.memory_space<semaphore_mem>>, %arg12: memref<!tpu.dma_semaphore, #tpu.memory_space<semaphore_mem>>, %arg13: memref<!tpu.dma_semaphore, #tpu.memory_space<semaphore_mem>>, %arg14: memref<!tpu.dma_semaphore, #tpu.memory_space<semaphore_mem>>, %arg15: memref<50176x64xbf16, #tpu.memory_space<vmem_shared>>) attributes {dimension_semantics = [#tpu.dimension_semantics<core_parallel>, #tpu.dimension_semantics<subcore_parallel>], iteration_bounds = array<i64: 2, 16>, scalar_prefetch = 0 : i64, scratch_operands = 9 : i64, tpu.core_type = #tpu.core_type<sc_vector_subcore>, window_params = [{transform_indices = #map}, {transform_indices = #map1}, {transform_indices = #map1}, {transform_indices = #map}, {transform_indices = #map2}]} {
    %mul3A = arith.constant 3136 : i32
    %mul3A_0 = arith.muli %arg1, %mul3A : i32
    "tpu.region"() ({
      %run_scoped3A = tpu.sem_alloc : memref<!tpu.dma_semaphore, #tpu.memory_space<semaphore_mem>>
      tpu.enqueue_dma source(%arg5 : memref<128x64xbf16, #tpu.memory_space<hbm>>) target(%arg9 : memref<128x64xbf16, #tpu.memory_space<vmem>>) target_semaphore(%run_scoped3A : memref<!tpu.dma_semaphore, #tpu.memory_space<semaphore_mem>>)
      tpu.wait_dma2 semaphore(%run_scoped3A : memref<!tpu.dma_semaphore, #tpu.memory_space<semaphore_mem>>) src(%arg5 : memref<128x64xbf16, #tpu.memory_space<hbm>>) dst(%arg9 : memref<128x64xbf16, #tpu.memory_space<vmem>>)
      tpu.yield
    }) : () -> ()
    %scan3A = arith.constant 0 : i32
    %scan3A_1 = arith.constant 0 : i32
    %scan3A_2 = arith.constant 24 : i32
    %scan3A_3 = arith.addi %scan3A_1, %scan3A_2 : i32
    %scan3A_4 = arith.constant 1 : i32
    scf.for %scan3A_27 = %scan3A_1 to %scan3A_3 step %scan3A_4  : i32 {
      %mul3A_28 = arith.constant 128 : i32
      %mul3A_29 = arith.muli %scan3A_27, %mul3A_28 : i32
      %add3A_30 = arith.addi %mul3A_0, %mul3A_29 : i32
      "tpu.region"() ({
        %run_scoped3A = tpu.sem_alloc : memref<!tpu.dma_semaphore, #tpu.memory_space<semaphore_mem>>
        %dma_start3A = arith.constant 0 : i32
        %dma_start3A_31 = tpu.memref_slice %arg15[%add3A_30, %dma_start3A] : memref<50176x64xbf16, #tpu.memory_space<vmem_shared>> -> memref<128x64xbf16, #tpu.memory_space<vmem_shared>>
        %dma_start3A_32 = arith.constant 0 : i32
        %dma_start3A_33 = tpu.memref_slice %arg15[%add3A_30, %dma_start3A_32] : memref<50176x64xbf16, #tpu.memory_space<vmem_shared>> -> memref<128x64xbf16, #tpu.memory_space<vmem_shared>>
        tpu.enqueue_dma source(%arg9 : memref<128x64xbf16, #tpu.memory_space<vmem>>) target(%dma_start3A_33 : memref<128x64xbf16, #tpu.memory_space<vmem_shared>>) target_semaphore(%run_scoped3A : memref<!tpu.dma_semaphore, #tpu.memory_space<semaphore_mem>>)
        %dma_wait3A_34 = arith.constant 0 : i32
        %dma_wait3A_35 = tpu.memref_slice %arg15[%add3A_30, %dma_wait3A_34] : memref<50176x64xbf16, #tpu.memory_space<vmem_shared>> -> memref<128x64xbf16, #tpu.memory_space<vmem_shared>>
        %dma_wait3A_36 = arith.constant 0 : i32
        %dma_wait3A_37 = tpu.memref_slice %arg15[%add3A_30, %dma_wait3A_36] : memref<50176x64xbf16, #tpu.memory_space<vmem_shared>> -> memref<128x64xbf16, #tpu.memory_space<vmem_shared>>
        tpu.wait_dma2 semaphore(%run_scoped3A : memref<!tpu.dma_semaphore, #tpu.memory_space<semaphore_mem>>) src(%arg9 : memref<128x64xbf16, #tpu.memory_space<vmem>>) dst(%dma_wait3A_37 : memref<128x64xbf16, #tpu.memory_space<vmem_shared>>)
        tpu.yield
      }) : () -> ()
    }
    %scan3A_5 = arith.constant 24 : i32
    %add3A = arith.constant 3072 : i32
    %add3A_6 = arith.addi %mul3A_0, %add3A : i32
    "tpu.region"() ({
      %run_scoped3A = tpu.sem_alloc : memref<!tpu.dma_semaphore, #tpu.memory_space<semaphore_mem>>
      %dma_start3A = arith.constant 0 : i32
      %dma_start3A_27 = arith.constant 0 : i32
      %dma_start3A_28 = tpu.memref_slice %arg9[%dma_start3A, %dma_start3A_27] : memref<128x64xbf16, #tpu.memory_space<vmem>> -> memref<64x64xbf16, #tpu.memory_space<vmem>>
      %dma_start3A_29 = arith.constant 0 : i32
      %dma_start3A_30 = tpu.memref_slice %arg15[%add3A_6, %dma_start3A_29] : memref<50176x64xbf16, #tpu.memory_space<vmem_shared>> -> memref<64x64xbf16, #tpu.memory_space<vmem_shared>>
      %dma_start3A_31 = arith.constant 0 : i32
      %dma_start3A_32 = tpu.memref_slice %arg15[%add3A_6, %dma_start3A_31] : memref<50176x64xbf16, #tpu.memory_space<vmem_shared>> -> memref<64x64xbf16, #tpu.memory_space<vmem_shared>>
      %dma_start3A_33 = arith.constant 0 : i32
      %dma_start3A_34 = arith.constant 0 : i32
      %dma_start3A_35 = tpu.memref_slice %arg9[%dma_start3A_33, %dma_start3A_34] : memref<128x64xbf16, #tpu.memory_space<vmem>> -> memref<64x64xbf16, #tpu.memory_space<vmem>>
      tpu.enqueue_dma source(%dma_start3A_35 : memref<64x64xbf16, #tpu.memory_space<vmem>>) target(%dma_start3A_32 : memref<64x64xbf16, #tpu.memory_space<vmem_shared>>) target_semaphore(%run_scoped3A : memref<!tpu.dma_semaphore, #tpu.memory_space<semaphore_mem>>)
      %dma_wait3A_36 = arith.constant 0 : i32
      %dma_wait3A_37 = arith.constant 0 : i32
      %dma_wait3A_38 = tpu.memref_slice %arg9[%dma_wait3A_36, %dma_wait3A_37] : memref<128x64xbf16, #tpu.memory_space<vmem>> -> memref<64x64xbf16, #tpu.memory_space<vmem>>
      %dma_wait3A_39 = arith.constant 0 : i32
      %dma_wait3A_40 = tpu.memref_slice %arg15[%add3A_6, %dma_wait3A_39] : memref<50176x64xbf16, #tpu.memory_space<vmem_shared>> -> memref<64x64xbf16, #tpu.memory_space<vmem_shared>>
      %dma_wait3A_41 = arith.constant 0 : i32
      %dma_wait3A_42 = tpu.memref_slice %arg15[%add3A_6, %dma_wait3A_41] : memref<50176x64xbf16, #tpu.memory_space<vmem_shared>> -> memref<64x64xbf16, #tpu.memory_space<vmem_shared>>
      %dma_wait3A_43 = arith.constant 0 : i32
      %dma_wait3A_44 = arith.constant 0 : i32
      %dma_wait3A_45 = tpu.memref_slice %arg9[%dma_wait3A_43, %dma_wait3A_44] : memref<128x64xbf16, #tpu.memory_space<vmem>> -> memref<64x64xbf16, #tpu.memory_space<vmem>>
      tpu.wait_dma2 semaphore(%run_scoped3A : memref<!tpu.dma_semaphore, #tpu.memory_space<semaphore_mem>>) src(%dma_wait3A_45 : memref<64x64xbf16, #tpu.memory_space<vmem>>) dst(%dma_wait3A_42 : memref<64x64xbf16, #tpu.memory_space<vmem_shared>>)
      tpu.yield
    }) : () -> ()
    %barrier3A = arith.constant 0 : index
    tpu.barrier barrier_id(%barrier3A)
    %scan3A_7 = arith.constant 0 : i32
    %scan3A_8 = arith.constant 0 : i32
    %scan3A_9 = arith.constant 7 : i32
    %scan3A_10 = arith.addi %scan3A_8, %scan3A_9 : i32
    %scan3A_11 = arith.constant 1 : i32
    scf.for %scan3A_27 = %scan3A_8 to %scan3A_10 step %scan3A_11  : i32 {
      %ge3A = arith.constant 1 : i32
      %ge3A_28 = arith.cmpi sge, %scan3A_27, %ge3A : i32
      %convert_element_type3A = arith.extui %ge3A_28 : i1 to i32
      %cond3A = arith.constant 0 : i32
      %cond3A_29 = arith.cmpi ne, %convert_element_type3A, %cond3A : i32
      scf.if %cond3A_29 {
        %dma_wait3A_38 = arith.constant 0 : i32
        %dma_wait3A_39 = arith.constant 0 : i32
        %dma_wait3A_40 = tpu.memref_slice %arg8[%dma_wait3A_38, %dma_wait3A_39] : memref<28x128xi32, #tpu.memory_space<vmem>> -> memref<1x128xi32, #tpu.memory_space<vmem>>
        %dma_wait3A_41 = tpu.memref_squeeze %dma_wait3A_40 : memref<1x128xi32, #tpu.memory_space<vmem>> -> memref<128xi32, #tpu.memory_space<vmem>>
        %dma_wait3A_42 = arith.constant 0 : i32
        %dma_wait3A_43 = arith.constant 0 : i32
        %dma_wait3A_44 = tpu.memref_slice %arg15[%dma_wait3A_42, %dma_wait3A_43] : memref<50176x64xbf16, #tpu.memory_space<vmem_shared>> -> memref<50176x64xbf16, #tpu.memory_space<vmem_shared>>
        tpu.wait_indirect_dma semaphore(%arg13 : memref<!tpu.dma_semaphore, #tpu.memory_space<semaphore_mem>>) src(%arg9 : memref<128x64xbf16, #tpu.memory_space<vmem>>) dst(%dma_wait3A_44 : memref<50176x64xbf16, #tpu.memory_space<vmem_shared>>)
        %dma_wait3A_45 = arith.constant 0 : i32
        %dma_wait3A_46 = arith.constant 0 : i32
        %dma_wait3A_47 = tpu.memref_slice %arg8[%dma_wait3A_45, %dma_wait3A_46] : memref<28x128xi32, #tpu.memory_space<vmem>> -> memref<1x128xi32, #tpu.memory_space<vmem>>
        %dma_wait3A_48 = tpu.memref_squeeze %dma_wait3A_47 : memref<1x128xi32, #tpu.memory_space<vmem>> -> memref<128xi32, #tpu.memory_space<vmem>>
        %dma_wait3A_49 = arith.constant 0 : i32
        %dma_wait3A_50 = arith.constant 0 : i32
        %dma_wait3A_51 = tpu.memref_slice %arg15[%dma_wait3A_49, %dma_wait3A_50] : memref<50176x64xbf16, #tpu.memory_space<vmem_shared>> -> memref<50176x64xbf16, #tpu.memory_space<vmem_shared>>
        tpu.wait_indirect_dma semaphore(%arg14 : memref<!tpu.dma_semaphore, #tpu.memory_space<semaphore_mem>>) src(%arg10 : memref<128x64xbf16, #tpu.memory_space<vmem>>) dst(%dma_wait3A_51 : memref<50176x64xbf16, #tpu.memory_space<vmem_shared>>)
      } else {
      }
      %mul3A_30 = arith.constant 28 : i32
      %mul3A_31 = arith.muli %scan3A_27, %mul3A_30 : i32
      "tpu.region"() ({
        %run_scoped3A = tpu.sem_alloc : memref<!tpu.dma_semaphore, #tpu.memory_space<semaphore_mem>>
        %dma_start3A = arith.constant 0 : i32
        %dma_start3A_38 = tpu.memref_slice %arg3[%arg0, %arg1, %mul3A_31, %dma_start3A] : memref<2x16x196x128xi32, #tpu.memory_space<hbm>> -> memref<1x1x28x128xi32, #tpu.memory_space<hbm>>
        %dma_start3A_39 = tpu.memref_squeeze %dma_start3A_38 : memref<1x1x28x128xi32, #tpu.memory_space<hbm>> -> memref<28x128xi32, #tpu.memory_space<hbm>>
        %dma_start3A_40 = arith.constant 0 : i32
        %dma_start3A_41 = tpu.memref_slice %arg3[%arg0, %arg1, %mul3A_31, %dma_start3A_40] : memref<2x16x196x128xi32, #tpu.memory_space<hbm>> -> memref<1x1x28x128xi32, #tpu.memory_space<hbm>>
        %dma_start3A_42 = tpu.memref_squeeze %dma_start3A_41 : memref<1x1x28x128xi32, #tpu.memory_space<hbm>> -> memref<28x128xi32, #tpu.memory_space<hbm>>
        tpu.enqueue_dma source(%dma_start3A_42 : memref<28x128xi32, #tpu.memory_space<hbm>>) target(%arg7 : memref<28x128xi32, #tpu.memory_space<vmem>>) target_semaphore(%run_scoped3A : memref<!tpu.dma_semaphore, #tpu.memory_space<semaphore_mem>>)
        %dma_wait3A_43 = arith.constant 0 : i32
        %dma_wait3A_44 = tpu.memref_slice %arg3[%arg0, %arg1, %mul3A_31, %dma_wait3A_43] : memref<2x16x196x128xi32, #tpu.memory_space<hbm>> -> memref<1x1x28x128xi32, #tpu.memory_space<hbm>>
        %dma_wait3A_45 = tpu.memref_squeeze %dma_wait3A_44 : memref<1x1x28x128xi32, #tpu.memory_space<hbm>> -> memref<28x128xi32, #tpu.memory_space<hbm>>
        %dma_wait3A_46 = arith.constant 0 : i32
        %dma_wait3A_47 = tpu.memref_slice %arg3[%arg0, %arg1, %mul3A_31, %dma_wait3A_46] : memref<2x16x196x128xi32, #tpu.memory_space<hbm>> -> memref<1x1x28x128xi32, #tpu.memory_space<hbm>>
        %dma_wait3A_48 = tpu.memref_squeeze %dma_wait3A_47 : memref<1x1x28x128xi32, #tpu.memory_space<hbm>> -> memref<28x128xi32, #tpu.memory_space<hbm>>
        tpu.wait_dma2 semaphore(%run_scoped3A : memref<!tpu.dma_semaphore, #tpu.memory_space<semaphore_mem>>) src(%dma_wait3A_48 : memref<28x128xi32, #tpu.memory_space<hbm>>) dst(%arg7 : memref<28x128xi32, #tpu.memory_space<vmem>>)
        tpu.yield
      }) : () -> ()
      "tpu.region"() ({
        %run_scoped3A = tpu.sem_alloc : memref<!tpu.dma_semaphore, #tpu.memory_space<semaphore_mem>>
        %dma_start3A = arith.constant 0 : i32
        %dma_start3A_38 = tpu.memref_slice %arg4[%arg0, %arg1, %mul3A_31, %dma_start3A] : memref<2x16x196x128xi32, #tpu.memory_space<hbm>> -> memref<1x1x28x128xi32, #tpu.memory_space<hbm>>
        %dma_start3A_39 = tpu.memref_squeeze %dma_start3A_38 : memref<1x1x28x128xi32, #tpu.memory_space<hbm>> -> memref<28x128xi32, #tpu.memory_space<hbm>>
        %dma_start3A_40 = arith.constant 0 : i32
        %dma_start3A_41 = tpu.memref_slice %arg4[%arg0, %arg1, %mul3A_31, %dma_start3A_40] : memref<2x16x196x128xi32, #tpu.memory_space<hbm>> -> memref<1x1x28x128xi32, #tpu.memory_space<hbm>>
        %dma_start3A_42 = tpu.memref_squeeze %dma_start3A_41 : memref<1x1x28x128xi32, #tpu.memory_space<hbm>> -> memref<28x128xi32, #tpu.memory_space<hbm>>
        tpu.enqueue_dma source(%dma_start3A_42 : memref<28x128xi32, #tpu.memory_space<hbm>>) target(%arg8 : memref<28x128xi32, #tpu.memory_space<vmem>>) target_semaphore(%run_scoped3A : memref<!tpu.dma_semaphore, #tpu.memory_space<semaphore_mem>>)
        %dma_wait3A_43 = arith.constant 0 : i32
        %dma_wait3A_44 = tpu.memref_slice %arg4[%arg0, %arg1, %mul3A_31, %dma_wait3A_43] : memref<2x16x196x128xi32, #tpu.memory_space<hbm>> -> memref<1x1x28x128xi32, #tpu.memory_space<hbm>>
        %dma_wait3A_45 = tpu.memref_squeeze %dma_wait3A_44 : memref<1x1x28x128xi32, #tpu.memory_space<hbm>> -> memref<28x128xi32, #tpu.memory_space<hbm>>
        %dma_wait3A_46 = arith.constant 0 : i32
        %dma_wait3A_47 = tpu.memref_slice %arg4[%arg0, %arg1, %mul3A_31, %dma_wait3A_46] : memref<2x16x196x128xi32, #tpu.memory_space<hbm>> -> memref<1x1x28x128xi32, #tpu.memory_space<hbm>>
        %dma_wait3A_48 = tpu.memref_squeeze %dma_wait3A_47 : memref<1x1x28x128xi32, #tpu.memory_space<hbm>> -> memref<28x128xi32, #tpu.memory_space<hbm>>
        tpu.wait_dma2 semaphore(%run_scoped3A : memref<!tpu.dma_semaphore, #tpu.memory_space<semaphore_mem>>) src(%dma_wait3A_48 : memref<28x128xi32, #tpu.memory_space<hbm>>) dst(%arg8 : memref<28x128xi32, #tpu.memory_space<vmem>>)
        tpu.yield
      }) : () -> ()
      %scan3A_32 = arith.constant 0 : i32
      %scan3A_33 = arith.constant 0 : i32
      %scan3A_34 = arith.constant 14 : i32
      %scan3A_35 = arith.addi %scan3A_33, %scan3A_34 : i32
      %scan3A_36 = arith.constant 1 : i32
      scf.for %scan3A_38 = %scan3A_33 to %scan3A_35 step %scan3A_36  : i32 {
        %ge3A_39 = arith.constant 1 : i32
        %ge3A_40 = arith.cmpi sge, %scan3A_38, %ge3A_39 : i32
        %convert_element_type3A_41 = arith.extui %ge3A_40 : i1 to i32
        %cond3A_42 = arith.constant 0 : i32
        %cond3A_43 = arith.cmpi ne, %convert_element_type3A_41, %cond3A_42 : i32
        scf.if %cond3A_43 {
          %dma_wait3A_96 = arith.constant 0 : i32
          %dma_wait3A_97 = arith.constant 0 : i32
          %dma_wait3A_98 = tpu.memref_slice %arg8[%dma_wait3A_96, %dma_wait3A_97] : memref<28x128xi32, #tpu.memory_space<vmem>> -> memref<1x128xi32, #tpu.memory_space<vmem>>
          %dma_wait3A_99 = tpu.memref_squeeze %dma_wait3A_98 : memref<1x128xi32, #tpu.memory_space<vmem>> -> memref<128xi32, #tpu.memory_space<vmem>>
          %dma_wait3A_100 = arith.constant 0 : i32
          %dma_wait3A_101 = arith.constant 0 : i32
          %dma_wait3A_102 = tpu.memref_slice %arg15[%dma_wait3A_100, %dma_wait3A_101] : memref<50176x64xbf16, #tpu.memory_space<vmem_shared>> -> memref<50176x64xbf16, #tpu.memory_space<vmem_shared>>
          tpu.wait_indirect_dma semaphore(%arg13 : memref<!tpu.dma_semaphore, #tpu.memory_space<semaphore_mem>>) src(%arg9 : memref<128x64xbf16, #tpu.memory_space<vmem>>) dst(%dma_wait3A_102 : memref<50176x64xbf16, #tpu.memory_space<vmem_shared>>)
        } else {
        }
        %mul3A_44 = arith.constant 2 : i32
        %mul3A_45 = arith.muli %mul3A_44, %scan3A_38 : i32
        %dma_start3A = arith.constant 0 : i32
        %dma_start3A_46 = tpu.memref_slice %arg7[%mul3A_45, %dma_start3A] : memref<28x128xi32, #tpu.memory_space<vmem>> -> memref<1x128xi32, #tpu.memory_space<vmem>>
        %dma_start3A_47 = tpu.memref_squeeze %dma_start3A_46 : memref<1x128xi32, #tpu.memory_space<vmem>> -> memref<128xi32, #tpu.memory_space<vmem>>
        %dma_start3A_48 = arith.constant 0 : i32
        %dma_start3A_49 = arith.constant 0 : i32
        %dma_start3A_50 = tpu.memref_slice %arg2[%dma_start3A_48, %dma_start3A_49] : memref<50176x64xbf16, #tpu.memory_space<hbm>> -> memref<50176x64xbf16, #tpu.memory_space<hbm>>
        tpu.enqueue_indirect_dma source(%dma_start3A_50 : memref<50176x64xbf16, #tpu.memory_space<hbm>>) target(%arg9 : memref<128x64xbf16, #tpu.memory_space<vmem>>) offsets(%dma_start3A_47 : memref<128xi32, #tpu.memory_space<vmem>>) semaphore(%arg11 : memref<!tpu.dma_semaphore, #tpu.memory_space<semaphore_mem>>)
        %ge3A_51 = arith.constant 1 : i32
        %ge3A_52 = arith.cmpi sge, %scan3A_38, %ge3A_51 : i32
        %convert_element_type3A_53 = arith.extui %ge3A_52 : i1 to i32
        %cond3A_54 = arith.constant 0 : i32
        %cond3A_55 = arith.cmpi ne, %convert_element_type3A_53, %cond3A_54 : i32
        scf.if %cond3A_55 {
          %dma_wait3A_96 = arith.constant 0 : i32
          %dma_wait3A_97 = arith.constant 0 : i32
          %dma_wait3A_98 = tpu.memref_slice %arg8[%dma_wait3A_96, %dma_wait3A_97] : memref<28x128xi32, #tpu.memory_space<vmem>> -> memref<1x128xi32, #tpu.memory_space<vmem>>
          %dma_wait3A_99 = tpu.memref_squeeze %dma_wait3A_98 : memref<1x128xi32, #tpu.memory_space<vmem>> -> memref<128xi32, #tpu.memory_space<vmem>>
          %dma_wait3A_100 = arith.constant 0 : i32
          %dma_wait3A_101 = arith.constant 0 : i32
          %dma_wait3A_102 = tpu.memref_slice %arg15[%dma_wait3A_100, %dma_wait3A_101] : memref<50176x64xbf16, #tpu.memory_space<vmem_shared>> -> memref<50176x64xbf16, #tpu.memory_space<vmem_shared>>
          tpu.wait_indirect_dma semaphore(%arg14 : memref<!tpu.dma_semaphore, #tpu.memory_space<semaphore_mem>>) src(%arg10 : memref<128x64xbf16, #tpu.memory_space<vmem>>) dst(%dma_wait3A_102 : memref<50176x64xbf16, #tpu.memory_space<vmem_shared>>)
        } else {
        }
        %mul3A_56 = arith.constant 2 : i32
        %mul3A_57 = arith.muli %mul3A_56, %scan3A_38 : i32
        %add3A_58 = arith.constant 1 : i32
        %add3A_59 = arith.addi %mul3A_57, %add3A_58 : i32
        %dma_start3A_60 = arith.constant 0 : i32
        %dma_start3A_61 = tpu.memref_slice %arg7[%add3A_59, %dma_start3A_60] : memref<28x128xi32, #tpu.memory_space<vmem>> -> memref<1x128xi32, #tpu.memory_space<vmem>>
        %dma_start3A_62 = tpu.memref_squeeze %dma_start3A_61 : memref<1x128xi32, #tpu.memory_space<vmem>> -> memref<128xi32, #tpu.memory_space<vmem>>
        %dma_start3A_63 = arith.constant 0 : i32
        %dma_start3A_64 = arith.constant 0 : i32
        %dma_start3A_65 = tpu.memref_slice %arg2[%dma_start3A_63, %dma_start3A_64] : memref<50176x64xbf16, #tpu.memory_space<hbm>> -> memref<50176x64xbf16, #tpu.memory_space<hbm>>
        tpu.enqueue_indirect_dma source(%dma_start3A_65 : memref<50176x64xbf16, #tpu.memory_space<hbm>>) target(%arg10 : memref<128x64xbf16, #tpu.memory_space<vmem>>) offsets(%dma_start3A_62 : memref<128xi32, #tpu.memory_space<vmem>>) semaphore(%arg12 : memref<!tpu.dma_semaphore, #tpu.memory_space<semaphore_mem>>)
        %dma_wait3A_66 = arith.constant 0 : i32
        %dma_wait3A_67 = tpu.memref_slice %arg7[%mul3A_45, %dma_wait3A_66] : memref<28x128xi32, #tpu.memory_space<vmem>> -> memref<1x128xi32, #tpu.memory_space<vmem>>
        %dma_wait3A_68 = tpu.memref_squeeze %dma_wait3A_67 : memref<1x128xi32, #tpu.memory_space<vmem>> -> memref<128xi32, #tpu.memory_space<vmem>>
        %dma_wait3A_69 = arith.constant 0 : i32
        %dma_wait3A_70 = arith.constant 0 : i32
        %dma_wait3A_71 = tpu.memref_slice %arg2[%dma_wait3A_69, %dma_wait3A_70] : memref<50176x64xbf16, #tpu.memory_space<hbm>> -> memref<50176x64xbf16, #tpu.memory_space<hbm>>
        tpu.wait_indirect_dma semaphore(%arg11 : memref<!tpu.dma_semaphore, #tpu.memory_space<semaphore_mem>>) src(%dma_wait3A_71 : memref<50176x64xbf16, #tpu.memory_space<hbm>>) dst(%arg9 : memref<128x64xbf16, #tpu.memory_space<vmem>>)
        %mul3A_72 = arith.constant 2 : i32
        %mul3A_73 = arith.muli %mul3A_72, %scan3A_38 : i32
        %dma_start3A_74 = arith.constant 0 : i32
        %dma_start3A_75 = tpu.memref_slice %arg8[%mul3A_73, %dma_start3A_74] : memref<28x128xi32, #tpu.memory_space<vmem>> -> memref<1x128xi32, #tpu.memory_space<vmem>>
        %dma_start3A_76 = tpu.memref_squeeze %dma_start3A_75 : memref<1x128xi32, #tpu.memory_space<vmem>> -> memref<128xi32, #tpu.memory_space<vmem>>
        %dma_start3A_77 = arith.constant 0 : i32
        %dma_start3A_78 = arith.constant 0 : i32
        %dma_start3A_79 = tpu.memref_slice %arg15[%dma_start3A_77, %dma_start3A_78] : memref<50176x64xbf16, #tpu.memory_space<vmem_shared>> -> memref<50176x64xbf16, #tpu.memory_space<vmem_shared>>
        tpu.enqueue_indirect_dma source(%arg9 : memref<128x64xbf16, #tpu.memory_space<vmem>>) target(%dma_start3A_79 : memref<50176x64xbf16, #tpu.memory_space<vmem_shared>>) offsets(%dma_start3A_76 : memref<128xi32, #tpu.memory_space<vmem>>) semaphore(%arg13 : memref<!tpu.dma_semaphore, #tpu.memory_space<semaphore_mem>>) {add = true}
        %dma_wait3A_80 = arith.constant 0 : i32
        %dma_wait3A_81 = tpu.memref_slice %arg7[%add3A_59, %dma_wait3A_80] : memref<28x128xi32, #tpu.memory_space<vmem>> -> memref<1x128xi32, #tpu.memory_space<vmem>>
        %dma_wait3A_82 = tpu.memref_squeeze %dma_wait3A_81 : memref<1x128xi32, #tpu.memory_space<vmem>> -> memref<128xi32, #tpu.memory_space<vmem>>
        %dma_wait3A_83 = arith.constant 0 : i32
        %dma_wait3A_84 = arith.constant 0 : i32
        %dma_wait3A_85 = tpu.memref_slice %arg2[%dma_wait3A_83, %dma_wait3A_84] : memref<50176x64xbf16, #tpu.memory_space<hbm>> -> memref<50176x64xbf16, #tpu.memory_space<hbm>>
        tpu.wait_indirect_dma semaphore(%arg12 : memref<!tpu.dma_semaphore, #tpu.memory_space<semaphore_mem>>) src(%dma_wait3A_85 : memref<50176x64xbf16, #tpu.memory_space<hbm>>) dst(%arg10 : memref<128x64xbf16, #tpu.memory_space<vmem>>)
        %mul3A_86 = arith.constant 2 : i32
        %mul3A_87 = arith.muli %mul3A_86, %scan3A_38 : i32
        %add3A_88 = arith.constant 1 : i32
        %add3A_89 = arith.addi %mul3A_87, %add3A_88 : i32
        %dma_start3A_90 = arith.constant 0 : i32
        %dma_start3A_91 = tpu.memref_slice %arg8[%add3A_89, %dma_start3A_90] : memref<28x128xi32, #tpu.memory_space<vmem>> -> memref<1x128xi32, #tpu.memory_space<vmem>>
        %dma_start3A_92 = tpu.memref_squeeze %dma_start3A_91 : memref<1x128xi32, #tpu.memory_space<vmem>> -> memref<128xi32, #tpu.memory_space<vmem>>
        %dma_start3A_93 = arith.constant 0 : i32
        %dma_start3A_94 = arith.constant 0 : i32
        %dma_start3A_95 = tpu.memref_slice %arg15[%dma_start3A_93, %dma_start3A_94] : memref<50176x64xbf16, #tpu.memory_space<vmem_shared>> -> memref<50176x64xbf16, #tpu.memory_space<vmem_shared>>
        tpu.enqueue_indirect_dma source(%arg10 : memref<128x64xbf16, #tpu.memory_space<vmem>>) target(%dma_start3A_95 : memref<50176x64xbf16, #tpu.memory_space<vmem_shared>>) offsets(%dma_start3A_92 : memref<128xi32, #tpu.memory_space<vmem>>) semaphore(%arg14 : memref<!tpu.dma_semaphore, #tpu.memory_space<semaphore_mem>>) {add = true}
      }
      %scan3A_37 = arith.constant 14 : i32
    }
    %scan3A_12 = arith.constant 7 : i32
    %dma_wait3A = arith.constant 0 : i32
    %dma_wait3A_13 = arith.constant 0 : i32
    %dma_wait3A_14 = tpu.memref_slice %arg8[%dma_wait3A, %dma_wait3A_13] : memref<28x128xi32, #tpu.memory_space<vmem>> -> memref<1x128xi32, #tpu.memory_space<vmem>>
    %dma_wait3A_15 = tpu.memref_squeeze %dma_wait3A_14 : memref<1x128xi32, #tpu.memory_space<vmem>> -> memref<128xi32, #tpu.memory_space<vmem>>
    %dma_wait3A_16 = arith.constant 0 : i32
    %dma_wait3A_17 = arith.constant 0 : i32
    %dma_wait3A_18 = tpu.memref_slice %arg15[%dma_wait3A_16, %dma_wait3A_17] : memref<50176x64xbf16, #tpu.memory_space<vmem_shared>> -> memref<50176x64xbf16, #tpu.memory_space<vmem_shared>>
    tpu.wait_indirect_dma semaphore(%arg13 : memref<!tpu.dma_semaphore, #tpu.memory_space<semaphore_mem>>) src(%arg9 : memref<128x64xbf16, #tpu.memory_space<vmem>>) dst(%dma_wait3A_18 : memref<50176x64xbf16, #tpu.memory_space<vmem_shared>>)
    %dma_wait3A_19 = arith.constant 0 : i32
    %dma_wait3A_20 = arith.constant 0 : i32
    %dma_wait3A_21 = tpu.memref_slice %arg8[%dma_wait3A_19, %dma_wait3A_20] : memref<28x128xi32, #tpu.memory_space<vmem>> -> memref<1x128xi32, #tpu.memory_space<vmem>>
    %dma_wait3A_22 = tpu.memref_squeeze %dma_wait3A_21 : memref<1x128xi32, #tpu.memory_space<vmem>> -> memref<128xi32, #tpu.memory_space<vmem>>
    %dma_wait3A_23 = arith.constant 0 : i32
    %dma_wait3A_24 = arith.constant 0 : i32
    %dma_wait3A_25 = tpu.memref_slice %arg15[%dma_wait3A_23, %dma_wait3A_24] : memref<50176x64xbf16, #tpu.memory_space<vmem_shared>> -> memref<50176x64xbf16, #tpu.memory_space<vmem_shared>>
    tpu.wait_indirect_dma semaphore(%arg14 : memref<!tpu.dma_semaphore, #tpu.memory_space<semaphore_mem>>) src(%arg10 : memref<128x64xbf16, #tpu.memory_space<vmem>>) dst(%dma_wait3A_25 : memref<50176x64xbf16, #tpu.memory_space<vmem_shared>>)
    %barrier3A_26 = arith.constant 0 : index
    tpu.barrier barrier_id(%barrier3A_26)
    "tpu.region"() ({
      %run_scoped3A = tpu.sem_alloc : memref<!tpu.dma_semaphore, #tpu.memory_space<semaphore_mem>>
      %dma_start3A = arith.constant 0 : i32
      %dma_start3A_27 = tpu.memref_slice %arg6[%arg0, %mul3A_0, %dma_start3A] : memref<2x50176x64xbf16, #tpu.memory_space<hbm>> -> memref<1x3136x64xbf16, #tpu.memory_space<hbm>>
      %dma_start3A_28 = tpu.memref_squeeze %dma_start3A_27 : memref<1x3136x64xbf16, #tpu.memory_space<hbm>> -> memref<3136x64xbf16, #tpu.memory_space<hbm>>
      %dma_start3A_29 = arith.constant 0 : i32
      %dma_start3A_30 = tpu.memref_slice %arg15[%mul3A_0, %dma_start3A_29] : memref<50176x64xbf16, #tpu.memory_space<vmem_shared>> -> memref<3136x64xbf16, #tpu.memory_space<vmem_shared>>
      tpu.enqueue_dma source(%dma_start3A_30 : memref<3136x64xbf16, #tpu.memory_space<vmem_shared>>) target(%dma_start3A_28 : memref<3136x64xbf16, #tpu.memory_space<hbm>>) target_semaphore(%run_scoped3A : memref<!tpu.dma_semaphore, #tpu.memory_space<semaphore_mem>>)
      %dma_wait3A_31 = arith.constant 0 : i32
      %dma_wait3A_32 = tpu.memref_slice %arg6[%arg0, %mul3A_0, %dma_wait3A_31] : memref<2x50176x64xbf16, #tpu.memory_space<hbm>> -> memref<1x3136x64xbf16, #tpu.memory_space<hbm>>
      %dma_wait3A_33 = tpu.memref_squeeze %dma_wait3A_32 : memref<1x3136x64xbf16, #tpu.memory_space<hbm>> -> memref<3136x64xbf16, #tpu.memory_space<hbm>>
      %dma_wait3A_34 = arith.constant 0 : i32
      %dma_wait3A_35 = tpu.memref_slice %arg15[%mul3A_0, %dma_wait3A_34] : memref<50176x64xbf16, #tpu.memory_space<vmem_shared>> -> memref<3136x64xbf16, #tpu.memory_space<vmem_shared>>
      tpu.wait_dma2 semaphore(%run_scoped3A : memref<!tpu.dma_semaphore, #tpu.memory_space<semaphore_mem>>) src(%dma_wait3A_35 : memref<3136x64xbf16, #tpu.memory_space<vmem_shared>>) dst(%dma_wait3A_33 : memref<3136x64xbf16, #tpu.memory_space<hbm>>)
      tpu.yield
    }) : () -> ()
    return
  }
}

module attributes {stable_mosaic.version = 14 : i64} {
  func.func @body(%arg0: i32, %arg1: memref<1x3584x8xf32, #tpu.memory_space<vmem>>, %arg2: memref<1x3584x8xf32, #tpu.memory_space<vmem>>, %arg3: memref<3584x8xf32, #tpu.memory_space<vmem>>, %arg4: memref<3584x1xbf16, #tpu.memory_space<vmem>>, %arg5: memref<3584x8xf32, #tpu.memory_space<vmem>>) attributes {dimension_semantics = [#tpu.dimension_semantics<arbitrary>], iteration_bounds = array<i64: 14>, scalar_prefetch = 0 : i64, scratch_operands = 0 : i64, tpu.core_type = #tpu.core_type<tc>, window_params = [{transform_indices = @transform_0, window_bounds = array<i64: 1, 3584, 8>}, {transform_indices = @transform_1, window_bounds = array<i64: 1, 3584, 8>}, {transform_indices = @transform_2, window_bounds = array<i64: 3584, 8>}, {transform_indices = @transform_3, window_bounds = array<i64: 3584, 1>}, {transform_indices = @transform_4, window_bounds = array<i64: 3584, 8>}]} {
    %get3A = arith.constant 0 : index
    %get3A_0 = arith.constant 0 : index
    %get3A_1 = arith.constant 0 : index
    %get3A_2 = vector.load %arg1[%get3A, %get3A_0, %get3A_1] : memref<1x3584x8xf32, #tpu.memory_space<vmem>>, vector<1x3584x8xf32>
    %get3A_3 = vector.shape_cast %get3A_2 : vector<1x3584x8xf32> to vector<3584x8xf32>
    %slice3A = vector.extract_strided_slice %get3A_3 {offsets = [0, 0], sizes = [3584, 1], strides = [1, 1]} : vector<3584x8xf32> to vector<3584x1xf32>
    %get3A_4 = arith.constant 0 : index
    %get3A_5 = arith.constant 0 : index
    %get3A_6 = arith.constant 0 : index
    %get3A_7 = vector.load %arg2[%get3A_4, %get3A_5, %get3A_6] : memref<1x3584x8xf32, #tpu.memory_space<vmem>>, vector<1x3584x8xf32>
    %get3A_8 = vector.shape_cast %get3A_7 : vector<1x3584x8xf32> to vector<3584x8xf32>
    %slice3A_9 = vector.extract_strided_slice %get3A_8 {offsets = [0, 0], sizes = [3584, 1], strides = [1, 1]} : vector<3584x8xf32> to vector<3584x1xf32>
    %add3A = arith.addf %slice3A, %slice3A_9 : vector<3584x1xf32>
    %add3A_10 = arith.constant 1.000000e+00 : f32
    %add3A_11 = vector.broadcast %add3A_10 : f32 to vector<3584x1xf32>
    %add3A_12 = arith.addf %add3A, %add3A_11 : vector<3584x1xf32>
    %rsqrt3A = math.rsqrt %add3A_12 : vector<3584x1xf32>
    %mul3A = arith.constant 3584 : i32
    %mul3A_13 = arith.muli %arg0, %mul3A : i32
    %iota3A = tpu.iota {dimensions = array<i32: 0>} : vector<3584x1xi32>
    %add3A_14 = vector.broadcast %mul3A_13 : i32 to vector<3584x1xi32>
    %add3A_15 = arith.addi %add3A_14, %iota3A : vector<3584x1xi32>
    %convert_element_type3A = arith.truncf %rsqrt3A : vector<3584x1xf32> to vector<3584x1xbf16>
    %swap3A = arith.constant 0 : index
    %swap3A_16 = arith.constant 0 : index
    %swap3A_17 = vector.load %arg4[%swap3A, %swap3A_16] : memref<3584x1xbf16, #tpu.memory_space<vmem>>, vector<3584x1xbf16>
    tpu.vector_store %arg4[%swap3A, %swap3A_16], %convert_element_type3A {strides = array<i32>} : memref<3584x1xbf16, #tpu.memory_space<vmem>>, vector<3584x1xbf16>,
    %lt3A = arith.constant 50000 : i32
    %lt3A_18 = vector.broadcast %lt3A : i32 to vector<3584x1xi32>
    %lt3A_19 = arith.cmpi slt, %add3A_15, %lt3A_18 : vector<3584x1xi32>
    %get3A_20 = arith.constant 0 : index
    %get3A_21 = arith.constant 0 : index
    %get3A_22 = vector.load %arg3[%get3A_20, %get3A_21] : memref<3584x8xf32, #tpu.memory_space<vmem>>, vector<3584x8xf32>
    %mul3A_23 = vector.broadcast %rsqrt3A : vector<3584x1xf32> to vector<3584x8xf32>
    %mul3A_24 = arith.mulf %get3A_22, %mul3A_23 : vector<3584x8xf32>
    %jit3A = arith.constant 0.000000e+00 : f32
    %broadcast_in_dim3A = vector.shape_cast %lt3A_19 : vector<3584x1xi1> to vector<3584x1xi1>
    %broadcast_in_dim3A_25 = vector.broadcast %broadcast_in_dim3A : vector<3584x1xi1> to vector<3584x8xi1>
    %broadcast_in_dim3A_26 = vector.broadcast %jit3A : f32 to vector<3584x8xf32>
    %select_n3A = arith.select %broadcast_in_dim3A_25, %mul3A_24, %broadcast_in_dim3A_26 : vector<3584x8xi1>, vector<3584x8xf32>
    %swap3A_27 = arith.constant 0 : index
    %swap3A_28 = arith.constant 0 : index
    %swap3A_29 = vector.load %arg5[%swap3A_27, %swap3A_28] : memref<3584x8xf32, #tpu.memory_space<vmem>>, vector<3584x8xf32>
    tpu.vector_store %arg5[%swap3A_27, %swap3A_28], %select_n3A {strides = array<i32>} : memref<3584x8xf32, #tpu.memory_space<vmem>>, vector<3584x8xf32>,
    return
  }
  func.func @transform_0(%arg0: i32) -> (i32, i32, i32) {
    %c0_i32 = arith.constant 0 : i32
    %c0_i32_0 = arith.constant 0 : i32
    %c0_i32_1 = arith.constant 0 : i32
    return %c0_i32, %arg0, %c0_i32_0 : i32, i32, i32
  }
  func.func @transform_1(%arg0: i32) -> (i32, i32, i32) {
    %c1_i32 = arith.constant 1 : i32
    %c0_i32 = arith.constant 0 : i32
    %c0_i32_0 = arith.constant 0 : i32
    return %c1_i32, %arg0, %c0_i32 : i32, i32, i32
  }
  func.func @transform_2(%arg0: i32) -> (i32, i32) {
    %c0_i32 = arith.constant 0 : i32
    %c0_i32_0 = arith.constant 0 : i32
    return %arg0, %c0_i32 : i32, i32
  }
  func.func @transform_3(%arg0: i32) -> (i32, i32) {
    %c0_i32 = arith.constant 0 : i32
    %c0_i32_0 = arith.constant 0 : i32
    return %arg0, %c0_i32 : i32, i32
  }
  func.func @transform_4(%arg0: i32) -> (i32, i32) {
    %c0_i32 = arith.constant 0 : i32
    %c0_i32_0 = arith.constant 0 : i32
    return %arg0, %c0_i32 : i32, i32
  }
}

module attributes {stable_mosaic.version = 14 : i64} {
  func.func @body(%arg0: i32, %arg1: memref<1x3584x8xf32, #tpu.memory_space<vmem>>, %arg2: memref<1x3584x8xf32, #tpu.memory_space<vmem>>, %arg3: memref<3584x8xf32, #tpu.memory_space<vmem>>, %arg4: memref<3584x1xbf16, #tpu.memory_space<vmem>>, %arg5: memref<8x128xf32, #tpu.memory_space<vmem>>, %arg6: memref<1x128xf32, #tpu.memory_space<vmem>>, %arg7: memref<128x64xf32, #tpu.memory_space<vmem>>, %arg8: memref<3584x64xbf16, #tpu.memory_space<vmem>>) attributes {dimension_semantics = [#tpu.dimension_semantics<arbitrary>], iteration_bounds = array<i64: 14>, scalar_prefetch = 0 : i64, scratch_operands = 0 : i64, tpu.core_type = #tpu.core_type<tc>, window_params = [{transform_indices = @transform_0, window_bounds = array<i64: 1, 3584, 8>}, {transform_indices = @transform_1, window_bounds = array<i64: 1, 3584, 8>}, {transform_indices = @transform_2, window_bounds = array<i64: 3584, 8>}, {transform_indices = @transform_3, window_bounds = array<i64: 3584, 1>}, {pipeline_mode = #tpu.pipeline_mode<synchronous>, transform_indices = @transform_4, window_bounds = array<i64: 8, 128>}, {pipeline_mode = #tpu.pipeline_mode<synchronous>, transform_indices = @transform_5, window_bounds = array<i64: 1, 128>}, {pipeline_mode = #tpu.pipeline_mode<synchronous>, transform_indices = @transform_6, window_bounds = array<i64: 128, 64>}, {transform_indices = @transform_7, window_bounds = array<i64: 3584, 64>}]} {
    %get3A = arith.constant 0 : index
    %get3A_0 = arith.constant 0 : index
    %get3A_1 = vector.load %arg4[%get3A, %get3A_0] : memref<3584x1xbf16, #tpu.memory_space<vmem>>, vector<3584x1xbf16>
    %convert_element_type3A = arith.extf %get3A_1 : vector<3584x1xbf16> to vector<3584x1xf32>
    %get3A_2 = arith.constant 0 : index
    %get3A_3 = arith.constant 0 : index
    %get3A_4 = arith.constant 0 : index
    %get3A_5 = vector.load %arg1[%get3A_2, %get3A_3, %get3A_4] : memref<1x3584x8xf32, #tpu.memory_space<vmem>>, vector<1x3584x8xf32>
    %get3A_6 = vector.shape_cast %get3A_5 : vector<1x3584x8xf32> to vector<3584x8xf32>
    %get3A_7 = arith.constant 0 : index
    %get3A_8 = arith.constant 0 : index
    %get3A_9 = arith.constant 0 : index
    %get3A_10 = vector.load %arg2[%get3A_7, %get3A_8, %get3A_9] : memref<1x3584x8xf32, #tpu.memory_space<vmem>>, vector<1x3584x8xf32>
    %get3A_11 = vector.shape_cast %get3A_10 : vector<1x3584x8xf32> to vector<3584x8xf32>
    %add3A = arith.addf %get3A_6, %get3A_11 : vector<3584x8xf32>
    %get3A_12 = arith.constant 0 : index
    %get3A_13 = arith.constant 0 : index
    %get3A_14 = vector.load %arg3[%get3A_12, %get3A_13] : memref<3584x8xf32, #tpu.memory_space<vmem>>, vector<3584x8xf32>
    %add3A_15 = arith.addf %add3A, %get3A_14 : vector<3584x8xf32>
    %mul3A = vector.broadcast %convert_element_type3A : vector<3584x1xf32> to vector<3584x8xf32>
    %mul3A_16 = arith.mulf %mul3A, %add3A_15 : vector<3584x8xf32>
    %get3A_17 = arith.constant 0 : index
    %get3A_18 = arith.constant 0 : index
    %get3A_19 = vector.load %arg5[%get3A_17, %get3A_18] : memref<8x128xf32, #tpu.memory_space<vmem>>, vector<8x128xf32>
    %dot_general3A = arith.constant dense<0.000000e+00> : vector<3584x128xf32>
    %dot_general3A_20 = tpu.matmul %mul3A_16, %get3A_19, %dot_general3A {dimension_numbers = #tpu.dot_dimension_numbers<[1], [0], [0], [1], [0, 0, 1, 1], [], []>, transpose_lhs_hint = false} : vector<3584x8xf32>, vector<8x128xf32>, vector<3584x128xf32> -> vector<3584x128xf32>
    %get3A_21 = arith.constant 0 : index
    %get3A_22 = arith.constant 0 : index
    %get3A_23 = vector.load %arg6[%get3A_21, %get3A_22] : memref<1x128xf32, #tpu.memory_space<vmem>>, vector<1x128xf32>
    %add3A_24 = vector.broadcast %get3A_23 : vector<1x128xf32> to vector<3584x128xf32>
    %add3A_25 = arith.addf %dot_general3A_20, %add3A_24 : vector<3584x128xf32>
    %max3A = arith.constant 0.000000e+00 : f32
    %max3A_26 = vector.broadcast %max3A : f32 to vector<3584x128xf32>
    %max3A_27 = arith.maximumf %add3A_25, %max3A_26 : vector<3584x128xf32>
    %mul3A_28 = arith.constant 3584 : i32
    %mul3A_29 = arith.muli %arg0, %mul3A_28 : i32
    %iota3A = tpu.iota {dimensions = array<i32: 0>} : vector<3584x1xi32>
    %add3A_30 = vector.broadcast %mul3A_29 : i32 to vector<3584x1xi32>
    %add3A_31 = arith.addi %add3A_30, %iota3A : vector<3584x1xi32>
    %lt3A = arith.constant 50000 : i32
    %lt3A_32 = vector.broadcast %lt3A : i32 to vector<3584x1xi32>
    %lt3A_33 = arith.cmpi slt, %add3A_31, %lt3A_32 : vector<3584x1xi32>
    %jit3A = arith.constant 0.000000e+00 : f32
    %broadcast_in_dim3A = vector.shape_cast %lt3A_33 : vector<3584x1xi1> to vector<3584x1xi1>
    %broadcast_in_dim3A_34 = vector.broadcast %broadcast_in_dim3A : vector<3584x1xi1> to vector<3584x128xi1>
    %broadcast_in_dim3A_35 = vector.broadcast %jit3A : f32 to vector<3584x128xf32>
    %select_n3A = arith.select %broadcast_in_dim3A_34, %max3A_27, %broadcast_in_dim3A_35 : vector<3584x128xi1>, vector<3584x128xf32>
    %get3A_36 = arith.constant 0 : index
    %get3A_37 = arith.constant 0 : index
    %get3A_38 = vector.load %arg7[%get3A_36, %get3A_37] : memref<128x64xf32, #tpu.memory_space<vmem>>, vector<128x64xf32>
    %dot_general3A_39 = arith.constant dense<0.000000e+00> : vector<3584x64xf32>
    %dot_general3A_40 = tpu.matmul %select_n3A, %get3A_38, %dot_general3A_39 {dimension_numbers = #tpu.dot_dimension_numbers<[1], [0], [0], [1], [0, 0, 1, 1], [], []>, transpose_lhs_hint = false} : vector<3584x128xf32>, vector<128x64xf32>, vector<3584x64xf32> -> vector<3584x64xf32>
    %mul3A_41 = vector.broadcast %convert_element_type3A : vector<3584x1xf32> to vector<3584x64xf32>
    %mul3A_42 = arith.mulf %mul3A_41, %dot_general3A_40 : vector<3584x64xf32>
    %convert_element_type3A_43 = arith.truncf %mul3A_42 : vector<3584x64xf32> to vector<3584x64xbf16>
    %swap3A = arith.constant 0 : index
    %swap3A_44 = arith.constant 0 : index
    %swap3A_45 = vector.load %arg8[%swap3A, %swap3A_44] : memref<3584x64xbf16, #tpu.memory_space<vmem>>, vector<3584x64xbf16>
    tpu.vector_store %arg8[%swap3A, %swap3A_44], %convert_element_type3A_43 {strides = array<i32>} : memref<3584x64xbf16, #tpu.memory_space<vmem>>, vector<3584x64xbf16>,
    return
  }
  func.func @transform_0(%arg0: i32) -> (i32, i32, i32) {
    %c0_i32 = arith.constant 0 : i32
    %c0_i32_0 = arith.constant 0 : i32
    %c0_i32_1 = arith.constant 0 : i32
    return %c0_i32, %arg0, %c0_i32_0 : i32, i32, i32
  }
  func.func @transform_1(%arg0: i32) -> (i32, i32, i32) {
    %c1_i32 = arith.constant 1 : i32
    %c0_i32 = arith.constant 0 : i32
    %c0_i32_0 = arith.constant 0 : i32
    return %c1_i32, %arg0, %c0_i32 : i32, i32, i32
  }
  func.func @transform_2(%arg0: i32) -> (i32, i32) {
    %c0_i32 = arith.constant 0 : i32
    %c0_i32_0 = arith.constant 0 : i32
    return %arg0, %c0_i32 : i32, i32
  }
  func.func @transform_3(%arg0: i32) -> (i32, i32) {
    %c0_i32 = arith.constant 0 : i32
    %c0_i32_0 = arith.constant 0 : i32
    return %arg0, %c0_i32 : i32, i32
  }
  func.func @transform_4(%arg0: i32) -> (i32, i32) {
    %c0_i32 = arith.constant 0 : i32
    %c0_i32_0 = arith.constant 0 : i32
    %c0_i32_1 = arith.constant 0 : i32
    return %c0_i32, %c0_i32_0 : i32, i32
  }
  func.func @transform_5(%arg0: i32) -> (i32, i32) {
    %c0_i32 = arith.constant 0 : i32
    %c0_i32_0 = arith.constant 0 : i32
    %c0_i32_1 = arith.constant 0 : i32
    return %c0_i32, %c0_i32_0 : i32, i32
  }
  func.func @transform_6(%arg0: i32) -> (i32, i32) {
    %c0_i32 = arith.constant 0 : i32
    %c0_i32_0 = arith.constant 0 : i32
    %c0_i32_1 = arith.constant 0 : i32
    return %c0_i32, %c0_i32_0 : i32, i32
  }
  func.func @transform_7(%arg0: i32) -> (i32, i32) {
    %c0_i32 = arith.constant 0 : i32
    %c0_i32_0 = arith.constant 0 : i32
    return %arg0, %c0_i32 : i32, i32
  }
}

module attributes {stable_mosaic.version = 14 : i64} {
  func.func @body(%arg0: i32, %arg1: memref<1x3584x64xbf16, #tpu.memory_space<vmem>>, %arg2: memref<1x3584x64xbf16, #tpu.memory_space<vmem>>, %arg3: memref<3584x64xbf16, #tpu.memory_space<vmem>>, %arg4: memref<3584x1xbf16, #tpu.memory_space<vmem>>, %arg5: memref<1x64xf32, #tpu.memory_space<vmem>>, %arg6: memref<64x32xf32, #tpu.memory_space<vmem>>, %arg7: memref<3584x32xbf16, #tpu.memory_space<vmem>>) attributes {dimension_semantics = [#tpu.dimension_semantics<arbitrary>], iteration_bounds = array<i64: 14>, scalar_prefetch = 0 : i64, scratch_operands = 0 : i64, tpu.core_type = #tpu.core_type<tc>, window_params = [{transform_indices = @transform_0, window_bounds = array<i64: 1, 3584, 64>}, {transform_indices = @transform_1, window_bounds = array<i64: 1, 3584, 64>}, {transform_indices = @transform_2, window_bounds = array<i64: 3584, 64>}, {transform_indices = @transform_3, window_bounds = array<i64: 3584, 1>}, {pipeline_mode = #tpu.pipeline_mode<synchronous>, transform_indices = @transform_4, window_bounds = array<i64: 1, 64>}, {pipeline_mode = #tpu.pipeline_mode<synchronous>, transform_indices = @transform_5, window_bounds = array<i64: 64, 32>}, {transform_indices = @transform_6, window_bounds = array<i64: 3584, 32>}]} {
    %get3A = arith.constant 0 : index
    %get3A_0 = arith.constant 0 : index
    %get3A_1 = arith.constant 0 : index
    %get3A_2 = vector.load %arg1[%get3A, %get3A_0, %get3A_1] : memref<1x3584x64xbf16, #tpu.memory_space<vmem>>, vector<1x3584x64xbf16>
    %get3A_3 = vector.shape_cast %get3A_2 : vector<1x3584x64xbf16> to vector<3584x64xbf16>
    %convert_element_type3A = arith.extf %get3A_3 : vector<3584x64xbf16> to vector<3584x64xf32>
    %get3A_4 = arith.constant 0 : index
    %get3A_5 = arith.constant 0 : index
    %get3A_6 = arith.constant 0 : index
    %get3A_7 = vector.load %arg2[%get3A_4, %get3A_5, %get3A_6] : memref<1x3584x64xbf16, #tpu.memory_space<vmem>>, vector<1x3584x64xbf16>
    %get3A_8 = vector.shape_cast %get3A_7 : vector<1x3584x64xbf16> to vector<3584x64xbf16>
    %convert_element_type3A_9 = arith.extf %get3A_8 : vector<3584x64xbf16> to vector<3584x64xf32>
    %add3A = arith.addf %convert_element_type3A, %convert_element_type3A_9 : vector<3584x64xf32>
    %get3A_10 = arith.constant 0 : index
    %get3A_11 = arith.constant 0 : index
    %get3A_12 = vector.load %arg4[%get3A_10, %get3A_11] : memref<3584x1xbf16, #tpu.memory_space<vmem>>, vector<3584x1xbf16>
    %convert_element_type3A_13 = arith.extf %get3A_12 : vector<3584x1xbf16> to vector<3584x1xf32>
    %get3A_14 = arith.constant 0 : index
    %get3A_15 = arith.constant 0 : index
    %get3A_16 = vector.load %arg3[%get3A_14, %get3A_15] : memref<3584x64xbf16, #tpu.memory_space<vmem>>, vector<3584x64xbf16>
    %convert_element_type3A_17 = arith.extf %get3A_16 : vector<3584x64xbf16> to vector<3584x64xf32>
    %add3A_18 = arith.addf %add3A, %convert_element_type3A_17 : vector<3584x64xf32>
    %mul3A = vector.broadcast %convert_element_type3A_13 : vector<3584x1xf32> to vector<3584x64xf32>
    %mul3A_19 = arith.mulf %mul3A, %add3A_18 : vector<3584x64xf32>
    %get3A_20 = arith.constant 0 : index
    %get3A_21 = arith.constant 0 : index
    %get3A_22 = vector.load %arg5[%get3A_20, %get3A_21] : memref<1x64xf32, #tpu.memory_space<vmem>>, vector<1x64xf32>
    %add3A_23 = vector.broadcast %get3A_22 : vector<1x64xf32> to vector<3584x64xf32>
    %add3A_24 = arith.addf %mul3A_19, %add3A_23 : vector<3584x64xf32>
    %max3A = arith.constant 0.000000e+00 : f32
    %max3A_25 = vector.broadcast %max3A : f32 to vector<3584x64xf32>
    %max3A_26 = arith.maximumf %add3A_24, %max3A_25 : vector<3584x64xf32>
    %mul3A_27 = arith.constant 3584 : i32
    %mul3A_28 = arith.muli %arg0, %mul3A_27 : i32
    %iota3A = tpu.iota {dimensions = array<i32: 0>} : vector<3584x1xi32>
    %add3A_29 = vector.broadcast %mul3A_28 : i32 to vector<3584x1xi32>
    %add3A_30 = arith.addi %add3A_29, %iota3A : vector<3584x1xi32>
    %lt3A = arith.constant 50000 : i32
    %lt3A_31 = vector.broadcast %lt3A : i32 to vector<3584x1xi32>
    %lt3A_32 = arith.cmpi slt, %add3A_30, %lt3A_31 : vector<3584x1xi32>
    %jit3A = arith.constant 0.000000e+00 : f32
    %broadcast_in_dim3A = vector.shape_cast %lt3A_32 : vector<3584x1xi1> to vector<3584x1xi1>
    %broadcast_in_dim3A_33 = vector.broadcast %broadcast_in_dim3A : vector<3584x1xi1> to vector<3584x64xi1>
    %broadcast_in_dim3A_34 = vector.broadcast %jit3A : f32 to vector<3584x64xf32>
    %select_n3A = arith.select %broadcast_in_dim3A_33, %max3A_26, %broadcast_in_dim3A_34 : vector<3584x64xi1>, vector<3584x64xf32>
    %get3A_35 = arith.constant 0 : index
    %get3A_36 = arith.constant 0 : index
    %get3A_37 = vector.load %arg6[%get3A_35, %get3A_36] : memref<64x32xf32, #tpu.memory_space<vmem>>, vector<64x32xf32>
    %dot_general3A = arith.constant dense<0.000000e+00> : vector<3584x32xf32>
    %dot_general3A_38 = tpu.matmul %select_n3A, %get3A_37, %dot_general3A {dimension_numbers = #tpu.dot_dimension_numbers<[1], [0], [0], [1], [0, 0, 1, 1], [], []>, transpose_lhs_hint = false} : vector<3584x64xf32>, vector<64x32xf32>, vector<3584x32xf32> -> vector<3584x32xf32>
    %mul3A_39 = vector.broadcast %convert_element_type3A_13 : vector<3584x1xf32> to vector<3584x32xf32>
    %mul3A_40 = arith.mulf %mul3A_39, %dot_general3A_38 : vector<3584x32xf32>
    %convert_element_type3A_41 = arith.truncf %mul3A_40 : vector<3584x32xf32> to vector<3584x32xbf16>
    %swap3A = arith.constant 0 : index
    %swap3A_42 = arith.constant 0 : index
    %swap3A_43 = vector.load %arg7[%swap3A, %swap3A_42] : memref<3584x32xbf16, #tpu.memory_space<vmem>>, vector<3584x32xbf16>
    tpu.vector_store %arg7[%swap3A, %swap3A_42], %convert_element_type3A_41 {strides = array<i32>} : memref<3584x32xbf16, #tpu.memory_space<vmem>>, vector<3584x32xbf16>,
    return
  }
  func.func @transform_0(%arg0: i32) -> (i32, i32, i32) {
    %c0_i32 = arith.constant 0 : i32
    %c0_i32_0 = arith.constant 0 : i32
    %c0_i32_1 = arith.constant 0 : i32
    return %c0_i32, %arg0, %c0_i32_0 : i32, i32, i32
  }
  func.func @transform_1(%arg0: i32) -> (i32, i32, i32) {
    %c1_i32 = arith.constant 1 : i32
    %c0_i32 = arith.constant 0 : i32
    %c0_i32_0 = arith.constant 0 : i32
    return %c1_i32, %arg0, %c0_i32 : i32, i32, i32
  }
  func.func @transform_2(%arg0: i32) -> (i32, i32) {
    %c0_i32 = arith.constant 0 : i32
    %c0_i32_0 = arith.constant 0 : i32
    return %arg0, %c0_i32 : i32, i32
  }
  func.func @transform_3(%arg0: i32) -> (i32, i32) {
    %c0_i32 = arith.constant 0 : i32
    %c0_i32_0 = arith.constant 0 : i32
    return %arg0, %c0_i32 : i32, i32
  }
  func.func @transform_4(%arg0: i32) -> (i32, i32) {
    %c0_i32 = arith.constant 0 : i32
    %c0_i32_0 = arith.constant 0 : i32
    %c0_i32_1 = arith.constant 0 : i32
    return %c0_i32, %c0_i32_0 : i32, i32
  }
  func.func @transform_5(%arg0: i32) -> (i32, i32) {
    %c0_i32 = arith.constant 0 : i32
    %c0_i32_0 = arith.constant 0 : i32
    %c0_i32_1 = arith.constant 0 : i32
    return %c0_i32, %c0_i32_0 : i32, i32
  }
  func.func @transform_6(%arg0: i32) -> (i32, i32) {
    %c0_i32 = arith.constant 0 : i32
    %c0_i32_0 = arith.constant 0 : i32
    return %arg0, %c0_i32 : i32, i32
  }
}

module attributes {stable_mosaic.version = 14 : i64} {
  func.func @body(%arg0: i32, %arg1: memref<1x3584x32xbf16, #tpu.memory_space<vmem>>, %arg2: memref<1x3584x32xbf16, #tpu.memory_space<vmem>>, %arg3: memref<3584x32xbf16, #tpu.memory_space<vmem>>, %arg4: memref<3584x1xbf16, #tpu.memory_space<vmem>>, %arg5: memref<1x32xf32, #tpu.memory_space<vmem>>, %arg6: memref<32x16xf32, #tpu.memory_space<vmem>>, %arg7: memref<1x16xf32, #tpu.memory_space<vmem>>, %arg8: memref<16x1xf32, #tpu.memory_space<vmem>>, %arg9: memref<1x1xf32, #tpu.memory_space<vmem>>, %arg10: memref<1x1xf32, #tpu.memory_space<vmem>>, %arg11: memref<1x32xf32, #tpu.memory_space<vmem>>) attributes {dimension_semantics = [#tpu.dimension_semantics<arbitrary>], iteration_bounds = array<i64: 14>, scalar_prefetch = 0 : i64, scratch_operands = 1 : i64, tpu.core_type = #tpu.core_type<tc>, window_params = [{transform_indices = @transform_0, window_bounds = array<i64: 1, 3584, 32>}, {transform_indices = @transform_1, window_bounds = array<i64: 1, 3584, 32>}, {transform_indices = @transform_2, window_bounds = array<i64: 3584, 32>}, {transform_indices = @transform_3, window_bounds = array<i64: 3584, 1>}, {pipeline_mode = #tpu.pipeline_mode<synchronous>, transform_indices = @transform_4, window_bounds = array<i64: 1, 32>}, {pipeline_mode = #tpu.pipeline_mode<synchronous>, transform_indices = @transform_5, window_bounds = array<i64: 32, 16>}, {pipeline_mode = #tpu.pipeline_mode<synchronous>, transform_indices = @transform_6, window_bounds = array<i64: 1, 16>}, {pipeline_mode = #tpu.pipeline_mode<synchronous>, transform_indices = @transform_7, window_bounds = array<i64: 16, 1>}, {pipeline_mode = #tpu.pipeline_mode<synchronous>, transform_indices = @transform_8, window_bounds = array<i64: 1, 1>}, {pipeline_mode = #tpu.pipeline_mode<synchronous>, transform_indices = @transform_9, window_bounds = array<i64: 1, 1>}]} {
    %get3A = arith.constant 0 : index
    %get3A_0 = arith.constant 0 : index
    %get3A_1 = arith.constant 0 : index
    %get3A_2 = vector.load %arg1[%get3A, %get3A_0, %get3A_1] : memref<1x3584x32xbf16, #tpu.memory_space<vmem>>, vector<1x3584x32xbf16>
    %get3A_3 = vector.shape_cast %get3A_2 : vector<1x3584x32xbf16> to vector<3584x32xbf16>
    %convert_element_type3A = arith.extf %get3A_3 : vector<3584x32xbf16> to vector<3584x32xf32>
    %get3A_4 = arith.constant 0 : index
    %get3A_5 = arith.constant 0 : index
    %get3A_6 = arith.constant 0 : index
    %get3A_7 = vector.load %arg2[%get3A_4, %get3A_5, %get3A_6] : memref<1x3584x32xbf16, #tpu.memory_space<vmem>>, vector<1x3584x32xbf16>
    %get3A_8 = vector.shape_cast %get3A_7 : vector<1x3584x32xbf16> to vector<3584x32xbf16>
    %convert_element_type3A_9 = arith.extf %get3A_8 : vector<3584x32xbf16> to vector<3584x32xf32>
    %add3A = arith.addf %convert_element_type3A, %convert_element_type3A_9 : vector<3584x32xf32>
    %get3A_10 = arith.constant 0 : index
    %get3A_11 = arith.constant 0 : index
    %get3A_12 = vector.load %arg4[%get3A_10, %get3A_11] : memref<3584x1xbf16, #tpu.memory_space<vmem>>, vector<3584x1xbf16>
    %convert_element_type3A_13 = arith.extf %get3A_12 : vector<3584x1xbf16> to vector<3584x1xf32>
    %get3A_14 = arith.constant 0 : index
    %get3A_15 = arith.constant 0 : index
    %get3A_16 = vector.load %arg3[%get3A_14, %get3A_15] : memref<3584x32xbf16, #tpu.memory_space<vmem>>, vector<3584x32xbf16>
    %convert_element_type3A_17 = arith.extf %get3A_16 : vector<3584x32xbf16> to vector<3584x32xf32>
    %add3A_18 = arith.addf %add3A, %convert_element_type3A_17 : vector<3584x32xf32>
    %mul3A = vector.broadcast %convert_element_type3A_13 : vector<3584x1xf32> to vector<3584x32xf32>
    %mul3A_19 = arith.mulf %mul3A, %add3A_18 : vector<3584x32xf32>
    %get3A_20 = arith.constant 0 : index
    %get3A_21 = arith.constant 0 : index
    %get3A_22 = vector.load %arg5[%get3A_20, %get3A_21] : memref<1x32xf32, #tpu.memory_space<vmem>>, vector<1x32xf32>
    %add3A_23 = vector.broadcast %get3A_22 : vector<1x32xf32> to vector<3584x32xf32>
    %add3A_24 = arith.addf %mul3A_19, %add3A_23 : vector<3584x32xf32>
    %max3A = arith.constant 0.000000e+00 : f32
    %max3A_25 = vector.broadcast %max3A : f32 to vector<3584x32xf32>
    %max3A_26 = arith.maximumf %add3A_24, %max3A_25 : vector<3584x32xf32>
    %mul3A_27 = arith.constant 3584 : i32
    %mul3A_28 = arith.muli %arg0, %mul3A_27 : i32
    %iota3A = tpu.iota {dimensions = array<i32: 0>} : vector<3584x1xi32>
    %add3A_29 = vector.broadcast %mul3A_28 : i32 to vector<3584x1xi32>
    %add3A_30 = arith.addi %add3A_29, %iota3A : vector<3584x1xi32>
    %lt3A = arith.constant 50000 : i32
    %lt3A_31 = vector.broadcast %lt3A : i32 to vector<3584x1xi32>
    %lt3A_32 = arith.cmpi slt, %add3A_30, %lt3A_31 : vector<3584x1xi32>
    %jit3A = arith.constant 0.000000e+00 : f32
    %broadcast_in_dim3A = vector.shape_cast %lt3A_32 : vector<3584x1xi1> to vector<3584x1xi1>
    %broadcast_in_dim3A_33 = vector.broadcast %broadcast_in_dim3A : vector<3584x1xi1> to vector<3584x32xi1>
    %broadcast_in_dim3A_34 = vector.broadcast %jit3A : f32 to vector<3584x32xf32>
    %select_n3A = arith.select %broadcast_in_dim3A_33, %max3A_26, %broadcast_in_dim3A_34 : vector<3584x32xi1>, vector<3584x32xf32>
    %reduce_sum3A = arith.constant dense<0.000000e+00> : vector<32xf32>
    %reduce_sum3A_35 = vector.multi_reduction <add>, %select_n3A, %reduce_sum3A [0] : vector<3584x32xf32> to vector<32xf32>
    %broadcast_in_dim3A_36 = vector.shape_cast %reduce_sum3A_35 : vector<32xf32> to vector<1x32xf32>
    %eq3A = arith.constant 0 : i32
    %eq3A_37 = arith.cmpi eq, %arg0, %eq3A : i32
    %convert_element_type3A_38 = arith.extui %eq3A_37 : i1 to i32
    %cond3A = arith.constant 0 : i32
    %cond3A_39 = arith.cmpi ne, %convert_element_type3A_38, %cond3A : i32
    scf.if %cond3A_39 {
      %swap3A = arith.constant 0 : index
      %swap3A_49 = arith.constant 0 : index
      %swap3A_50 = vector.load %arg11[%swap3A, %swap3A_49] : memref<1x32xf32, #tpu.memory_space<vmem>>, vector<1x32xf32>
      tpu.vector_store %arg11[%swap3A, %swap3A_49], %broadcast_in_dim3A_36 {strides = array<i32>} : memref<1x32xf32, #tpu.memory_space<vmem>>, vector<1x32xf32>,
    } else {
    }
    %gt3A = arith.constant 0 : i32
    %gt3A_40 = arith.cmpi sgt, %arg0, %gt3A : i32
    %convert_element_type3A_41 = arith.extui %gt3A_40 : i1 to i32
    %cond3A_42 = arith.constant 0 : i32
    %cond3A_43 = arith.cmpi ne, %convert_element_type3A_41, %cond3A_42 : i32
    scf.if %cond3A_43 {
      %get3A_49 = arith.constant 0 : index
      %get3A_50 = arith.constant 0 : index
      %get3A_51 = vector.load %arg11[%get3A_49, %get3A_50] : memref<1x32xf32, #tpu.memory_space<vmem>>, vector<1x32xf32>
      %add3A_52 = arith.addf %get3A_51, %broadcast_in_dim3A_36 : vector<1x32xf32>
      %swap3A = arith.constant 0 : index
      %swap3A_53 = arith.constant 0 : index
      %swap3A_54 = vector.load %arg11[%swap3A, %swap3A_53] : memref<1x32xf32, #tpu.memory_space<vmem>>, vector<1x32xf32>
      tpu.vector_store %arg11[%swap3A, %swap3A_53], %add3A_52 {strides = array<i32>} : memref<1x32xf32, #tpu.memory_space<vmem>>, vector<1x32xf32>,
    } else {
    }
    %eq3A_44 = arith.constant 13 : i32
    %eq3A_45 = arith.cmpi eq, %arg0, %eq3A_44 : i32
    %convert_element_type3A_46 = arith.extui %eq3A_45 : i1 to i32
    %cond3A_47 = arith.constant 0 : i32
    %cond3A_48 = arith.cmpi ne, %convert_element_type3A_46, %cond3A_47 : i32
    scf.if %cond3A_48 {
      %get3A_49 = arith.constant 0 : index
      %get3A_50 = arith.constant 0 : index
      %get3A_51 = vector.load %arg11[%get3A_49, %get3A_50] : memref<1x32xf32, #tpu.memory_space<vmem>>, vector<1x32xf32>
      %mul3A_52 = arith.constant 2.000000e-05 : f32
      %mul3A_53 = vector.broadcast %mul3A_52 : f32 to vector<1x32xf32>
      %mul3A_54 = arith.mulf %get3A_51, %mul3A_53 : vector<1x32xf32>
      %get3A_55 = arith.constant 0 : index
      %get3A_56 = arith.constant 0 : index
      %get3A_57 = vector.load %arg6[%get3A_55, %get3A_56] : memref<32x16xf32, #tpu.memory_space<vmem>>, vector<32x16xf32>
      %dot_general3A = arith.constant dense<0.000000e+00> : vector<1x16xf32>
      %dot_general3A_58 = tpu.matmul %mul3A_54, %get3A_57, %dot_general3A {dimension_numbers = #tpu.dot_dimension_numbers<[1], [0], [0], [1], [0, 0, 1, 1], [], []>, transpose_lhs_hint = false} : vector<1x32xf32>, vector<32x16xf32>, vector<1x16xf32> -> vector<1x16xf32>
      %get3A_59 = arith.constant 0 : index
      %get3A_60 = arith.constant 0 : index
      %get3A_61 = vector.load %arg7[%get3A_59, %get3A_60] : memref<1x16xf32, #tpu.memory_space<vmem>>, vector<1x16xf32>
      %add3A_62 = arith.addf %dot_general3A_58, %get3A_61 : vector<1x16xf32>
      %max3A_63 = arith.constant 0.000000e+00 : f32
      %max3A_64 = vector.broadcast %max3A_63 : f32 to vector<1x16xf32>
      %max3A_65 = arith.maximumf %add3A_62, %max3A_64 : vector<1x16xf32>
      %get3A_66 = arith.constant 0 : index
      %get3A_67 = arith.constant 0 : index
      %get3A_68 = vector.load %arg8[%get3A_66, %get3A_67] : memref<16x1xf32, #tpu.memory_space<vmem>>, vector<16x1xf32>
      %dot_general3A_69 = arith.constant dense<0.000000e+00> : vector<1x1xf32>
      %dot_general3A_70 = tpu.matmul %max3A_65, %get3A_68, %dot_general3A_69 {dimension_numbers = #tpu.dot_dimension_numbers<[1], [0], [0], [1], [0, 0, 1, 1], [], []>, transpose_lhs_hint = false} : vector<1x16xf32>, vector<16x1xf32>, vector<1x1xf32> -> vector<1x1xf32>
      %get3A_71 = arith.constant 0 : index
      %get3A_72 = arith.constant 0 : index
      %get3A_73 = vector.load %arg9[%get3A_71, %get3A_72] : memref<1x1xf32, #tpu.memory_space<vmem>>, vector<1x1xf32>
      %add3A_74 = arith.addf %dot_general3A_70, %get3A_73 : vector<1x1xf32>
      %swap3A = arith.constant 0 : index
      %swap3A_75 = arith.constant 0 : index
      %swap3A_76 = vector.load %arg10[%swap3A, %swap3A_75] : memref<1x1xf32, #tpu.memory_space<vmem>>, vector<1x1xf32>
      tpu.vector_store %arg10[%swap3A, %swap3A_75], %add3A_74 {strides = array<i32>} : memref<1x1xf32, #tpu.memory_space<vmem>>, vector<1x1xf32>,
    } else {
    }
    return
  }
  func.func @transform_0(%arg0: i32) -> (i32, i32, i32) {
    %c0_i32 = arith.constant 0 : i32
    %c0_i32_0 = arith.constant 0 : i32
    %c0_i32_1 = arith.constant 0 : i32
    return %c0_i32, %arg0, %c0_i32_0 : i32, i32, i32
  }
  func.func @transform_1(%arg0: i32) -> (i32, i32, i32) {
    %c1_i32 = arith.constant 1 : i32
    %c0_i32 = arith.constant 0 : i32
    %c0_i32_0 = arith.constant 0 : i32
    return %c1_i32, %arg0, %c0_i32 : i32, i32, i32
  }
  func.func @transform_2(%arg0: i32) -> (i32, i32) {
    %c0_i32 = arith.constant 0 : i32
    %c0_i32_0 = arith.constant 0 : i32
    return %arg0, %c0_i32 : i32, i32
  }
  func.func @transform_3(%arg0: i32) -> (i32, i32) {
    %c0_i32 = arith.constant 0 : i32
    %c0_i32_0 = arith.constant 0 : i32
    return %arg0, %c0_i32 : i32, i32
  }
  func.func @transform_4(%arg0: i32) -> (i32, i32) {
    %c0_i32 = arith.constant 0 : i32
    %c0_i32_0 = arith.constant 0 : i32
    %c0_i32_1 = arith.constant 0 : i32
    return %c0_i32, %c0_i32_0 : i32, i32
  }
  func.func @transform_5(%arg0: i32) -> (i32, i32) {
    %c0_i32 = arith.constant 0 : i32
    %c0_i32_0 = arith.constant 0 : i32
    %c0_i32_1 = arith.constant 0 : i32
    return %c0_i32, %c0_i32_0 : i32, i32
  }
  func.func @transform_6(%arg0: i32) -> (i32, i32) {
    %c0_i32 = arith.constant 0 : i32
    %c0_i32_0 = arith.constant 0 : i32
    %c0_i32_1 = arith.constant 0 : i32
    return %c0_i32, %c0_i32_0 : i32, i32
  }
  func.func @transform_7(%arg0: i32) -> (i32, i32) {
    %c0_i32 = arith.constant 0 : i32
    %c0_i32_0 = arith.constant 0 : i32
    %c0_i32_1 = arith.constant 0 : i32
    return %c0_i32, %c0_i32_0 : i32, i32
  }
  func.func @transform_8(%arg0: i32) -> (i32, i32) {
    %c0_i32 = arith.constant 0 : i32
    %c0_i32_0 = arith.constant 0 : i32
    %c0_i32_1 = arith.constant 0 : i32
    return %c0_i32, %c0_i32_0 : i32, i32
  }
  func.func @transform_9(%arg0: i32) -> (i32, i32) {
    %c0_i32 = arith.constant 0 : i32
    %c0_i32_0 = arith.constant 0 : i32
    %c0_i32_1 = arith.constant 0 : i32
    return %c0_i32, %c0_i32_0 : i32, i32
  }
}

</mosaic_0001>

<sc_bundles>
// kernel: kernel.10.cloned.1.call-start
scs
__scs_entry_jumppad:
0x0: {  	(pc) =	sbr.rel $0x88, $3  }
0x1: {  	(tag) =	ssettag $0x0;
	lr =	simm.s32 $0x1  }
0x2: {  	[smem:$0x3F95] =	sst lr;
	_ =	strace $0xD0000000  }
0x3: {  	_ = 	snop  }
0x4: {  	_ = 	snop  }
0x5: {  	_ = 	snop  }
0x6: {  	_ = 	snop  }
0x7: {  	_ = 	snop  }
__scs_overlays_trampoline_lowered:
0x8: {  	[smem:$0x3FA4] =	sst s0  }
0x9: {  	[smem:$0x3FA5] =	sst s1  }
0xa: {  	[smem:$0x3FA6] =	sst s2  }
0xb: {  	[smem:$0x3FA7] =	sst s3  }
0xc: {  	[smem:$0x3FA8] =	sst s4  }
0xd: {  	[smem:$0x3FA9] =	sst s5  }
0xe: {  	[smem:$0x3FAA] =	sst s6  }
0xf: {  	[smem:$0x3FAB] =	sst s7  }
0x10: {  	[smem:$0x3FAC] =	sst s8  }
0x11: {  	[smem:$0x3FAD] =	sst s9;
	s0 =	simm.s32 @!p0 $0x0  }
0x12: {  	s1 =	sld [smem:$0x3F93];
	s0 =	simm.s32 @p0 $0x1  }
0x13: {  	[smem:$0x3FAE] =	sst s0;
	s0 =	simm.s32 @!p1 $0x0  }
0x14: {  	s2 =	sld [smem:$0x3F92];
	s0 =	simm.s32 @p1 $0x1  }
0x15: {  	[smem:$0x3FAF] =	sst s0;
	s0 =	simm.s32 @!p2 $0x0  }
0x16: {  	s3 =	sld [smem:$0x3FDB];
	s0 =	simm.s32 @p2 $0x1  }
0x17: {  	s4 =	simm.s32 $0x1BF5;
	[smem:$0x3FB1] =	sst s0  }
0x18: {  	s0 =	sld [smem:$0x3F94];
	_ =	swait.ge [sflag:s4], $0x0  }
0x19: {  	s7 =	sld [smem:$0x3F95]  }
0x1a: {  	s8 =	sadd.s32 $0xFFFFE003, lr  }
0x1b: {  	s9 =	sadd.s32 $0xFFFFFEF7, lr;
	s5 =	simm.s32 $0xFFFFFFFF;
	p2 =	slt.u32 s8, $0xFFFFF086  }
0x1c: {  	p1 =	slt.u32 s9, $0xF7A;
	s5 =	simm.s32 @!p2 $0x0  }
0x1d: {  	s5 =	simm.s32 @p1 $0x1;
	p0 =	seq.s32 s7, s2  }
0x1e: {  	s7 =	smul.u32 @!p0 $0xF7A, s2;
	p2 =	seq.s32 @!p0 s5, $0x0  }
0x1f: {  	s9 =	smul.u32 $0xF7A, s1;
	s8 =	simm.s32 @!p0 $0x1BF5;
	p2 =	por !p2, p0  }
0x20: {  	[sflag:s8] =	ssyncset.s32 @!p0 $0xFFFFF086;
	s6 =	sadd.s32 @!p0 s3, s7;
	s7 =	simm.s32 @!p0 $0x108  }
0x21: {  	s3 =	sadd.s32 s3, s9;
	s6 =	sadd.s32 @!p0 $0x88, s6;
	s7 =	simm.s32 @p2 $0x1082  }
0x22: {  	[simem:s7], [sflag:s8] =	dma.local @!p0 [hbm:s6], $0xF7A  }
0x23: {  	s9 =	sor.u32 $0xD0000000, s2;
	s6 =	simm.s32 $0x108;
	_ =	swait.ge @!p0 [sflag:s8], $0x0  }
0x24: {  	s3 =	sadd.s32 $0x88, s3;
	s6 =	simm.s32 @!p1 $0x1082;
	[sflag:s4] =	ssyncset.s32 $0xFFFFF086  }
0x25: {  	[simem:s6], [sflag:s4] =	dma.local [hbm:s3], $0xF7A  }
0x26: {  	[smem:$0x3F95] =	sst s1;
	(tag) =	ssettag s2;
	_ =	strace s9  }
0x27: {  	s1 =	sld [smem:$0x3FA5]  }
0x28: {  	s2 =	sld [smem:$0x3FA6]  }
0x29: {  	s4 =	sld [smem:$0x3FA8]  }
0x2a: {  	p0 =	seq.s32 s5, $0x0;
	s5 =	sld [smem:$0x3FA9]  }
0x2b: {  	s6 =	sld [smem:$0x3FAA]  }
0x2c: {  	s7 =	sld [smem:$0x3FAB]  }
0x2d: {  	s3 =	simm.s32 $0x108;
	s8 =	sld [smem:$0x3FAC]  }
0x2e: {  	s3 =	simm.s32 @!p0 $0x1082;
	s9 =	sld [smem:$0x3FAD]  }
0x2f: {  	lr =	sadd.s32 s0, s3;
	s0 =	sld [smem:$0x3FA4]  }
0x30: {  	s3 =	sld [smem:$0x3FA7]  }
0x31: {  	[smem:$0x3FB0] =	sst s10  }
0x32: {  	s10 =	sld [smem:$0x3FAE];
	_ =	sdelay $0x3  }
0x33: {  	p0 =	seq.s32 s10, $0x1;
	s10 =	sld [smem:$0x3FB0];
	_ =	sdelay $0x3  }
0x34: {  	[smem:$0x3FB0] =	sst s10  }
0x35: {  	s10 =	sld [smem:$0x3FAF];
	_ =	sdelay $0x3  }
0x36: {  	p1 =	seq.s32 s10, $0x1;
	s10 =	sld [smem:$0x3FB0];
	_ =	sdelay $0x3  }
0x37: {  	[smem:$0x3FB0] =	sst s10  }
0x38: {  	s10 =	sld [smem:$0x3FB1]  }
0x39: {  	_ = 	snop;
	(pc) =	sbr.ind lr, $3  }
0x3a: {  	_ = 	snop  }
0x3b: {  	_ = 	snop  }
0x3c: {  	p2 =	seq.s32 s10, $0x1;
	s10 =	sld [smem:$0x3FB0]  }
0x3d: {  	_ =	shalt  }
0x3e: {  	_ =	shalt  }
0x3f: {  	_ =	shalt  }
0x40: {  	_ =	shalt  }
0x41: {  	_ =	shalt  }
0x42: {  	_ =	shalt  }
0x43: {  	_ =	shalt  }
0x44: {  	_ =	shalt  }
0x45: {  	_ =	shalt  }
0x46: {  	_ =	shalt  }
0x47: {  	_ =	shalt  }
0x48: {  	_ =	shalt  }
0x49: {  	_ =	shalt  }
0x4a: {  	_ =	shalt  }
0x4b: {  	_ =	shalt  }
0x4c: {  	_ =	shalt  }
0x4d: {  	_ =	shalt  }
0x4e: {  	_ =	shalt  }
0x4f: {  	_ =	shalt  }
0x50: {  	_ =	shalt  }
0x51: {  	_ =	shalt  }
0x52: {  	_ =	shalt  }
0x53: {  	_ =	shalt  }
0x54: {  	_ =	shalt  }
0x55: {  	_ =	shalt  }
0x56: {  	_ =	shalt  }
0x57: {  	_ =	shalt  }
0x58: {  	_ =	shalt  }
0x59: {  	_ =	shalt  }
0x5a: {  	_ =	shalt  }
0x5b: {  	_ =	shalt  }
0x5c: {  	_ =	shalt  }
0x5d: {  	_ =	shalt  }
0x5e: {  	_ =	shalt  }
0x5f: {  	_ =	shalt  }
0x60: {  	_ =	shalt  }
0x61: {  	_ =	shalt  }
0x62: {  	_ =	shalt  }
0x63: {  	_ =	shalt  }
0x64: {  	_ =	shalt  }
0x65: {  	_ =	shalt  }
0x66: {  	_ =	shalt  }
0x67: {  	_ =	shalt  }
0x68: {  	_ =	shalt  }
0x69: {  	_ =	shalt  }
0x6a: {  	_ =	shalt  }
0x6b: {  	_ =	shalt  }
0x6c: {  	_ =	shalt  }
0x6d: {  	_ =	shalt  }
0x6e: {  	_ =	shalt  }
0x6f: {  	_ =	shalt  }
0x70: {  	_ =	shalt  }
0x71: {  	_ =	shalt  }
0x72: {  	_ =	shalt  }
0x73: {  	_ =	shalt  }
0x74: {  	_ =	shalt  }
0x75: {  	_ =	shalt  }
0x76: {  	_ =	shalt  }
0x77: {  	_ =	shalt  }
0x78: {  	_ =	shalt  }
0x79: {  	_ =	shalt  }
0x7a: {  	_ =	shalt  }
0x7b: {  	_ =	shalt  }
0x7c: {  	_ =	shalt  }
0x7d: {  	_ =	shalt  }
0x7e: {  	_ =	shalt  }
0x7f: {  	_ =	shalt  }
0x80: {  	_ =	shalt  }
0x81: {  	_ =	shalt  }
0x82: {  	_ =	shalt  }
0x83: {  	_ =	shalt  }
0x84: {  	_ =	shalt  }
0x85: {  	_ =	shalt  }
0x86: {  	_ =	shalt  }
0x87: {  	_ =	shalt  }
.Lfunc_end0:
.L_simem_size_0:
called_computation_lowered:
.L_overlay_start_0:
0x88: {  	s2 =	sld [smem:$0x3FD9]  }
0x89: {  	s3 =	sld [smem:$0x3FFE];
	_ =	sdelay $0x1  }
0x8a: {  	s1 =	srdreg.scid  }
0x8b: {  	s0 =	sand.u32 $0x1, s1  }
0x8c: {  	s16 =	sshll.u32 s0, $0xA;
	s2 =	sadd.s32 s3, s2  }
0x8d: {  	s2 =	sadd.s32 s2, s16  }
0x8e: {  	[smem:$0x3FBC] =	sst s2  }
0x8f: {  	_ = 	snop  }
0x90: {  	(tm) =	ssettm $0x1  }
0x91: {  	s17 =	sld [smem:$0x3FFB];
	_ =	sdelay $0x3  }
0x92: {  	_ =	strace s17  }
0x93: {  	s2 =	sld [smem:$0x3FFC];
	_ =	sdelay $0x3  }
0x94: {  	_ =	strace s2  }
0x95: {  	s2 =	sld [smem:$0x3FFD];
	_ =	sdelay $0x3  }
0x96: {  	_ =	strace s2  }
0x97: {  	_ =	strace $0x8FFFFFFF  }
0x98: {  	s18 =	sld [smem:$0x3FDB];
	_ =	sdelay $0x1  }
0x99: {  	s19 =	simm.s32 $_scs_section_size  }
0x9a: {  	s4 =	simm.s32 $_size__tile_overlayer_lowered;
	s5 =	simm.s32 $_tile_overlayer_lowered  }
0x9b: {  	s22 =	simm.s32 $0x1BFF;
	s21 =	sshll.u32 s5, $0x1;
	s2 =	sadd.s32 s19, s18  }
0x9c: {  	s6 =	simm.s32 $0x0;
	s20 =	sshll.u32 s4, $0x1;
	s4 =	sadd.s32 s21, s2  }
0x9d: {  	[timem:s6], [sflag:s22] =	dma.local [hbm:s4], s20  }
0x9e: {  	_ =	swait.ge [sflag:s22], s20  }
0x9f: {  	s3 =	ssub.s32 $0x0, s20;
	[sflag:s22] =	ssyncset.done $0x0  }
0xa0: {  	[sflag:s22] =	ssyncadd.s32 s3;
	_ =	sdelay $0x1  }
0xa1: {  	s23 =	simm.s32 $0x1B8B  }
0xa2: {  	_ =	swait.ge [sflag:s23], $0x1  }
0xa3: {  	[sflag:s23] =	ssyncset.done $0x0  }
0xa4: {  	s25 =	simm.s32 $0x1B8E;
	s24 =	sld [smem:$0x3FFE];
	[sflag:s23] =	ssyncadd.s32 $0xFFFFFFFF  }
0xa5: {  	s26 =	simm.s32 $execute0_lowered;
	[smem:$0x3FD2] =	sst s25  }
0xa6: {  	s4 =	sshll.u32 s26, $0x1;
	_ =	strace $0x80000046;
	[dreg:$0x1] =	wrdreg $0xFFFFFFFF  }
0xa7: {  	s28 =	simm.s32 $_size_execute0_lowered;
	s2 =	sadd.s32 s2, s4;
	[dreg:$0x0] =	wrdreg $0x0  }
0xa8: {  	s4 =	sshll.u32 s28, $0x1;
	[dreg:$0x2] =	wrdreg s2  }
0xa9: {  	[dreg:$0x3] =	wrdreg s4  }
0xaa: {  	[dreg:$0x4] =	wrdreg $0xC0  }
0xab: {  	_ =	task [dreg:s6], $0x5FFFF  }
0xac: {  	[dreg:$0x1] =	wrdreg $0xFFFFFFFF  }
0xad: {  	[dreg:$0x0] =	wrdreg $0x60  }
0xae: {  	[dreg:$0x2] =	wrdreg s24  }
0xaf: {  	[dreg:$0x3] =	wrdreg $0x9000  }
0xb0: {  	[dreg:$0x4] =	wrdreg $0x9  }
0xb1: {  	_ =	task.clear_ibuf [dreg:s6], $0x5FFFF;
	_ =	strace $0x90000046  }
0xb2: {  	s29 =	simm.s32 $0x9;
	_ =	strace $0x80000048  }
0xb3: {  	_ =	swait.ge [sflag:s29], $0x1  }
0xb4: {  	[sflag:s29] =	ssyncadd.s32 $0xFFFFFFFF  }
0xb5: {  	_ =	strace $0x90000048  }
0xb6: {  	_ =	sfence  }
0xb7: {  	s30 =	sld [smem:$0x0];
	_ =	sdelay $0x2  }
0xb8: {  	s31 =	sshll.u32 s1, $0xD;
	s1 =	sshrl.u32 s1, $0x2  }
0xb9: {  	s3 =	sand.u32 $0x4000, s31;
	s1 =	sadd.s32 s1, s30  }
0xba: {  	s0 =	sor.u32 s3, s0;
	s1 =	sshll.u32 s1, $0x11  }
0xbb: {  	s0 =	sor.u32 s1, s0  }
0xbc: {  	s0 =	sadd.s32 $0x8F2B, s0  }
0xbd: {  	[sflag:s0] =	ssyncadd.remote.s32 $0x1  }
0xbe: {  	_ =	sfence.sel $0xFFFF  }
0xbf: {  	[dreg:$0x0] =	wrdreg $0xFFFFFFFF;
	(pc) =	sbr.abs _section_cstart, $3  }
0xc0: {  	[dreg:$0x1] =	wrdreg $0xFFFFFFFF  }
0xc1: {  	_ =	task.clear_ibuf [dreg:s6], $0x2FFFF;
	_ =	strace $0x9FFFFFFF  }
0xc2: {  	(tm) =	ssettm $0x7FFFFFFF  }
0xc3: {  	_ =	shalt  }
tec
execute0_lowered:
.L_overlay_start_1:
0x0: {  	(tag) =	ssettag $0x1  }
0x1: {  	s0 =	rddreg [dreg:$0x0]  }
0x2: {  	s1 =	rddreg [dreg:$0x1]  }
0x3: {  	s2 =	srdreg.scid;
	s3 =	simm.s32 $0x0;
	s6 =	stileid.u32  }
0x4: {  	s11 =	simm.s32 $0x500;
	s12 =	simm.s32 $0x3;
	s13 =	simm.s32 $0x100  }
0x5: {  	s2 =	sand.u32 $0x1, s2;
	[smem:$0x7FF] =	sst s3;
	s5 =	smul.u32 $0x6200, s6  }
0x6: {  	s7 =	sadd.s32 $0x1B400, s0;
	s8 =	sadd.s32 $0x33E00, s0;
	s6 =	smul.u32 $0x18800, s6  }
0x7: {  	s14 =	sadd.s32 $0x33C00, s0;
	_ =	strace $0x80000047;
	[dreg:$0x3] =	wrdreg s8  }
0x8: {  	s4 =	smul.u32 $0x62000, s2;
	[dreg:$0x4] =	wrdreg s14;
	s2 =	ssub.s32 $0x2, s2  }
0x9: {  	s14 =	simm.s32 $0x1;
	s9 =	sshrl.u32 s2, $0x1;
	s6 =	sshrl.u32 s6, $0x2  }
0xa: {  	s17 =	sadd.s32 s5, s1;
	s4 =	sadd.s32 s5, s4;
	s6 =	sadd.s32 s6, s1  }
0xb: {  	s2 =	ssub.s32 s2, s9;
	s15 =	sshrl.u32 s4, $0x3;
	s16 =	sadd.s32 $0x6000, s6  }
0xc: {  	s2 =	smax.u32 s2, $0x1;
	s18 =	sadd.s32 $0x400, s6;
	[dreg:$0x6] =	wrdreg s16  }
0xd: {  	s19 =	sadd.s32 $0x800, s6;
	s20 =	sadd.s32 $0xC00, s6;
	[dreg:$0x9] =	wrdreg s2  }
0xe: {  	s21 =	sadd.s32 $0x1000, s6;
	s22 =	sadd.s32 $0x1400, s6;
	[dreg:$0xa] =	wrdreg s18  }
0xf: {  	s23 =	sadd.s32 $0x1800, s6;
	s24 =	sadd.s32 $0x1C00, s6;
	[dreg:$0xb] =	wrdreg s19  }
0x10: {  	s25 =	sadd.s32 $0x2000, s6;
	s26 =	sor.u32 $0x180, s4;
	[dreg:$0xc] =	wrdreg s20  }
0x11: {  	s4 =	sor.u32 $0x100, s4;
	s28 =	sadd.s32 $0x3400, s6;
	[dreg:$0xd] =	wrdreg s21  }
0x12: {  	s29 =	sadd.s32 $0x3800, s6;
	s30 =	sadd.s32 $0x3C00, s6;
	[dreg:$0xe] =	wrdreg s22  }
0x13: {  	s31 =	sadd.s32 $0x4000, s6;
	s5 =	sadd.s32 $0x5000, s6;
	[dreg:$0xf] =	wrdreg s23  }
0x14: {  	s9 =	sadd.s32 $0x5800, s6;
	s10 =	sadd.s32 $0x5C00, s6;
	[dreg:$0x10] =	wrdreg s24  }
0x15: {  	s0 =	sadd.s32 s15, s0;
	s8 =	sadd.s32 s7, s15;
	[dreg:$0x11] =	wrdreg s25  }
0x16: {  	s20 =	sadd.s32 $0x2400, s6;
	s2 =	sshrl.u32 s26, $0x3;
	s4 =	sshrl.u32 s4, $0x3  }
0x17: {  	s21 =	sadd.s32 $0x2800, s6;
	s24 =	sadd.s32 $0x2C00, s6;
	s25 =	sshrl.u32 s17, $0x3  }
0x18: {  	s26 =	sadd.s32 $0x3000, s6;
	s15 =	simm.s32 $0x2;
	s16 =	simm.s32 $0x0  }
0x19: {  	[dreg:$0x5] =	wrdreg s8;
	s8 =	sadd.s32 $0x10, s8;
	s0 =	sadd.s32 $0x34000, s0  }
0x1a: {  	s22 =	sadd.s32 s2, s7;
	s23 =	sadd.s32 s4, s7;
	s2 =	sadd.s32 $0x4800, s6  }
0x1b: {  	s4 =	sadd.s32 $0x4C00, s6;
	s7 =	simm.s32 $0x80;
	[dreg:$0x7] =	wrdreg s8  }
0x1c: {  	[dreg:$0x8] =	wrdreg s0;
	s0 =	sadd.s32 $0x4400, s6;
	s8 =	sadd.s32 $0x5400, s6  }
.LBB2_1:
0x1d: {  	s17 =	rddreg [dreg:$0x4]  }
0x1e: {  	[tilespmem:s11], [sflag:$0x3] =	stream.linear.gather [hbm4b:s17+s3], $0x400, $0x38;
	[tilespmem:$0x6B00] =	vst v63  }
0x1f: {  	_ =	swait.ge [sflag:s12], $0x400  }
0x20: {  	[sflag:s12] =	ssyncset.done $0x0  }
0x21: {  	[sflag:s12] =	ssyncadd.s32 $0xFFFFFC00  }
0x22: {  	[spmem:s6] =	stream.linear.scatter [tilespmem:s11], [sflag:$0x3], $0x400, $0x38;
	[tilespmem:$0x6B00] =	vst v63  }
0x23: {  	_ =	swait.ge [sflag:s12], $0x400  }
0x24: {  	[sflag:s12] =	ssyncset.done $0x0  }
0x25: {  	s19 =	rddreg [dreg:$0xa];
	[sflag:s12] =	ssyncadd.s32 $0xFFFFFC00  }
0x26: {  	[spmem:s19] =	stream.linear.scatter [tilespmem:s11], [sflag:$0x3], $0x400, $0x38;
	[tilespmem:$0x6B00] =	vst v63  }
0x27: {  	_ =	swait.ge [sflag:s12], $0x400  }
0x28: {  	[sflag:s12] =	ssyncset.done $0x0  }
0x29: {  	s18 =	rddreg [dreg:$0xb];
	[sflag:s12] =	ssyncadd.s32 $0xFFFFFC00  }
0x2a: {  	[spmem:s18] =	stream.linear.scatter [tilespmem:s11], [sflag:$0x3], $0x400, $0x38;
	[tilespmem:$0x6B00] =	vst v63  }
0x2b: {  	_ =	swait.ge [sflag:s12], $0x400  }
0x2c: {  	[sflag:s12] =	ssyncset.done $0x0  }
0x2d: {  	s19 =	rddreg [dreg:$0xc];
	[sflag:s12] =	ssyncadd.s32 $0xFFFFFC00  }
0x2e: {  	[spmem:s19] =	stream.linear.scatter [tilespmem:s11], [sflag:$0x3], $0x400, $0x38;
	[tilespmem:$0x6B00] =	vst v63  }
0x2f: {  	_ =	swait.ge [sflag:s12], $0x400  }
0x30: {  	[sflag:s12] =	ssyncset.done $0x0  }
0x31: {  	s18 =	rddreg [dreg:$0xd];
	[sflag:s12] =	ssyncadd.s32 $0xFFFFFC00  }
0x32: {  	[spmem:s18] =	stream.linear.scatter [tilespmem:s11], [sflag:$0x3], $0x400, $0x38;
	[tilespmem:$0x6B00] =	vst v63  }
0x33: {  	_ =	swait.ge [sflag:s12], $0x400  }
0x34: {  	[sflag:s12] =	ssyncset.done $0x0  }
0x35: {  	s19 =	rddreg [dreg:$0xe];
	[sflag:s12] =	ssyncadd.s32 $0xFFFFFC00  }
0x36: {  	[spmem:s19] =	stream.linear.scatter [tilespmem:s11], [sflag:$0x3], $0x400, $0x38;
	[tilespmem:$0x6B00] =	vst v63  }
0x37: {  	_ =	swait.ge [sflag:s12], $0x400  }
0x38: {  	[sflag:s12] =	ssyncset.done $0x0  }
0x39: {  	s18 =	rddreg [dreg:$0xf];
	[sflag:s12] =	ssyncadd.s32 $0xFFFFFC00  }
0x3a: {  	[spmem:s18] =	stream.linear.scatter [tilespmem:s11], [sflag:$0x3], $0x400, $0x38;
	[tilespmem:$0x6B00] =	vst v63  }
0x3b: {  	_ =	swait.ge [sflag:s12], $0x400  }
0x3c: {  	[sflag:s12] =	ssyncset.done $0x0  }
0x3d: {  	s19 =	rddreg [dreg:$0x10];
	[sflag:s12] =	ssyncadd.s32 $0xFFFFFC00  }
0x3e: {  	[spmem:s19] =	stream.linear.scatter [tilespmem:s11], [sflag:$0x3], $0x400, $0x38;
	[tilespmem:$0x6B00] =	vst v63  }
0x3f: {  	_ =	swait.ge [sflag:s12], $0x400  }
0x40: {  	[sflag:s12] =	ssyncset.done $0x0  }
0x41: {  	s18 =	rddreg [dreg:$0x11];
	[sflag:s12] =	ssyncadd.s32 $0xFFFFFC00  }
0x42: {  	[spmem:s18] =	stream.linear.scatter [tilespmem:s11], [sflag:$0x3], $0x400, $0x38;
	[tilespmem:$0x6B00] =	vst v63  }
0x43: {  	_ =	swait.ge [sflag:s12], $0x400  }
0x44: {  	[sflag:s12] =	ssyncset.done $0x0  }
0x45: {  	[sflag:s12] =	ssyncadd.s32 $0xFFFFFC00  }
0x46: {  	[spmem:s20] =	stream.linear.scatter [tilespmem:s11], [sflag:$0x3], $0x400, $0x38;
	[tilespmem:$0x6B00] =	vst v63  }
0x47: {  	_ =	swait.ge [sflag:s12], $0x400  }
0x48: {  	[sflag:s12] =	ssyncset.done $0x0  }
0x49: {  	[sflag:s12] =	ssyncadd.s32 $0xFFFFFC00  }
0x4a: {  	[spmem:s21] =	stream.linear.scatter [tilespmem:s11], [sflag:$0x3], $0x400, $0x38;
	[tilespmem:$0x6B00] =	vst v63  }
0x4b: {  	_ =	swait.ge [sflag:s12], $0x400  }
0x4c: {  	[sflag:s12] =	ssyncset.done $0x0  }
0x4d: {  	[sflag:s12] =	ssyncadd.s32 $0xFFFFFC00  }
0x4e: {  	[spmem:s24] =	stream.linear.scatter [tilespmem:s11], [sflag:$0x3], $0x400, $0x38;
	[tilespmem:$0x6B00] =	vst v63  }
0x4f: {  	_ =	swait.ge [sflag:s12], $0x400  }
0x50: {  	[sflag:s12] =	ssyncset.done $0x0  }
0x51: {  	[sflag:s12] =	ssyncadd.s32 $0xFFFFFC00  }
0x52: {  	[spmem:s26] =	stream.linear.scatter [tilespmem:s11], [sflag:$0x3], $0x400, $0x38;
	[tilespmem:$0x6B00] =	vst v63  }
0x53: {  	_ =	swait.ge [sflag:s12], $0x400  }
0x54: {  	[sflag:s12] =	ssyncset.done $0x0  }
0x55: {  	[sflag:s12] =	ssyncadd.s32 $0xFFFFFC00  }
0x56: {  	[spmem:s28] =	stream.linear.scatter [tilespmem:s11], [sflag:$0x3], $0x400, $0x38;
	[tilespmem:$0x6B00] =	vst v63  }
0x57: {  	_ =	swait.ge [sflag:s12], $0x400  }
0x58: {  	[sflag:s12] =	ssyncset.done $0x0  }
0x59: {  	[sflag:s12] =	ssyncadd.s32 $0xFFFFFC00  }
0x5a: {  	[spmem:s29] =	stream.linear.scatter [tilespmem:s11], [sflag:$0x3], $0x400, $0x38;
	[tilespmem:$0x6B00] =	vst v63  }
0x5b: {  	_ =	swait.ge [sflag:s12], $0x400  }
0x5c: {  	[sflag:s12] =	ssyncset.done $0x0  }
0x5d: {  	[sflag:s12] =	ssyncadd.s32 $0xFFFFFC00  }
0x5e: {  	[spmem:s30] =	stream.linear.scatter [tilespmem:s11], [sflag:$0x3], $0x400, $0x38;
	[tilespmem:$0x6B00] =	vst v63  }
0x5f: {  	_ =	swait.ge [sflag:s12], $0x400  }
0x60: {  	[sflag:s12] =	ssyncset.done $0x0  }
0x61: {  	[sflag:s12] =	ssyncadd.s32 $0xFFFFFC00  }
0x62: {  	[spmem:s31] =	stream.linear.scatter [tilespmem:s11], [sflag:$0x3], $0x400, $0x38;
	[tilespmem:$0x6B00] =	vst v63  }
0x63: {  	_ =	swait.ge [sflag:s12], $0x400  }
0x64: {  	[sflag:s12] =	ssyncset.done $0x0  }
0x65: {  	[sflag:s12] =	ssyncadd.s32 $0xFFFFFC00  }
0x66: {  	[spmem:s0] =	stream.linear.scatter [tilespmem:s11], [sflag:$0x3], $0x400, $0x38;
	[tilespmem:$0x6B00] =	vst v63  }
0x67: {  	_ =	swait.ge [sflag:s12], $0x400  }
0x68: {  	[sflag:s12] =	ssyncset.done $0x0  }
0x69: {  	[sflag:s12] =	ssyncadd.s32 $0xFFFFFC00  }
0x6a: {  	[spmem:s2] =	stream.linear.scatter [tilespmem:s11], [sflag:$0x3], $0x400, $0x38;
	[tilespmem:$0x6B00] =	vst v63  }
0x6b: {  	_ =	swait.ge [sflag:s12], $0x400  }
0x6c: {  	[sflag:s12] =	ssyncset.done $0x0  }
0x6d: {  	[sflag:s12] =	ssyncadd.s32 $0xFFFFFC00  }
0x6e: {  	[spmem:s4] =	stream.linear.scatter [tilespmem:s11], [sflag:$0x3], $0x400, $0x38;
	[tilespmem:$0x6B00] =	vst v63  }
0x6f: {  	_ =	swait.ge [sflag:s12], $0x400  }
0x70: {  	[sflag:s12] =	ssyncset.done $0x0  }
0x71: {  	[sflag:s12] =	ssyncadd.s32 $0xFFFFFC00  }
0x72: {  	[spmem:s5] =	stream.linear.scatter [tilespmem:s11], [sflag:$0x3], $0x400, $0x38;
	[tilespmem:$0x6B00] =	vst v63  }
0x73: {  	_ =	swait.ge [sflag:s12], $0x400  }
0x74: {  	[sflag:s12] =	ssyncset.done $0x0  }
0x75: {  	[sflag:s12] =	ssyncadd.s32 $0xFFFFFC00  }
0x76: {  	[spmem:s8] =	stream.linear.scatter [tilespmem:s11], [sflag:$0x3], $0x400, $0x38;
	[tilespmem:$0x6B00] =	vst v63  }
0x77: {  	_ =	swait.ge [sflag:s12], $0x400  }
0x78: {  	[sflag:s12] =	ssyncset.done $0x0  }
0x79: {  	[sflag:s12] =	ssyncadd.s32 $0xFFFFFC00  }
0x7a: {  	[spmem:s9] =	stream.linear.scatter [tilespmem:s11], [sflag:$0x3], $0x400, $0x38;
	[tilespmem:$0x6B00] =	vst v63  }
0x7b: {  	_ =	swait.ge [sflag:s12], $0x400  }
0x7c: {  	[sflag:s12] =	ssyncset.done $0x0  }
0x7d: {  	[sflag:s12] =	ssyncadd.s32 $0xFFFFFC00  }
0x7e: {  	[spmem:s10] =	stream.linear.scatter [tilespmem:s11], [sflag:$0x3], $0x400, $0x38;
	[tilespmem:$0x6B00] =	vst v63  }
0x7f: {  	_ =	swait.ge [sflag:s12], $0x400  }
0x80: {  	[sflag:s12] =	ssyncset.done $0x0  }
0x81: {  	s19 =	rddreg [dreg:$0x6];
	[sflag:s12] =	ssyncadd.s32 $0xFFFFFC00  }
0x82: {  	[spmem:s19] =	stream.linear.scatter [tilespmem:s11], [sflag:$0x3], $0x200, $0x38;
	[tilespmem:$0x6B00] =	vst v63  }
0x83: {  	_ =	swait.ge [sflag:s12], $0x200  }
0x84: {  	[sflag:s12] =	ssyncset.done $0x0  }
0x85: {  	s18 =	rddreg [dreg:$0x3];
	[sflag:s12] =	ssyncadd.s32 $0xFFFFFE00  }
0x86: {  	[tilespmem:s13], [sflag:$0x3] =	stream.linear.gather [hbm4b:s18+s3], $0x400, $0x38;
	[tilespmem:$0x6B00] =	vst v63  }
0x87: {  	_ =	swait.ge [sflag:s12], $0x400  }
0x88: {  	[sflag:s12] =	ssyncset.done $0x0  }
0x89: {  	[sflag:s12] =	ssyncadd.s32 $0xFFFFFC00  }
0x8a: {  	[bflag:$0x0] =	sbarrier.arrive $0xFFFF  }
0x8b: {  	s19 =	rddreg [dreg:$0x5]  }
0x8c: {  	[tilespmem:s3], [sflag:$0x1] =	stream.linear.gather [hbm4b:s19+s3], $0x80, $0x38;
	[tilespmem:$0x6B00] =	vst v63  }
0x8d: {  	s18 =	rddreg [dreg:$0x7]  }
0x8e: {  	[tilespmem:s7], [sflag:$0x2] =	stream.linear.gather [hbm4b:s18+s3], $0x80, $0x38;
	[tilespmem:$0x6B00] =	vst v63  }
0x8f: {  	_ =	swait.ge [sflag:s14], $0x80  }
0x90: {  	[sflag:s14] =	ssyncset.done $0x0  }
0x91: {  	[sflag:s14] =	ssyncadd.s32 $0xFFFFFF80  }
0x92: {  	[spmem:s1] =	stream.indirect.scatter.add.f32 [tilespmem:s13], [sflag:$0x3], $0x8, s3, s7, $0xb8;
	[tilespmem:$0x6B00] =	vst v63  }
0x93: {  	_ =	swait.ge [sflag:s12], $0x400  }
0x94: {  	[sflag:s12] =	ssyncset.done $0x0  }
0x95: {  	s19 =	sadd.s32 $0x0, s23;
	[sflag:s12] =	ssyncadd.s32 $0xFFFFFC00  }
0x96: {  	[tilespmem:s3], [sflag:$0x1] =	stream.linear.gather [hbm4b:s19+s3], $0x80, $0x38;
	[tilespmem:$0x6B00] =	vst v63  }
0x97: {  	_ =	swait.ge [sflag:s15], $0x80  }
0x98: {  	[sflag:s15] =	ssyncset.done $0x0  }
0x99: {  	[sflag:s15] =	ssyncadd.s32 $0xFFFFFF80  }
0x9a: {  	[spmem:s1] =	stream.indirect.scatter.add.f32 [tilespmem:s13], [sflag:$0x3], $0x8, s7, s7, $0xb8;
	[tilespmem:$0x6B00] =	vst v63  }
0x9b: {  	_ =	swait.ge [sflag:s12], $0x400  }
0x9c: {  	[sflag:s12] =	ssyncset.done $0x0  }
0x9d: {  	s17 =	simm.s32 $0x20;
	s18 =	sadd.s32 $0x0, s22;
	[sflag:s12] =	ssyncadd.s32 $0xFFFFFC00  }
.LBB2_2:
0x9e: {  	[tilespmem:s7], [sflag:$0x2] =	stream.linear.gather [hbm4b:s18+s3], $0x80, $0x38;
	[tilespmem:$0x6B00] =	vst v63  }
0x9f: {  	s18 =	smov.u32 s17  }
0xa0: {  	p0 =	sne.s32 s17, $0xC00;
	s17 =	sadd.s32 $0x20, s17;
	_ =	swait.ge [sflag:s14], $0x80  }
0xa1: {  	[sflag:s14] =	ssyncset.done $0x0  }
0xa2: {  	[sflag:s14] =	ssyncadd.s32 $0xFFFFFF80  }
0xa3: {  	[spmem:s1] =	stream.indirect.scatter.add.f32 [tilespmem:s13], [sflag:$0x3], $0x8, s3, s7, $0xb8;
	[tilespmem:$0x6B00] =	vst v63  }
0xa4: {  	_ =	swait.ge [sflag:s12], $0x400  }
0xa5: {  	[sflag:s12] =	ssyncset.done $0x0  }
0xa6: {  	s19 =	sadd.s32 s18, s23;
	[sflag:s12] =	ssyncadd.s32 $0xFFFFFC00  }
0xa7: {  	[tilespmem:s3], [sflag:$0x1] =	stream.linear.gather [hbm4b:s19+s3], $0x80, $0x38;
	[tilespmem:$0x6B00] =	vst v63  }
0xa8: {  	_ =	swait.ge [sflag:s15], $0x80  }
0xa9: {  	[sflag:s15] =	ssyncset.done $0x0  }
.Ltmp0:
0xaa: {  	[sflag:s15] =	ssyncadd.s32 $0xFFFFFF80;
	(pc) =	sbr.rel @p0 .LBB2_2-.Ltmp0, $4  }
0xab: {  	[spmem:s1] =	stream.indirect.scatter.add.f32 [tilespmem:s13], [sflag:$0x3], $0x8, s7, s7, $0xb8;
	[tilespmem:$0x6B00] =	vst v63  }
0xac: {  	_ =	swait.ge [sflag:s12], $0x400  }
0xad: {  	[sflag:s12] =	ssyncset.done $0x0  }
0xae: {  	s18 =	sadd.s32 s18, s22;
	[sflag:s12] =	ssyncadd.s32 $0xFFFFFC00  }
0xaf: {  	[tilespmem:s7], [sflag:$0x2] =	stream.linear.gather [hbm4b:s18+s3], $0x80, $0x38;
	[tilespmem:$0x6B00] =	vst v63  }
0xb0: {  	_ =	swait.ge [sflag:s14], $0x80  }
0xb1: {  	[sflag:s14] =	ssyncset.done $0x0  }
0xb2: {  	[sflag:s14] =	ssyncadd.s32 $0xFFFFFF80  }
0xb3: {  	[spmem:s1] =	stream.indirect.scatter.add.f32 [tilespmem:s13], [sflag:$0x3], $0x8, s3, s7, $0xb8;
	[tilespmem:$0x6B00] =	vst v63  }
0xb4: {  	_ =	swait.ge [sflag:s12], $0x400  }
0xb5: {  	[sflag:s12] =	ssyncset.done $0x0  }
0xb6: {  	[sflag:s12] =	ssyncadd.s32 $0xFFFFFC00  }
0xb7: {  	_ =	swait.ge [sflag:s15], $0x80  }
0xb8: {  	[sflag:s15] =	ssyncset.done $0x0  }
0xb9: {  	[sflag:s15] =	ssyncadd.s32 $0xFFFFFF80  }
0xba: {  	[spmem:s1] =	stream.indirect.scatter.add.f32 [tilespmem:s13], [sflag:$0x3], $0x8, s7, s7, $0xb8;
	[tilespmem:$0x6B00] =	vst v63  }
0xbb: {  	_ =	swait.ge [sflag:s12], $0x400  }
0xbc: {  	[sflag:s12] =	ssyncset.done $0x0  }
0xbd: {  	s17 =	stileid.u32;
	[sflag:s12] =	ssyncadd.s32 $0xFFFFFC00  }
0xbe: {  	s17 =	sshll.u32 s17, $0x6;
	[bflag:$0x0] =	sbarrier.arrive $0xFFFF  }
0xbf: {  	s17 =	sor.u32 $0x1C03, s17;
	s19 =	rddreg [dreg:$0x8]  }
0xc0: {  	[hbm:s19], [sflag:s17] =	dma.local [spmem:s25], $0xC40  }
0xc1: {  	_ =	swait.ge [sflag:s12], $0xC40  }
0xc2: {  	s16 =	sadd.s32 $0x1, s16;
	s19 =	rddreg [dreg:$0x9]  }
0xc3: {  	p0 =	sne.s32 s16, s19  }
.Ltmp1:
0xc4: {  	_ = 	snop;
	(pc) =	sbr.rel @p0 .LBB2_1-.Ltmp1, $3  }
0xc5: {  	_ =	sdelay $0x1  }
0xc6: {  	[sflag:s12] =	ssyncset.done $0x0  }
0xc7: {  	[sflag:s12] =	ssyncadd.s32 $0xFFFFF3C0  }
0xc8: {  	_ =	sfence.sel $0x180000  }
0xc9: {  	[bflag:$0x0] =	sbarrier.arrive $0xFFFF  }
0xca: {  	_ =	strace $0x90000047  }
0xcb: {  	s0 =	stileid.u32;
	[bflag:$0x2] =	sbarrier.arrive $0xFFFF  }
0xcc: {  	p0 =	sne.s32 s0, $0x0;
	s0 =	rddreg [dreg:$0x2]  }
0xcd: {  	s0 =	sadd.s32 @!p0 $0x100000, s0  }
0xce: {  	[sflag:s0] =	ssyncadd.tile.s32 @!p0 $0x1;
	_ =	shalt  }
.Lfunc_end2:
_tile_overlayer_lowered:
.L_overlay_start_2:
0xcf: {  	(tag) =	ssettag $0x2  }
0xd0: {  	s0 =	rddreg [dreg:$0x0];
	s2 =	stileid.u32  }
0xd1: {  	s1 =	rddreg [dreg:$0x1];
	p0 =	sne.s32 s2, $0x0  }
0xd2: {  	s3 =	rddreg [dreg:$0x2];
	[bflag:$0x3] =	sbarrier.arrive $0xFFFF;
	s2 =	simm.s32 @!p0 $0x1C03  }
0xd3: {  	[timem:s3], [sflag:s2] =	dma.local @!p0 [hbm:s0], s1  }
0xd4: {  	s0 =	simm.s32 @!p0 $0x3  }
0xd5: {  	_ =	swait.ge @!p0 [sflag:s0], s1  }
0xd6: {  	s1 =	ssub.s32 @!p0 $0x0, s1;
	[sflag:s0] =	ssyncset.done @!p0 $0x0  }
0xd7: {  	[sflag:s0] =	ssyncadd.s32 @!p0 s1  }
0xd8: {  	[bflag:$0x3] =	sbarrier.arrive $0xFFFF  }
0xd9: {  	_ =	shalt  }

// kernel: kernel.13.cloned.1.call-start
scs
__scs_entry_jumppad:
0x0: {  	(pc) =	sbr.rel $0x88, $3  }
0x1: {  	(tag) =	ssettag $0x0;
	lr =	simm.s32 $0x1  }
0x2: {  	[smem:$0x3F95] =	sst lr;
	_ =	strace $0xD0000000  }
0x3: {  	_ = 	snop  }
0x4: {  	_ = 	snop  }
0x5: {  	_ = 	snop  }
0x6: {  	_ = 	snop  }
0x7: {  	_ = 	snop  }
__scs_overlays_trampoline_lowered:
0x8: {  	[smem:$0x3FA4] =	sst s0  }
0x9: {  	[smem:$0x3FA5] =	sst s1  }
0xa: {  	[smem:$0x3FA6] =	sst s2  }
0xb: {  	[smem:$0x3FA7] =	sst s3  }
0xc: {  	[smem:$0x3FA8] =	sst s4  }
0xd: {  	[smem:$0x3FA9] =	sst s5  }
0xe: {  	[smem:$0x3FAA] =	sst s6  }
0xf: {  	[smem:$0x3FAB] =	sst s7  }
0x10: {  	[smem:$0x3FAC] =	sst s8  }
0x11: {  	[smem:$0x3FAD] =	sst s9;
	s0 =	simm.s32 @!p0 $0x0  }
0x12: {  	s1 =	sld [smem:$0x3F93];
	s0 =	simm.s32 @p0 $0x1  }
0x13: {  	[smem:$0x3FAE] =	sst s0;
	s0 =	simm.s32 @!p1 $0x0  }
0x14: {  	s2 =	sld [smem:$0x3F92];
	s0 =	simm.s32 @p1 $0x1  }
0x15: {  	[smem:$0x3FAF] =	sst s0;
	s0 =	simm.s32 @!p2 $0x0  }
0x16: {  	s3 =	sld [smem:$0x3FDB];
	s0 =	simm.s32 @p2 $0x1  }
0x17: {  	s4 =	simm.s32 $0x1BF5;
	[smem:$0x3FB1] =	sst s0  }
0x18: {  	s0 =	sld [smem:$0x3F94];
	_ =	swait.ge [sflag:s4], $0x0  }
0x19: {  	s7 =	sld [smem:$0x3F95]  }
0x1a: {  	s8 =	sadd.s32 $0xFFFFE003, lr  }
0x1b: {  	s9 =	sadd.s32 $0xFFFFFEF7, lr;
	s5 =	simm.s32 $0xFFFFFFFF;
	p2 =	slt.u32 s8, $0xFFFFF086  }
0x1c: {  	p1 =	slt.u32 s9, $0xF7A;
	s5 =	simm.s32 @!p2 $0x0  }
0x1d: {  	s5 =	simm.s32 @p1 $0x1;
	p0 =	seq.s32 s7, s2  }
0x1e: {  	s7 =	smul.u32 @!p0 $0xF7A, s2;
	p2 =	seq.s32 @!p0 s5, $0x0  }
0x1f: {  	s9 =	smul.u32 $0xF7A, s1;
	s8 =	simm.s32 @!p0 $0x1BF5;
	p2 =	por !p2, p0  }
0x20: {  	[sflag:s8] =	ssyncset.s32 @!p0 $0xFFFFF086;
	s6 =	sadd.s32 @!p0 s3, s7;
	s7 =	simm.s32 @!p0 $0x108  }
0x21: {  	s3 =	sadd.s32 s3, s9;
	s6 =	sadd.s32 @!p0 $0x88, s6;
	s7 =	simm.s32 @p2 $0x1082  }
0x22: {  	[simem:s7], [sflag:s8] =	dma.local @!p0 [hbm:s6], $0xF7A  }
0x23: {  	s9 =	sor.u32 $0xD0000000, s2;
	s6 =	simm.s32 $0x108;
	_ =	swait.ge @!p0 [sflag:s8], $0x0  }
0x24: {  	s3 =	sadd.s32 $0x88, s3;
	s6 =	simm.s32 @!p1 $0x1082;
	[sflag:s4] =	ssyncset.s32 $0xFFFFF086  }
0x25: {  	[simem:s6], [sflag:s4] =	dma.local [hbm:s3], $0xF7A  }
0x26: {  	[smem:$0x3F95] =	sst s1;
	(tag) =	ssettag s2;
	_ =	strace s9  }
0x27: {  	s1 =	sld [smem:$0x3FA5]  }
0x28: {  	s2 =	sld [smem:$0x3FA6]  }
0x29: {  	s4 =	sld [smem:$0x3FA8]  }
0x2a: {  	p0 =	seq.s32 s5, $0x0;
	s5 =	sld [smem:$0x3FA9]  }
0x2b: {  	s6 =	sld [smem:$0x3FAA]  }
0x2c: {  	s7 =	sld [smem:$0x3FAB]  }
0x2d: {  	s3 =	simm.s32 $0x108;
	s8 =	sld [smem:$0x3FAC]  }
0x2e: {  	s3 =	simm.s32 @!p0 $0x1082;
	s9 =	sld [smem:$0x3FAD]  }
0x2f: {  	lr =	sadd.s32 s0, s3;
	s0 =	sld [smem:$0x3FA4]  }
0x30: {  	s3 =	sld [smem:$0x3FA7]  }
0x31: {  	[smem:$0x3FB0] =	sst s10  }
0x32: {  	s10 =	sld [smem:$0x3FAE];
	_ =	sdelay $0x3  }
0x33: {  	p0 =	seq.s32 s10, $0x1;
	s10 =	sld [smem:$0x3FB0];
	_ =	sdelay $0x3  }
0x34: {  	[smem:$0x3FB0] =	sst s10  }
0x35: {  	s10 =	sld [smem:$0x3FAF];
	_ =	sdelay $0x3  }
0x36: {  	p1 =	seq.s32 s10, $0x1;
	s10 =	sld [smem:$0x3FB0];
	_ =	sdelay $0x3  }
0x37: {  	[smem:$0x3FB0] =	sst s10  }
0x38: {  	s10 =	sld [smem:$0x3FB1]  }
0x39: {  	_ = 	snop;
	(pc) =	sbr.ind lr, $3  }
0x3a: {  	_ = 	snop  }
0x3b: {  	_ = 	snop  }
0x3c: {  	p2 =	seq.s32 s10, $0x1;
	s10 =	sld [smem:$0x3FB0]  }
0x3d: {  	_ =	shalt  }
0x3e: {  	_ =	shalt  }
0x3f: {  	_ =	shalt  }
0x40: {  	_ =	shalt  }
0x41: {  	_ =	shalt  }
0x42: {  	_ =	shalt  }
0x43: {  	_ =	shalt  }
0x44: {  	_ =	shalt  }
0x45: {  	_ =	shalt  }
0x46: {  	_ =	shalt  }
0x47: {  	_ =	shalt  }
0x48: {  	_ =	shalt  }
0x49: {  	_ =	shalt  }
0x4a: {  	_ =	shalt  }
0x4b: {  	_ =	shalt  }
0x4c: {  	_ =	shalt  }
0x4d: {  	_ =	shalt  }
0x4e: {  	_ =	shalt  }
0x4f: {  	_ =	shalt  }
0x50: {  	_ =	shalt  }
0x51: {  	_ =	shalt  }
0x52: {  	_ =	shalt  }
0x53: {  	_ =	shalt  }
0x54: {  	_ =	shalt  }
0x55: {  	_ =	shalt  }
0x56: {  	_ =	shalt  }
0x57: {  	_ =	shalt  }
0x58: {  	_ =	shalt  }
0x59: {  	_ =	shalt  }
0x5a: {  	_ =	shalt  }
0x5b: {  	_ =	shalt  }
0x5c: {  	_ =	shalt  }
0x5d: {  	_ =	shalt  }
0x5e: {  	_ =	shalt  }
0x5f: {  	_ =	shalt  }
0x60: {  	_ =	shalt  }
0x61: {  	_ =	shalt  }
0x62: {  	_ =	shalt  }
0x63: {  	_ =	shalt  }
0x64: {  	_ =	shalt  }
0x65: {  	_ =	shalt  }
0x66: {  	_ =	shalt  }
0x67: {  	_ =	shalt  }
0x68: {  	_ =	shalt  }
0x69: {  	_ =	shalt  }
0x6a: {  	_ =	shalt  }
0x6b: {  	_ =	shalt  }
0x6c: {  	_ =	shalt  }
0x6d: {  	_ =	shalt  }
0x6e: {  	_ =	shalt  }
0x6f: {  	_ =	shalt  }
0x70: {  	_ =	shalt  }
0x71: {  	_ =	shalt  }
0x72: {  	_ =	shalt  }
0x73: {  	_ =	shalt  }
0x74: {  	_ =	shalt  }
0x75: {  	_ =	shalt  }
0x76: {  	_ =	shalt  }
0x77: {  	_ =	shalt  }
0x78: {  	_ =	shalt  }
0x79: {  	_ =	shalt  }
0x7a: {  	_ =	shalt  }
0x7b: {  	_ =	shalt  }
0x7c: {  	_ =	shalt  }
0x7d: {  	_ =	shalt  }
0x7e: {  	_ =	shalt  }
0x7f: {  	_ =	shalt  }
0x80: {  	_ =	shalt  }
0x81: {  	_ =	shalt  }
0x82: {  	_ =	shalt  }
0x83: {  	_ =	shalt  }
0x84: {  	_ =	shalt  }
0x85: {  	_ =	shalt  }
0x86: {  	_ =	shalt  }
0x87: {  	_ =	shalt  }
.Lfunc_end0:
.L_simem_size_0:
called_computation.1_lowered:
.L_overlay_start_0:
0x88: {  	s2 =	sld [smem:$0x3FD9]  }
0x89: {  	s3 =	sld [smem:$0x3FFE];
	_ =	sdelay $0x1  }
0x8a: {  	s1 =	srdreg.scid  }
0x8b: {  	s0 =	sand.u32 $0x1, s1  }
0x8c: {  	s16 =	sshll.u32 s0, $0xA;
	s2 =	sadd.s32 s3, s2  }
0x8d: {  	s2 =	sadd.s32 s2, s16  }
0x8e: {  	[smem:$0x3FBC] =	sst s2  }
0x8f: {  	_ = 	snop  }
0x90: {  	(tm) =	ssettm $0x1  }
0x91: {  	s17 =	sld [smem:$0x3FFB];
	_ =	sdelay $0x3  }
0x92: {  	_ =	strace s17  }
0x93: {  	s2 =	sld [smem:$0x3FFC];
	_ =	sdelay $0x3  }
0x94: {  	_ =	strace s2  }
0x95: {  	s2 =	sld [smem:$0x3FFD];
	_ =	sdelay $0x3  }
0x96: {  	_ =	strace s2  }
0x97: {  	_ =	strace $0x8FFFFFFF  }
0x98: {  	s18 =	sld [smem:$0x3FDB];
	_ =	sdelay $0x1  }
0x99: {  	s19 =	simm.s32 $_scs_section_size  }
0x9a: {  	s4 =	simm.s32 $_size__tile_overlayer_lowered;
	s5 =	simm.s32 $_tile_overlayer_lowered  }
0x9b: {  	s22 =	simm.s32 $0x1BFF;
	s21 =	sshll.u32 s5, $0x1;
	s2 =	sadd.s32 s19, s18  }
0x9c: {  	s6 =	simm.s32 $0x0;
	s20 =	sshll.u32 s4, $0x1;
	s4 =	sadd.s32 s21, s2  }
0x9d: {  	[timem:s6], [sflag:s22] =	dma.local [hbm:s4], s20  }
0x9e: {  	_ =	swait.ge [sflag:s22], s20  }
0x9f: {  	s3 =	ssub.s32 $0x0, s20;
	[sflag:s22] =	ssyncset.done $0x0  }
0xa0: {  	[sflag:s22] =	ssyncadd.s32 s3;
	_ =	sdelay $0x1  }
0xa1: {  	s23 =	simm.s32 $0x1B8B  }
0xa2: {  	_ =	swait.ge [sflag:s23], $0x1  }
0xa3: {  	[sflag:s23] =	ssyncset.done $0x0  }
0xa4: {  	s25 =	simm.s32 $0x1B8E;
	s24 =	sld [smem:$0x3FFE];
	[sflag:s23] =	ssyncadd.s32 $0xFFFFFFFF  }
0xa5: {  	s26 =	simm.s32 $execute0_lowered;
	[smem:$0x3FD2] =	sst s25  }
0xa6: {  	s4 =	sshll.u32 s26, $0x1;
	_ =	strace $0x80000049;
	[dreg:$0x1] =	wrdreg $0xFFFFFFFF  }
0xa7: {  	s28 =	simm.s32 $_size_execute0_lowered;
	s2 =	sadd.s32 s2, s4;
	[dreg:$0x0] =	wrdreg $0x0  }
0xa8: {  	s4 =	sshll.u32 s28, $0x1;
	[dreg:$0x2] =	wrdreg s2  }
0xa9: {  	[dreg:$0x3] =	wrdreg s4  }
0xaa: {  	[dreg:$0x4] =	wrdreg $0xC0  }
0xab: {  	_ =	task [dreg:s6], $0x5FFFF  }
0xac: {  	[dreg:$0x1] =	wrdreg $0xFFFFFFFF  }
0xad: {  	[dreg:$0x0] =	wrdreg $0x60  }
0xae: {  	[dreg:$0x2] =	wrdreg s24  }
0xaf: {  	[dreg:$0x3] =	wrdreg $0x24000  }
0xb0: {  	[dreg:$0x4] =	wrdreg $0x9  }
0xb1: {  	_ =	task.clear_ibuf [dreg:s6], $0x5FFFF;
	_ =	strace $0x90000049  }
0xb2: {  	s29 =	simm.s32 $0x9;
	_ =	strace $0x8000004B  }
0xb3: {  	_ =	swait.ge [sflag:s29], $0x1  }
0xb4: {  	[sflag:s29] =	ssyncadd.s32 $0xFFFFFFFF  }
0xb5: {  	_ =	strace $0x9000004B  }
0xb6: {  	_ =	sfence  }
0xb7: {  	s30 =	sld [smem:$0x0];
	_ =	sdelay $0x2  }
0xb8: {  	s31 =	sshll.u32 s1, $0xD;
	s1 =	sshrl.u32 s1, $0x2  }
0xb9: {  	s3 =	sand.u32 $0x4000, s31;
	s1 =	sadd.s32 s1, s30  }
0xba: {  	s0 =	sor.u32 s3, s0;
	s1 =	sshll.u32 s1, $0x11  }
0xbb: {  	s0 =	sor.u32 s1, s0  }
0xbc: {  	s0 =	sadd.s32 $0x8F2B, s0  }
0xbd: {  	[sflag:s0] =	ssyncadd.remote.s32 $0x1  }
0xbe: {  	_ =	sfence.sel $0xFFFF  }
0xbf: {  	[dreg:$0x0] =	wrdreg $0xFFFFFFFF;
	(pc) =	sbr.abs _section_cstart, $3  }
0xc0: {  	[dreg:$0x1] =	wrdreg $0xFFFFFFFF  }
0xc1: {  	_ =	task.clear_ibuf [dreg:s6], $0x2FFFF;
	_ =	strace $0x9FFFFFFF  }
0xc2: {  	(tm) =	ssettm $0x7FFFFFFF  }
0xc3: {  	_ =	shalt  }
tec
execute0_lowered:
.L_overlay_start_1:
0x0: {  	(tag) =	ssettag $0x1  }
0x1: {  	s0 =	rddreg [dreg:$0x0]  }
0x2: {  	s1 =	rddreg [dreg:$0x1]  }
0x3: {  	s2 =	srdreg.scid;
	s8 =	stileid.u32  }
0x4: {  	s3 =	simm.s32 $0x0;
	s2 =	sand.u32 $0x1, s2;
	s9 =	smul.u32 $0x18800, s8  }
0x5: {  	[smem:$0x7FF] =	sst s3;
	s11 =	sadd.s32 $0x33C00, s0;
	s7 =	smul.u32 $0x62000, s2  }
0x6: {  	_ =	strace $0x8000004A;
	s2 =	ssub.s32 $0x2, s2;
	s9 =	sshrl.u32 s9, $0x2  }
0x7: {  	[dreg:$0x3] =	wrdreg s11;
	s11 =	sshrl.u32 s2, $0x1;
	s9 =	sadd.s32 s9, s1  }
0x8: {  	s2 =	ssub.s32 s2, s11;
	s12 =	sadd.s32 $0x6000, s9  }
0x9: {  	s2 =	smax.u32 s2, $0x1;
	[dreg:$0x4] =	wrdreg s12  }
0xa: {  	s14 =	sadd.s32 $0x400, s9;
	[dreg:$0x6] =	wrdreg s2  }
0xb: {  	s15 =	sadd.s32 $0x800, s9;
	[dreg:$0x7] =	wrdreg s14  }
0xc: {  	s4 =	sadd.s32 $0x95E00, s0;
	s16 =	sadd.s32 $0xC00, s9;
	[dreg:$0x8] =	wrdreg s15  }
0xd: {  	s10 =	smul.u32 $0x6200, s8;
	s17 =	sadd.s32 $0x1000, s9;
	[dreg:$0x9] =	wrdreg s16  }
0xe: {  	s5 =	sadd.s32 $0x2C00, s0;
	s18 =	sadd.s32 $0x1400, s9;
	[dreg:$0xa] =	wrdreg s17  }
0xf: {  	s6 =	sadd.s32 $0x1B400, s0;
	s19 =	sadd.s32 $0x1800, s9;
	[dreg:$0xb] =	wrdreg s18  }
0x10: {  	s13 =	sadd.s32 s10, s1;
	s20 =	sadd.s32 $0x1C00, s9;
	[dreg:$0xc] =	wrdreg s19  }
0x11: {  	s8 =	sadd.s32 s10, s7;
	s21 =	sadd.s32 $0x2000, s9;
	[dreg:$0xd] =	wrdreg s20  }
0x12: {  	s7 =	sshrl.u32 s8, $0x3;
	s22 =	sadd.s32 $0x2400, s9;
	[dreg:$0xe] =	wrdreg s21  }
0x13: {  	s23 =	sadd.s32 $0x2800, s9;
	s24 =	sadd.s32 $0x2C00, s9;
	[dreg:$0xf] =	wrdreg s22  }
0x14: {  	s25 =	sadd.s32 $0x3000, s9;
	s26 =	sadd.s32 $0x3400, s9;
	[dreg:$0x10] =	wrdreg s23  }
0x15: {  	s28 =	sadd.s32 $0x3800, s9;
	s29 =	sadd.s32 $0x3C00, s9;
	[dreg:$0x11] =	wrdreg s24  }
0x16: {  	s30 =	sadd.s32 $0x4000, s9;
	s31 =	sadd.s32 $0x4400, s9;
	[dreg:$0x12] =	wrdreg s25  }
0x17: {  	s10 =	sadd.s32 $0x5400, s9;
	s11 =	sadd.s32 $0x5800, s9;
	[dreg:$0x14] =	wrdreg s26  }
0x18: {  	s0 =	sadd.s32 s7, s0;
	[dreg:$0x15] =	wrdreg s28;
	s2 =	sadd.s32 $0x4C00, s9  }
0x19: {  	s7 =	sadd.s32 $0x5000, s9;
	s12 =	sadd.s32 $0x5C00, s9;
	s14 =	simm.s32 $0x5  }
0x1a: {  	s15 =	simm.s32 $0xE00;
	s16 =	simm.s32 $0x80;
	s17 =	simm.s32 $0x2000  }
0x1b: {  	s18 =	simm.s32 $0x1;
	s19 =	simm.s32 $0x2;
	s20 =	simm.s32 $0xE80  }
0x1c: {  	s21 =	simm.s32 $0x3;
	s22 =	simm.s32 $0x4;
	s0 =	sadd.s32 $0xA2200, s0  }
0x1d: {  	s23 =	simm.s32 $0x0;
	[dreg:$0x5] =	wrdreg s0;
	s0 =	sshrl.u32 s13, $0x3  }
0x1e: {  	s13 =	simm.s32 $0x1C00;
	[dreg:$0x13] =	wrdreg s0;
	s0 =	sadd.s32 $0x4800, s9  }
.LBB2_1:
0x1f: {  	s24 =	rddreg [dreg:$0x3]  }
0x20: {  	[tilespmem:s13], [sflag:$0x5] =	stream.linear.gather [hbm4b:s24+s3], $0x400, $0x38;
	[tilespmem:$0x8600] =	vst v63  }
0x21: {  	_ =	swait.ge [sflag:s14], $0x400  }
0x22: {  	[sflag:s14] =	ssyncset.done $0x0  }
0x23: {  	[sflag:s14] =	ssyncadd.s32 $0xFFFFFC00  }
0x24: {  	[spmem:s9] =	stream.linear.scatter [tilespmem:s13], [sflag:$0x5], $0x400, $0x38;
	[tilespmem:$0x8600] =	vst v63  }
0x25: {  	_ =	swait.ge [sflag:s14], $0x400  }
0x26: {  	[sflag:s14] =	ssyncset.done $0x0  }
0x27: {  	s25 =	rddreg [dreg:$0x7];
	[sflag:s14] =	ssyncadd.s32 $0xFFFFFC00  }
0x28: {  	[spmem:s25] =	stream.linear.scatter [tilespmem:s13], [sflag:$0x5], $0x400, $0x38;
	[tilespmem:$0x8600] =	vst v63  }
0x29: {  	_ =	swait.ge [sflag:s14], $0x400  }
0x2a: {  	[sflag:s14] =	ssyncset.done $0x0  }
0x2b: {  	s26 =	rddreg [dreg:$0x8];
	[sflag:s14] =	ssyncadd.s32 $0xFFFFFC00  }
0x2c: {  	[spmem:s26] =	stream.linear.scatter [tilespmem:s13], [sflag:$0x5], $0x400, $0x38;
	[tilespmem:$0x8600] =	vst v63  }
0x2d: {  	_ =	swait.ge [sflag:s14], $0x400  }
0x2e: {  	[sflag:s14] =	ssyncset.done $0x0  }
0x2f: {  	s28 =	rddreg [dreg:$0x9];
	[sflag:s14] =	ssyncadd.s32 $0xFFFFFC00  }
0x30: {  	[spmem:s28] =	stream.linear.scatter [tilespmem:s13], [sflag:$0x5], $0x400, $0x38;
	[tilespmem:$0x8600] =	vst v63  }
0x31: {  	_ =	swait.ge [sflag:s14], $0x400  }
0x32: {  	[sflag:s14] =	ssyncset.done $0x0  }
0x33: {  	s25 =	rddreg [dreg:$0xa];
	[sflag:s14] =	ssyncadd.s32 $0xFFFFFC00  }
0x34: {  	[spmem:s25] =	stream.linear.scatter [tilespmem:s13], [sflag:$0x5], $0x400, $0x38;
	[tilespmem:$0x8600] =	vst v63  }
0x35: {  	_ =	swait.ge [sflag:s14], $0x400  }
0x36: {  	[sflag:s14] =	ssyncset.done $0x0  }
0x37: {  	s26 =	rddreg [dreg:$0xb];
	[sflag:s14] =	ssyncadd.s32 $0xFFFFFC00  }
0x38: {  	[spmem:s26] =	stream.linear.scatter [tilespmem:s13], [sflag:$0x5], $0x400, $0x38;
	[tilespmem:$0x8600] =	vst v63  }
0x39: {  	_ =	swait.ge [sflag:s14], $0x400  }
0x3a: {  	[sflag:s14] =	ssyncset.done $0x0  }
0x3b: {  	s28 =	rddreg [dreg:$0xc];
	[sflag:s14] =	ssyncadd.s32 $0xFFFFFC00  }
0x3c: {  	[spmem:s28] =	stream.linear.scatter [tilespmem:s13], [sflag:$0x5], $0x400, $0x38;
	[tilespmem:$0x8600] =	vst v63  }
0x3d: {  	_ =	swait.ge [sflag:s14], $0x400  }
0x3e: {  	[sflag:s14] =	ssyncset.done $0x0  }
0x3f: {  	s25 =	rddreg [dreg:$0xd];
	[sflag:s14] =	ssyncadd.s32 $0xFFFFFC00  }
0x40: {  	[spmem:s25] =	stream.linear.scatter [tilespmem:s13], [sflag:$0x5], $0x400, $0x38;
	[tilespmem:$0x8600] =	vst v63  }
0x41: {  	_ =	swait.ge [sflag:s14], $0x400  }
0x42: {  	[sflag:s14] =	ssyncset.done $0x0  }
0x43: {  	s26 =	rddreg [dreg:$0xe];
	[sflag:s14] =	ssyncadd.s32 $0xFFFFFC00  }
0x44: {  	[spmem:s26] =	stream.linear.scatter [tilespmem:s13], [sflag:$0x5], $0x400, $0x38;
	[tilespmem:$0x8600] =	vst v63  }
0x45: {  	_ =	swait.ge [sflag:s14], $0x400  }
0x46: {  	[sflag:s14] =	ssyncset.done $0x0  }
0x47: {  	s28 =	rddreg [dreg:$0xf];
	[sflag:s14] =	ssyncadd.s32 $0xFFFFFC00  }
0x48: {  	[spmem:s28] =	stream.linear.scatter [tilespmem:s13], [sflag:$0x5], $0x400, $0x38;
	[tilespmem:$0x8600] =	vst v63  }
0x49: {  	_ =	swait.ge [sflag:s14], $0x400  }
0x4a: {  	[sflag:s14] =	ssyncset.done $0x0  }
0x4b: {  	s25 =	rddreg [dreg:$0x10];
	[sflag:s14] =	ssyncadd.s32 $0xFFFFFC00  }
0x4c: {  	[spmem:s25] =	stream.linear.scatter [tilespmem:s13], [sflag:$0x5], $0x400, $0x38;
	[tilespmem:$0x8600] =	vst v63  }
0x4d: {  	_ =	swait.ge [sflag:s14], $0x400  }
0x4e: {  	[sflag:s14] =	ssyncset.done $0x0  }
0x4f: {  	s26 =	rddreg [dreg:$0x11];
	[sflag:s14] =	ssyncadd.s32 $0xFFFFFC00  }
0x50: {  	[spmem:s26] =	stream.linear.scatter [tilespmem:s13], [sflag:$0x5], $0x400, $0x38;
	[tilespmem:$0x8600] =	vst v63  }
0x51: {  	_ =	swait.ge [sflag:s14], $0x400  }
0x52: {  	[sflag:s14] =	ssyncset.done $0x0  }
0x53: {  	s28 =	rddreg [dreg:$0x12];
	[sflag:s14] =	ssyncadd.s32 $0xFFFFFC00  }
0x54: {  	[spmem:s28] =	stream.linear.scatter [tilespmem:s13], [sflag:$0x5], $0x400, $0x38;
	[tilespmem:$0x8600] =	vst v63  }
0x55: {  	_ =	swait.ge [sflag:s14], $0x400  }
0x56: {  	[sflag:s14] =	ssyncset.done $0x0  }
0x57: {  	s25 =	rddreg [dreg:$0x14];
	[sflag:s14] =	ssyncadd.s32 $0xFFFFFC00  }
0x58: {  	[spmem:s25] =	stream.linear.scatter [tilespmem:s13], [sflag:$0x5], $0x400, $0x38;
	[tilespmem:$0x8600] =	vst v63  }
0x59: {  	_ =	swait.ge [sflag:s14], $0x400  }
0x5a: {  	[sflag:s14] =	ssyncset.done $0x0  }
0x5b: {  	s26 =	rddreg [dreg:$0x15];
	[sflag:s14] =	ssyncadd.s32 $0xFFFFFC00  }
0x5c: {  	[spmem:s26] =	stream.linear.scatter [tilespmem:s13], [sflag:$0x5], $0x400, $0x38;
	[tilespmem:$0x8600] =	vst v63  }
0x5d: {  	_ =	swait.ge [sflag:s14], $0x400  }
0x5e: {  	[sflag:s14] =	ssyncset.done $0x0  }
0x5f: {  	[sflag:s14] =	ssyncadd.s32 $0xFFFFFC00  }
0x60: {  	[spmem:s29] =	stream.linear.scatter [tilespmem:s13], [sflag:$0x5], $0x400, $0x38;
	[tilespmem:$0x8600] =	vst v63  }
0x61: {  	_ =	swait.ge [sflag:s14], $0x400  }
0x62: {  	[sflag:s14] =	ssyncset.done $0x0  }
0x63: {  	[sflag:s14] =	ssyncadd.s32 $0xFFFFFC00  }
0x64: {  	[spmem:s30] =	stream.linear.scatter [tilespmem:s13], [sflag:$0x5], $0x400, $0x38;
	[tilespmem:$0x8600] =	vst v63  }
0x65: {  	_ =	swait.ge [sflag:s14], $0x400  }
0x66: {  	[sflag:s14] =	ssyncset.done $0x0  }
0x67: {  	[sflag:s14] =	ssyncadd.s32 $0xFFFFFC00  }
0x68: {  	[spmem:s31] =	stream.linear.scatter [tilespmem:s13], [sflag:$0x5], $0x400, $0x38;
	[tilespmem:$0x8600] =	vst v63  }
0x69: {  	_ =	swait.ge [sflag:s14], $0x400  }
0x6a: {  	[sflag:s14] =	ssyncset.done $0x0  }
0x6b: {  	[sflag:s14] =	ssyncadd.s32 $0xFFFFFC00  }
0x6c: {  	[spmem:s0] =	stream.linear.scatter [tilespmem:s13], [sflag:$0x5], $0x400, $0x38;
	[tilespmem:$0x8600] =	vst v63  }
0x6d: {  	_ =	swait.ge [sflag:s14], $0x400  }
0x6e: {  	[sflag:s14] =	ssyncset.done $0x0  }
0x6f: {  	[sflag:s14] =	ssyncadd.s32 $0xFFFFFC00  }
0x70: {  	[spmem:s2] =	stream.linear.scatter [tilespmem:s13], [sflag:$0x5], $0x400, $0x38;
	[tilespmem:$0x8600] =	vst v63  }
0x71: {  	_ =	swait.ge [sflag:s14], $0x400  }
0x72: {  	[sflag:s14] =	ssyncset.done $0x0  }
0x73: {  	[sflag:s14] =	ssyncadd.s32 $0xFFFFFC00  }
0x74: {  	[spmem:s7] =	stream.linear.scatter [tilespmem:s13], [sflag:$0x5], $0x400, $0x38;
	[tilespmem:$0x8600] =	vst v63  }
0x75: {  	_ =	swait.ge [sflag:s14], $0x400  }
0x76: {  	[sflag:s14] =	ssyncset.done $0x0  }
0x77: {  	[sflag:s14] =	ssyncadd.s32 $0xFFFFFC00  }
0x78: {  	[spmem:s10] =	stream.linear.scatter [tilespmem:s13], [sflag:$0x5], $0x400, $0x38;
	[tilespmem:$0x8600] =	vst v63  }
0x79: {  	_ =	swait.ge [sflag:s14], $0x400  }
0x7a: {  	[sflag:s14] =	ssyncset.done $0x0  }
0x7b: {  	[sflag:s14] =	ssyncadd.s32 $0xFFFFFC00  }
0x7c: {  	[spmem:s11] =	stream.linear.scatter [tilespmem:s13], [sflag:$0x5], $0x400, $0x38;
	[tilespmem:$0x8600] =	vst v63  }
0x7d: {  	_ =	swait.ge [sflag:s14], $0x400  }
0x7e: {  	[sflag:s14] =	ssyncset.done $0x0  }
0x7f: {  	[sflag:s14] =	ssyncadd.s32 $0xFFFFFC00  }
0x80: {  	[spmem:s12] =	stream.linear.scatter [tilespmem:s13], [sflag:$0x5], $0x400, $0x38;
	[tilespmem:$0x8600] =	vst v63  }
0x81: {  	_ =	swait.ge [sflag:s14], $0x400  }
0x82: {  	[sflag:s14] =	ssyncset.done $0x0  }
0x83: {  	s28 =	rddreg [dreg:$0x4];
	[sflag:s14] =	ssyncadd.s32 $0xFFFFFC00  }
0x84: {  	[spmem:s28] =	stream.linear.scatter [tilespmem:s13], [sflag:$0x5], $0x200, $0x38;
	[tilespmem:$0x8600] =	vst v63  }
0x85: {  	_ =	swait.ge [sflag:s14], $0x200  }
0x86: {  	[sflag:s14] =	ssyncset.done $0x0  }
0x87: {  	[sflag:s14] =	ssyncadd.s32 $0xFFFFFE00  }
0x88: {  	s24 =	simm.s32 $0x0;
	[bflag:$0x0] =	sbarrier.arrive $0xFFFF  }
.LBB2_2:
0x89: {  	p0 =	seq.s32 s24, $0x0  }
0x8a: {  	s25 =	simm.s32 @!p0 $0x3  }
0x8b: {  	_ =	swait.ge @!p0 [sflag:s25], $0x400  }
0x8c: {  	s26 =	smul.u32 $0xE00, s24;
	[sflag:s25] =	ssyncset.done @!p0 $0x0  }
0x8d: {  	[sflag:s25] =	ssyncadd.s32 @!p0 $0xFFFFFC00;
	s25 =	simm.s32 @!p0 $0x4  }
0x8e: {  	s26 =	sadd.s32 s26, s8;
	_ =	swait.ge @!p0 [sflag:s25], $0x400  }
0x8f: {  	s26 =	sshrl.u32 s26, $0x3;
	[sflag:s25] =	ssyncset.done @!p0 $0x0  }
0x90: {  	s28 =	sadd.s32 s5, s26;
	[sflag:s25] =	ssyncadd.s32 @!p0 $0xFFFFFC00  }
0x91: {  	[tilespmem:s3], [sflag:$0x5] =	stream.linear.gather [hbm4b:s28+s3], $0xE00, $0x38;
	[tilespmem:$0x8600] =	vst v63  }
0x92: {  	_ =	swait.ge [sflag:s14], $0xE00  }
0x93: {  	[sflag:s14] =	ssyncset.done $0x0  }
0x94: {  	s26 =	sadd.s32 s6, s26;
	[sflag:s14] =	ssyncadd.s32 $0xFFFFF200  }
0x95: {  	[tilespmem:s15], [sflag:$0x5] =	stream.linear.gather [hbm4b:s26+s3], $0xE00, $0x38;
	[tilespmem:$0x8600] =	vst v63  }
0x96: {  	_ =	swait.ge [sflag:s14], $0xE00  }
0x97: {  	[sflag:s14] =	ssyncset.done $0x0  }
0x98: {  	[sflag:s14] =	ssyncadd.s32 $0xFFFFF200  }
0x99: {  	[tilespmem:s13], [sflag:$0x1] =	stream.indirect.gather [hbm4b:s4+s16], $0x8, s3, s16, $0xb8;
	[tilespmem:$0x8600] =	vst v63  }
0x9a: {  	_ = 	snop  }
0x9b: {  	[tilespmem:s17], [sflag:$0x2] =	stream.indirect.gather [hbm4b:s4+s16], $0x8, s16, s16, $0xb8;
	[tilespmem:$0x8600] =	vst v63  }
0x9c: {  	_ =	swait.ge [sflag:s18], $0x400  }
0x9d: {  	[sflag:s18] =	ssyncset.done $0x0  }
0x9e: {  	[sflag:s18] =	ssyncadd.s32 $0xFFFFFC00  }
0x9f: {  	[spmem:s1] =	stream.indirect.scatter.add.f32 [tilespmem:s13], [sflag:$0x3], $0x8, s15, s16, $0xb8;
	[tilespmem:$0x8600] =	vst v63  }
0xa0: {  	_ =	swait.ge [sflag:s19], $0x400  }
0xa1: {  	[sflag:s19] =	ssyncset.done $0x0  }
0xa2: {  	[sflag:s19] =	ssyncadd.s32 $0xFFFFFC00  }
0xa3: {  	[spmem:s1] =	stream.indirect.scatter.add.f32 [tilespmem:s17], [sflag:$0x4], $0x8, s20, s16, $0xb8;
	[tilespmem:$0x8600] =	vst v63  }
0xa4: {  	_ =	swait.ge [sflag:s21], $0x400  }
0xa5: {  	[sflag:s21] =	ssyncset.done $0x0  }
0xa6: {  	s28 =	simm.s32 $0x100;
	[sflag:s21] =	ssyncadd.s32 $0xFFFFFC00  }
0xa7: {  	[tilespmem:s13], [sflag:$0x1] =	stream.indirect.gather [hbm4b:s4+s16], $0x8, s28, s16, $0xb8;
	[tilespmem:$0x8600] =	vst v63  }
0xa8: {  	_ =	swait.ge [sflag:s22], $0x400  }
0xa9: {  	[sflag:s22] =	ssyncset.done $0x0  }
0xaa: {  	s26 =	simm.s32 $0x180;
	[sflag:s22] =	ssyncadd.s32 $0xFFFFFC00  }
0xab: {  	[tilespmem:s17], [sflag:$0x2] =	stream.indirect.gather [hbm4b:s4+s16], $0x8, s26, s16, $0xb8;
	[tilespmem:$0x8600] =	vst v63  }
0xac: {  	_ =	swait.ge [sflag:s18], $0x400  }
0xad: {  	[sflag:s18] =	ssyncset.done $0x0  }
0xae: {  	s28 =	simm.s32 $0xF00;
	[sflag:s18] =	ssyncadd.s32 $0xFFFFFC00  }
0xaf: {  	[spmem:s1] =	stream.indirect.scatter.add.f32 [tilespmem:s13], [sflag:$0x3], $0x8, s28, s16, $0xb8;
	[tilespmem:$0x8600] =	vst v63  }
0xb0: {  	_ =	swait.ge [sflag:s19], $0x400  }
0xb1: {  	[sflag:s19] =	ssyncset.done $0x0  }
0xb2: {  	s25 =	simm.s32 $0xFFFFD000;
	s26 =	simm.s32 $0xF80;
	[sflag:s19] =	ssyncadd.s32 $0xFFFFFC00  }
.LBB2_3:
0xb3: {  	[spmem:s1] =	stream.indirect.scatter.add.f32 [tilespmem:s17], [sflag:$0x4], $0x8, s26, s16, $0xb8;
	[tilespmem:$0x8600] =	vst v63  }
0xb4: {  	s26 =	smov.u32 s25  }
0xb5: {  	p0 =	sne.s32 s25, $0xFFFFFC00;
	s25 =	sadd.s32 $0x400, s25;
	_ =	swait.ge [sflag:s21], $0x400  }
0xb6: {  	s26 =	sshra.s32 s26, $0x2;
	[sflag:s21] =	ssyncset.done $0x0  }
0xb7: {  	s28 =	sadd.s32 $0xE00, s26;
	[sflag:s21] =	ssyncadd.s32 $0xFFFFFC00  }
0xb8: {  	[tilespmem:s13], [sflag:$0x1] =	stream.indirect.gather [hbm4b:s4+s16], $0x8, s28, s16, $0xb8;
	[tilespmem:$0x8600] =	vst v63  }
0xb9: {  	_ =	swait.ge [sflag:s22], $0x400  }
0xba: {  	[sflag:s22] =	ssyncset.done $0x0  }
0xbb: {  	s28 =	sadd.s32 $0xE80, s26;
	[sflag:s22] =	ssyncadd.s32 $0xFFFFFC00  }
0xbc: {  	[tilespmem:s17], [sflag:$0x2] =	stream.indirect.gather [hbm4b:s4+s16], $0x8, s28, s16, $0xb8;
	[tilespmem:$0x8600] =	vst v63  }
0xbd: {  	_ =	swait.ge [sflag:s18], $0x400  }
0xbe: {  	[sflag:s18] =	ssyncset.done $0x0  }
.Ltmp0:
0xbf: {  	s28 =	sadd.s32 $0x1C00, s26;
	[sflag:s18] =	ssyncadd.s32 $0xFFFFFC00;
	(pc) =	sbr.rel @p0 .LBB2_3-.Ltmp0, $4  }
0xc0: {  	[spmem:s1] =	stream.indirect.scatter.add.f32 [tilespmem:s13], [sflag:$0x3], $0x8, s28, s16, $0xb8;
	[tilespmem:$0x8600] =	vst v63  }
0xc1: {  	_ =	swait.ge [sflag:s19], $0x400  }
0xc2: {  	[sflag:s19] =	ssyncset.done $0x0  }
0xc3: {  	s26 =	sadd.s32 $0x1C80, s26;
	[sflag:s19] =	ssyncadd.s32 $0xFFFFFC00  }
0xc4: {  	s24 =	sadd.s32 $0x1, s24  }
0xc5: {  	p0 =	sne.s32 s24, $0x7  }
.Ltmp1:
0xc6: {  	_ = 	snop;
	(pc) =	sbr.rel @p0 .LBB2_2-.Ltmp1, $2  }
0xc7: {  	_ =	sdelay $0x2  }
0xc8: {  	[spmem:s1] =	stream.indirect.scatter.add.f32 [tilespmem:s17], [sflag:$0x4], $0x8, s26, s16, $0xb8;
	[tilespmem:$0x8600] =	vst v63  }
0xc9: {  	_ =	swait.ge [sflag:s21], $0x400  }
0xca: {  	[sflag:s21] =	ssyncset.done $0x0  }
0xcb: {  	[sflag:s21] =	ssyncadd.s32 $0xFFFFFC00  }
0xcc: {  	_ =	swait.ge [sflag:s22], $0x400  }
0xcd: {  	[sflag:s22] =	ssyncset.done $0x0  }
0xce: {  	[sflag:s22] =	ssyncadd.s32 $0xFFFFFC00  }
0xcf: {  	s24 =	stileid.u32;
	[bflag:$0x0] =	sbarrier.arrive $0xFFFF  }
0xd0: {  	s24 =	sshll.u32 s24, $0x6;
	s25 =	rddreg [dreg:$0x5]  }
0xd1: {  	s24 =	sor.u32 $0x1C05, s24;
	s26 =	rddreg [dreg:$0x13]  }
0xd2: {  	[hbm:s25], [sflag:s24] =	dma.local [spmem:s26], $0xC40  }
0xd3: {  	_ =	swait.ge [sflag:s14], $0xC40  }
0xd4: {  	s23 =	sadd.s32 $0x1, s23;
	s28 =	rddreg [dreg:$0x6]  }
0xd5: {  	p0 =	sne.s32 s23, s28  }
.Ltmp2:
0xd6: {  	_ = 	snop;
	(pc) =	sbr.rel @p0 .LBB2_1-.Ltmp2, $3  }
0xd7: {  	_ =	sdelay $0x1  }
0xd8: {  	[sflag:s14] =	ssyncset.done $0x0  }
0xd9: {  	[sflag:s14] =	ssyncadd.s32 $0xFFFFF3C0  }
0xda: {  	_ =	sfence.sel $0x180000  }
0xdb: {  	[bflag:$0x0] =	sbarrier.arrive $0xFFFF  }
0xdc: {  	_ =	strace $0x9000004A  }
0xdd: {  	s0 =	stileid.u32;
	[bflag:$0x2] =	sbarrier.arrive $0xFFFF  }
0xde: {  	p0 =	sne.s32 s0, $0x0;
	s0 =	rddreg [dreg:$0x2]  }
0xdf: {  	s0 =	sadd.s32 @!p0 $0x100000, s0  }
0xe0: {  	[sflag:s0] =	ssyncadd.tile.s32 @!p0 $0x1;
	_ =	shalt  }
.Lfunc_end2:
_tile_overlayer_lowered:
.L_overlay_start_2:
0xe1: {  	(tag) =	ssettag $0x2  }
0xe2: {  	s0 =	rddreg [dreg:$0x0];
	s2 =	stileid.u32  }
0xe3: {  	s1 =	rddreg [dreg:$0x1];
	p0 =	sne.s32 s2, $0x0  }
0xe4: {  	s3 =	rddreg [dreg:$0x2];
	[bflag:$0x3] =	sbarrier.arrive $0xFFFF;
	s2 =	simm.s32 @!p0 $0x1C05  }
0xe5: {  	[timem:s3], [sflag:s2] =	dma.local @!p0 [hbm:s0], s1  }
0xe6: {  	s0 =	simm.s32 @!p0 $0x5  }
0xe7: {  	_ =	swait.ge @!p0 [sflag:s0], s1  }
0xe8: {  	s1 =	ssub.s32 @!p0 $0x0, s1;
	[sflag:s0] =	ssyncset.done @!p0 $0x0  }
0xe9: {  	[sflag:s0] =	ssyncadd.s32 @!p0 s1  }
0xea: {  	[bflag:$0x3] =	sbarrier.arrive $0xFFFF  }
0xeb: {  	_ =	shalt  }

// kernel: kernel.16.cloned.1.call-start
scs
__scs_entry_jumppad:
0x0: {  	(pc) =	sbr.rel $0x88, $3  }
0x1: {  	(tag) =	ssettag $0x0;
	lr =	simm.s32 $0x1  }
0x2: {  	[smem:$0x3F95] =	sst lr;
	_ =	strace $0xD0000000  }
0x3: {  	_ = 	snop  }
0x4: {  	_ = 	snop  }
0x5: {  	_ = 	snop  }
0x6: {  	_ = 	snop  }
0x7: {  	_ = 	snop  }
__scs_overlays_trampoline_lowered:
0x8: {  	[smem:$0x3FA4] =	sst s0  }
0x9: {  	[smem:$0x3FA5] =	sst s1  }
0xa: {  	[smem:$0x3FA6] =	sst s2  }
0xb: {  	[smem:$0x3FA7] =	sst s3  }
0xc: {  	[smem:$0x3FA8] =	sst s4  }
0xd: {  	[smem:$0x3FA9] =	sst s5  }
0xe: {  	[smem:$0x3FAA] =	sst s6  }
0xf: {  	[smem:$0x3FAB] =	sst s7  }
0x10: {  	[smem:$0x3FAC] =	sst s8  }
0x11: {  	[smem:$0x3FAD] =	sst s9;
	s0 =	simm.s32 @!p0 $0x0  }
0x12: {  	s1 =	sld [smem:$0x3F93];
	s0 =	simm.s32 @p0 $0x1  }
0x13: {  	[smem:$0x3FAE] =	sst s0;
	s0 =	simm.s32 @!p1 $0x0  }
0x14: {  	s2 =	sld [smem:$0x3F92];
	s0 =	simm.s32 @p1 $0x1  }
0x15: {  	[smem:$0x3FAF] =	sst s0;
	s0 =	simm.s32 @!p2 $0x0  }
0x16: {  	s3 =	sld [smem:$0x3FDB];
	s0 =	simm.s32 @p2 $0x1  }
0x17: {  	s4 =	simm.s32 $0x1BF5;
	[smem:$0x3FB1] =	sst s0  }
0x18: {  	s0 =	sld [smem:$0x3F94];
	_ =	swait.ge [sflag:s4], $0x0  }
0x19: {  	s7 =	sld [smem:$0x3F95]  }
0x1a: {  	s8 =	sadd.s32 $0xFFFFE003, lr  }
0x1b: {  	s9 =	sadd.s32 $0xFFFFFEF7, lr;
	s5 =	simm.s32 $0xFFFFFFFF;
	p2 =	slt.u32 s8, $0xFFFFF086  }
0x1c: {  	p1 =	slt.u32 s9, $0xF7A;
	s5 =	simm.s32 @!p2 $0x0  }
0x1d: {  	s5 =	simm.s32 @p1 $0x1;
	p0 =	seq.s32 s7, s2  }
0x1e: {  	s7 =	smul.u32 @!p0 $0xF7A, s2;
	p2 =	seq.s32 @!p0 s5, $0x0  }
0x1f: {  	s9 =	smul.u32 $0xF7A, s1;
	s8 =	simm.s32 @!p0 $0x1BF5;
	p2 =	por !p2, p0  }
0x20: {  	[sflag:s8] =	ssyncset.s32 @!p0 $0xFFFFF086;
	s6 =	sadd.s32 @!p0 s3, s7;
	s7 =	simm.s32 @!p0 $0x108  }
0x21: {  	s3 =	sadd.s32 s3, s9;
	s6 =	sadd.s32 @!p0 $0x88, s6;
	s7 =	simm.s32 @p2 $0x1082  }
0x22: {  	[simem:s7], [sflag:s8] =	dma.local @!p0 [hbm:s6], $0xF7A  }
0x23: {  	s9 =	sor.u32 $0xD0000000, s2;
	s6 =	simm.s32 $0x108;
	_ =	swait.ge @!p0 [sflag:s8], $0x0  }
0x24: {  	s3 =	sadd.s32 $0x88, s3;
	s6 =	simm.s32 @!p1 $0x1082;
	[sflag:s4] =	ssyncset.s32 $0xFFFFF086  }
0x25: {  	[simem:s6], [sflag:s4] =	dma.local [hbm:s3], $0xF7A  }
0x26: {  	[smem:$0x3F95] =	sst s1;
	(tag) =	ssettag s2;
	_ =	strace s9  }
0x27: {  	s1 =	sld [smem:$0x3FA5]  }
0x28: {  	s2 =	sld [smem:$0x3FA6]  }
0x29: {  	s4 =	sld [smem:$0x3FA8]  }
0x2a: {  	p0 =	seq.s32 s5, $0x0;
	s5 =	sld [smem:$0x3FA9]  }
0x2b: {  	s6 =	sld [smem:$0x3FAA]  }
0x2c: {  	s7 =	sld [smem:$0x3FAB]  }
0x2d: {  	s3 =	simm.s32 $0x108;
	s8 =	sld [smem:$0x3FAC]  }
0x2e: {  	s3 =	simm.s32 @!p0 $0x1082;
	s9 =	sld [smem:$0x3FAD]  }
0x2f: {  	lr =	sadd.s32 s0, s3;
	s0 =	sld [smem:$0x3FA4]  }
0x30: {  	s3 =	sld [smem:$0x3FA7]  }
0x31: {  	[smem:$0x3FB0] =	sst s10  }
0x32: {  	s10 =	sld [smem:$0x3FAE];
	_ =	sdelay $0x3  }
0x33: {  	p0 =	seq.s32 s10, $0x1;
	s10 =	sld [smem:$0x3FB0];
	_ =	sdelay $0x3  }
0x34: {  	[smem:$0x3FB0] =	sst s10  }
0x35: {  	s10 =	sld [smem:$0x3FAF];
	_ =	sdelay $0x3  }
0x36: {  	p1 =	seq.s32 s10, $0x1;
	s10 =	sld [smem:$0x3FB0];
	_ =	sdelay $0x3  }
0x37: {  	[smem:$0x3FB0] =	sst s10  }
0x38: {  	s10 =	sld [smem:$0x3FB1]  }
0x39: {  	_ = 	snop;
	(pc) =	sbr.ind lr, $3  }
0x3a: {  	_ = 	snop  }
0x3b: {  	_ = 	snop  }
0x3c: {  	p2 =	seq.s32 s10, $0x1;
	s10 =	sld [smem:$0x3FB0]  }
0x3d: {  	_ =	shalt  }
0x3e: {  	_ =	shalt  }
0x3f: {  	_ =	shalt  }
0x40: {  	_ =	shalt  }
0x41: {  	_ =	shalt  }
0x42: {  	_ =	shalt  }
0x43: {  	_ =	shalt  }
0x44: {  	_ =	shalt  }
0x45: {  	_ =	shalt  }
0x46: {  	_ =	shalt  }
0x47: {  	_ =	shalt  }
0x48: {  	_ =	shalt  }
0x49: {  	_ =	shalt  }
0x4a: {  	_ =	shalt  }
0x4b: {  	_ =	shalt  }
0x4c: {  	_ =	shalt  }
0x4d: {  	_ =	shalt  }
0x4e: {  	_ =	shalt  }
0x4f: {  	_ =	shalt  }
0x50: {  	_ =	shalt  }
0x51: {  	_ =	shalt  }
0x52: {  	_ =	shalt  }
0x53: {  	_ =	shalt  }
0x54: {  	_ =	shalt  }
0x55: {  	_ =	shalt  }
0x56: {  	_ =	shalt  }
0x57: {  	_ =	shalt  }
0x58: {  	_ =	shalt  }
0x59: {  	_ =	shalt  }
0x5a: {  	_ =	shalt  }
0x5b: {  	_ =	shalt  }
0x5c: {  	_ =	shalt  }
0x5d: {  	_ =	shalt  }
0x5e: {  	_ =	shalt  }
0x5f: {  	_ =	shalt  }
0x60: {  	_ =	shalt  }
0x61: {  	_ =	shalt  }
0x62: {  	_ =	shalt  }
0x63: {  	_ =	shalt  }
0x64: {  	_ =	shalt  }
0x65: {  	_ =	shalt  }
0x66: {  	_ =	shalt  }
0x67: {  	_ =	shalt  }
0x68: {  	_ =	shalt  }
0x69: {  	_ =	shalt  }
0x6a: {  	_ =	shalt  }
0x6b: {  	_ =	shalt  }
0x6c: {  	_ =	shalt  }
0x6d: {  	_ =	shalt  }
0x6e: {  	_ =	shalt  }
0x6f: {  	_ =	shalt  }
0x70: {  	_ =	shalt  }
0x71: {  	_ =	shalt  }
0x72: {  	_ =	shalt  }
0x73: {  	_ =	shalt  }
0x74: {  	_ =	shalt  }
0x75: {  	_ =	shalt  }
0x76: {  	_ =	shalt  }
0x77: {  	_ =	shalt  }
0x78: {  	_ =	shalt  }
0x79: {  	_ =	shalt  }
0x7a: {  	_ =	shalt  }
0x7b: {  	_ =	shalt  }
0x7c: {  	_ =	shalt  }
0x7d: {  	_ =	shalt  }
0x7e: {  	_ =	shalt  }
0x7f: {  	_ =	shalt  }
0x80: {  	_ =	shalt  }
0x81: {  	_ =	shalt  }
0x82: {  	_ =	shalt  }
0x83: {  	_ =	shalt  }
0x84: {  	_ =	shalt  }
0x85: {  	_ =	shalt  }
0x86: {  	_ =	shalt  }
0x87: {  	_ =	shalt  }
.Lfunc_end0:
.L_simem_size_0:
called_computation.2_lowered:
.L_overlay_start_0:
0x88: {  	s2 =	sld [smem:$0x3FD9]  }
0x89: {  	s3 =	sld [smem:$0x3FFE];
	_ =	sdelay $0x1  }
0x8a: {  	s1 =	srdreg.scid  }
0x8b: {  	s0 =	sand.u32 $0x1, s1  }
0x8c: {  	s16 =	sshll.u32 s0, $0xA;
	s2 =	sadd.s32 s3, s2  }
0x8d: {  	s2 =	sadd.s32 s2, s16  }
0x8e: {  	[smem:$0x3FBC] =	sst s2  }
0x8f: {  	_ = 	snop  }
0x90: {  	(tm) =	ssettm $0x1  }
0x91: {  	s17 =	sld [smem:$0x3FFB];
	_ =	sdelay $0x3  }
0x92: {  	_ =	strace s17  }
0x93: {  	s2 =	sld [smem:$0x3FFC];
	_ =	sdelay $0x3  }
0x94: {  	_ =	strace s2  }
0x95: {  	s2 =	sld [smem:$0x3FFD];
	_ =	sdelay $0x3  }
0x96: {  	_ =	strace s2  }
0x97: {  	_ =	strace $0x8FFFFFFF  }
0x98: {  	s18 =	sld [smem:$0x3FDB];
	_ =	sdelay $0x1  }
0x99: {  	s19 =	simm.s32 $_scs_section_size  }
0x9a: {  	s4 =	simm.s32 $_size__tile_overlayer_lowered;
	s5 =	simm.s32 $_tile_overlayer_lowered  }
0x9b: {  	s22 =	simm.s32 $0x1BFF;
	s21 =	sshll.u32 s5, $0x1;
	s2 =	sadd.s32 s19, s18  }
0x9c: {  	s6 =	simm.s32 $0x0;
	s20 =	sshll.u32 s4, $0x1;
	s4 =	sadd.s32 s21, s2  }
0x9d: {  	[timem:s6], [sflag:s22] =	dma.local [hbm:s4], s20  }
0x9e: {  	_ =	swait.ge [sflag:s22], s20  }
0x9f: {  	s3 =	ssub.s32 $0x0, s20;
	[sflag:s22] =	ssyncset.done $0x0  }
0xa0: {  	[sflag:s22] =	ssyncadd.s32 s3;
	_ =	sdelay $0x1  }
0xa1: {  	s23 =	simm.s32 $0x1B8B  }
0xa2: {  	_ =	swait.ge [sflag:s23], $0x1  }
0xa3: {  	[sflag:s23] =	ssyncset.done $0x0  }
0xa4: {  	s25 =	simm.s32 $0x1B8E;
	s24 =	sld [smem:$0x3FFE];
	[sflag:s23] =	ssyncadd.s32 $0xFFFFFFFF  }
0xa5: {  	s26 =	simm.s32 $execute0_lowered;
	[smem:$0x3FD2] =	sst s25  }
0xa6: {  	s4 =	sshll.u32 s26, $0x1;
	_ =	strace $0x8000004C;
	[dreg:$0x1] =	wrdreg $0xFFFFFFFF  }
0xa7: {  	s28 =	simm.s32 $_size_execute0_lowered;
	s2 =	sadd.s32 s2, s4;
	[dreg:$0x0] =	wrdreg $0x0  }
0xa8: {  	s4 =	sshll.u32 s28, $0x1;
	[dreg:$0x2] =	wrdreg s2  }
0xa9: {  	[dreg:$0x3] =	wrdreg s4  }
0xaa: {  	[dreg:$0x4] =	wrdreg $0xC0  }
0xab: {  	_ =	task [dreg:s6], $0x5FFFF  }
0xac: {  	[dreg:$0x1] =	wrdreg $0xFFFFFFFF  }
0xad: {  	[dreg:$0x0] =	wrdreg $0x60  }
0xae: {  	[dreg:$0x2] =	wrdreg s24  }
0xaf: {  	[dreg:$0x3] =	wrdreg $0x3C000  }
0xb0: {  	[dreg:$0x4] =	wrdreg $0x9  }
0xb1: {  	_ =	task.clear_ibuf [dreg:s6], $0x5FFFF;
	_ =	strace $0x9000004C  }
0xb2: {  	s29 =	simm.s32 $0x9;
	_ =	strace $0x8000004E  }
0xb3: {  	_ =	swait.ge [sflag:s29], $0x1  }
0xb4: {  	[sflag:s29] =	ssyncadd.s32 $0xFFFFFFFF  }
0xb5: {  	_ =	strace $0x9000004E  }
0xb6: {  	_ =	sfence  }
0xb7: {  	s30 =	sld [smem:$0x0];
	_ =	sdelay $0x2  }
0xb8: {  	s31 =	sshll.u32 s1, $0xD;
	s1 =	sshrl.u32 s1, $0x2  }
0xb9: {  	s3 =	sand.u32 $0x4000, s31;
	s1 =	sadd.s32 s1, s30  }
0xba: {  	s0 =	sor.u32 s3, s0;
	s1 =	sshll.u32 s1, $0x11  }
0xbb: {  	s0 =	sor.u32 s1, s0  }
0xbc: {  	s0 =	sadd.s32 $0x8F2B, s0  }
0xbd: {  	[sflag:s0] =	ssyncadd.remote.s32 $0x1  }
0xbe: {  	_ =	sfence.sel $0xFFFF  }
0xbf: {  	[dreg:$0x0] =	wrdreg $0xFFFFFFFF;
	(pc) =	sbr.abs _section_cstart, $3  }
0xc0: {  	[dreg:$0x1] =	wrdreg $0xFFFFFFFF  }
0xc1: {  	_ =	task.clear_ibuf [dreg:s6], $0x2FFFF;
	_ =	strace $0x9FFFFFFF  }
0xc2: {  	(tm) =	ssettm $0x7FFFFFFF  }
0xc3: {  	_ =	shalt  }
tec
execute0_lowered:
.L_overlay_start_1:
0x0: {  	(tag) =	ssettag $0x1  }
0x1: {  	s0 =	rddreg [dreg:$0x0];
	s1 =	srdreg.scid  }
0x2: {  	s2 =	rddreg [dreg:$0x1];
	s11 =	stileid.u32  }
0x3: {  	s3 =	simm.s32 $0x0;
	s1 =	sand.u32 $0x1, s1;
	s7 =	smul.u32 $0x31000, s11  }
0x4: {  	[smem:$0x7FF] =	sst s3;
	s4 =	sadd.s32 $0x11CC00, s0;
	s9 =	smul.u32 $0x62000, s11  }
0x5: {  	s10 =	sadd.s32 $0xBAA00, s0;
	s5 =	smul.u32 $0x310000, s1;
	_ =	strace $0x8000004D  }
0x6: {  	[dreg:$0x3] =	wrdreg s10;
	s24 =	ssub.s32 $0x2, s1;
	s25 =	sshrl.u32 s9, $0x2  }
0x7: {  	s26 =	sshrl.u32 s24, $0x1;
	s6 =	sadd.s32 s7, s5;
	s5 =	sadd.s32 $0x2C00, s0  }
0x8: {  	s9 =	ssub.s32 s24, s26;
	s8 =	sshrl.u32 s6, $0x4;
	s6 =	sadd.s32 $0x1B400, s0  }
0x9: {  	s13 =	smax.u32 s9, $0x1;
	s0 =	sadd.s32 s8, s0;
	s8 =	sadd.s32 s25, s2  }
0xa: {  	[dreg:$0x6] =	wrdreg s13;
	s28 =	sadd.s32 $0x18000, s8  }
0xb: {  	s0 =	sadd.s32 $0x14DC00, s0;
	[dreg:$0x4] =	wrdreg s28  }
0xc: {  	s14 =	sadd.s32 $0x1000, s8;
	[dreg:$0x5] =	wrdreg s0  }
0xd: {  	s11 =	smul.u32 $0x6200, s11;
	s15 =	sadd.s32 $0x2000, s8;
	[dreg:$0x7] =	wrdreg s14  }
0xe: {  	s1 =	smul.u32 $0x62000, s1;
	s16 =	sadd.s32 $0x3000, s8;
	[dreg:$0x8] =	wrdreg s15  }
0xf: {  	s7 =	sshrl.u32 s7, $0x1;
	s17 =	sadd.s32 $0x4000, s8;
	[dreg:$0x9] =	wrdreg s16  }
0x10: {  	s10 =	sadd.s32 s11, s1;
	s18 =	sadd.s32 $0x5000, s8;
	[dreg:$0xa] =	wrdreg s17  }
0x11: {  	s12 =	sadd.s32 s7, s2;
	s19 =	sadd.s32 $0x6000, s8;
	[dreg:$0xb] =	wrdreg s18  }
0x12: {  	s13 =	simm.s32 $0x1C00;
	s20 =	sadd.s32 $0x7000, s8;
	[dreg:$0xc] =	wrdreg s19  }
0x13: {  	s21 =	sadd.s32 $0x8000, s8;
	s22 =	sadd.s32 $0x9000, s8;
	[dreg:$0xd] =	wrdreg s20  }
0x14: {  	s23 =	sadd.s32 $0xA000, s8;
	s24 =	sadd.s32 $0xB000, s8;
	[dreg:$0xe] =	wrdreg s21  }
0x15: {  	s25 =	sadd.s32 $0xC000, s8;
	s26 =	sadd.s32 $0xD000, s8;
	[dreg:$0xf] =	wrdreg s22  }
0x16: {  	s29 =	sadd.s32 $0xF000, s8;
	s30 =	sadd.s32 $0x10000, s8;
	[dreg:$0x10] =	wrdreg s23  }
0x17: {  	s31 =	sadd.s32 $0x11000, s8;
	s1 =	sadd.s32 $0x13000, s8;
	[dreg:$0x11] =	wrdreg s24  }
0x18: {  	s7 =	sadd.s32 $0x14000, s8;
	s9 =	sadd.s32 $0x15000, s8;
	[dreg:$0x12] =	wrdreg s25  }
0x19: {  	s11 =	sadd.s32 $0x16000, s8;
	s0 =	sshrl.u32 s12, $0x3;
	[dreg:$0x14] =	wrdreg s26  }
0x1a: {  	s28 =	sadd.s32 $0xE000, s8;
	s12 =	sadd.s32 $0x17000, s8;
	s14 =	simm.s32 $0x5  }
0x1b: {  	s15 =	simm.s32 $0xE00;
	s16 =	simm.s32 $0x80;
	s17 =	simm.s32 $0x2C00  }
0x1c: {  	s18 =	simm.s32 $0x1;
	s19 =	simm.s32 $0x2;
	s20 =	simm.s32 $0xE80  }
0x1d: {  	s21 =	simm.s32 $0x3;
	s22 =	simm.s32 $0x4;
	[dreg:$0x13] =	wrdreg s0  }
0x1e: {  	s23 =	simm.s32 $0x0;
	[dreg:$0x15] =	wrdreg s28;
	s0 =	sadd.s32 $0x12000, s8  }
.LBB2_1:
0x1f: {  	s24 =	rddreg [dreg:$0x3]  }
0x20: {  	[tilespmem:s13], [sflag:$0x5] =	stream.linear.gather [hbm4b:s24+s3], $0x1000, $0x38;
	[tilespmem:$0x1C400] =	vst v63  }
0x21: {  	_ =	swait.ge [sflag:s14], $0x1000  }
0x22: {  	[sflag:s14] =	ssyncset.done $0x0  }
0x23: {  	[sflag:s14] =	ssyncadd.s32 $0xFFFFF000  }
0x24: {  	[spmem:s8] =	stream.linear.scatter [tilespmem:s13], [sflag:$0x5], $0x1000, $0x38;
	[tilespmem:$0x1C400] =	vst v63  }
0x25: {  	_ =	swait.ge [sflag:s14], $0x1000  }
0x26: {  	[sflag:s14] =	ssyncset.done $0x0  }
0x27: {  	s25 =	rddreg [dreg:$0x7];
	[sflag:s14] =	ssyncadd.s32 $0xFFFFF000  }
0x28: {  	[spmem:s25] =	stream.linear.scatter [tilespmem:s13], [sflag:$0x5], $0x1000, $0x38;
	[tilespmem:$0x1C400] =	vst v63  }
0x29: {  	_ =	swait.ge [sflag:s14], $0x1000  }
0x2a: {  	[sflag:s14] =	ssyncset.done $0x0  }
0x2b: {  	s26 =	rddreg [dreg:$0x8];
	[sflag:s14] =	ssyncadd.s32 $0xFFFFF000  }
0x2c: {  	[spmem:s26] =	stream.linear.scatter [tilespmem:s13], [sflag:$0x5], $0x1000, $0x38;
	[tilespmem:$0x1C400] =	vst v63  }
0x2d: {  	_ =	swait.ge [sflag:s14], $0x1000  }
0x2e: {  	[sflag:s14] =	ssyncset.done $0x0  }
0x2f: {  	s28 =	rddreg [dreg:$0x9];
	[sflag:s14] =	ssyncadd.s32 $0xFFFFF000  }
0x30: {  	[spmem:s28] =	stream.linear.scatter [tilespmem:s13], [sflag:$0x5], $0x1000, $0x38;
	[tilespmem:$0x1C400] =	vst v63  }
0x31: {  	_ =	swait.ge [sflag:s14], $0x1000  }
0x32: {  	[sflag:s14] =	ssyncset.done $0x0  }
0x33: {  	s25 =	rddreg [dreg:$0xa];
	[sflag:s14] =	ssyncadd.s32 $0xFFFFF000  }
0x34: {  	[spmem:s25] =	stream.linear.scatter [tilespmem:s13], [sflag:$0x5], $0x1000, $0x38;
	[tilespmem:$0x1C400] =	vst v63  }
0x35: {  	_ =	swait.ge [sflag:s14], $0x1000  }
0x36: {  	[sflag:s14] =	ssyncset.done $0x0  }
0x37: {  	s26 =	rddreg [dreg:$0xb];
	[sflag:s14] =	ssyncadd.s32 $0xFFFFF000  }
0x38: {  	[spmem:s26] =	stream.linear.scatter [tilespmem:s13], [sflag:$0x5], $0x1000, $0x38;
	[tilespmem:$0x1C400] =	vst v63  }
0x39: {  	_ =	swait.ge [sflag:s14], $0x1000  }
0x3a: {  	[sflag:s14] =	ssyncset.done $0x0  }
0x3b: {  	s28 =	rddreg [dreg:$0xc];
	[sflag:s14] =	ssyncadd.s32 $0xFFFFF000  }
0x3c: {  	[spmem:s28] =	stream.linear.scatter [tilespmem:s13], [sflag:$0x5], $0x1000, $0x38;
	[tilespmem:$0x1C400] =	vst v63  }
0x3d: {  	_ =	swait.ge [sflag:s14], $0x1000  }
0x3e: {  	[sflag:s14] =	ssyncset.done $0x0  }
0x3f: {  	s25 =	rddreg [dreg:$0xd];
	[sflag:s14] =	ssyncadd.s32 $0xFFFFF000  }
0x40: {  	[spmem:s25] =	stream.linear.scatter [tilespmem:s13], [sflag:$0x5], $0x1000, $0x38;
	[tilespmem:$0x1C400] =	vst v63  }
0x41: {  	_ =	swait.ge [sflag:s14], $0x1000  }
0x42: {  	[sflag:s14] =	ssyncset.done $0x0  }
0x43: {  	s26 =	rddreg [dreg:$0xe];
	[sflag:s14] =	ssyncadd.s32 $0xFFFFF000  }
0x44: {  	[spmem:s26] =	stream.linear.scatter [tilespmem:s13], [sflag:$0x5], $0x1000, $0x38;
	[tilespmem:$0x1C400] =	vst v63  }
0x45: {  	_ =	swait.ge [sflag:s14], $0x1000  }
0x46: {  	[sflag:s14] =	ssyncset.done $0x0  }
0x47: {  	s28 =	rddreg [dreg:$0xf];
	[sflag:s14] =	ssyncadd.s32 $0xFFFFF000  }
0x48: {  	[spmem:s28] =	stream.linear.scatter [tilespmem:s13], [sflag:$0x5], $0x1000, $0x38;
	[tilespmem:$0x1C400] =	vst v63  }
0x49: {  	_ =	swait.ge [sflag:s14], $0x1000  }
0x4a: {  	[sflag:s14] =	ssyncset.done $0x0  }
0x4b: {  	s25 =	rddreg [dreg:$0x10];
	[sflag:s14] =	ssyncadd.s32 $0xFFFFF000  }
0x4c: {  	[spmem:s25] =	stream.linear.scatter [tilespmem:s13], [sflag:$0x5], $0x1000, $0x38;
	[tilespmem:$0x1C400] =	vst v63  }
0x4d: {  	_ =	swait.ge [sflag:s14], $0x1000  }
0x4e: {  	[sflag:s14] =	ssyncset.done $0x0  }
0x4f: {  	s26 =	rddreg [dreg:$0x11];
	[sflag:s14] =	ssyncadd.s32 $0xFFFFF000  }
0x50: {  	[spmem:s26] =	stream.linear.scatter [tilespmem:s13], [sflag:$0x5], $0x1000, $0x38;
	[tilespmem:$0x1C400] =	vst v63  }
0x51: {  	_ =	swait.ge [sflag:s14], $0x1000  }
0x52: {  	[sflag:s14] =	ssyncset.done $0x0  }
0x53: {  	s28 =	rddreg [dreg:$0x12];
	[sflag:s14] =	ssyncadd.s32 $0xFFFFF000  }
0x54: {  	[spmem:s28] =	stream.linear.scatter [tilespmem:s13], [sflag:$0x5], $0x1000, $0x38;
	[tilespmem:$0x1C400] =	vst v63  }
0x55: {  	_ =	swait.ge [sflag:s14], $0x1000  }
0x56: {  	[sflag:s14] =	ssyncset.done $0x0  }
0x57: {  	s25 =	rddreg [dreg:$0x14];
	[sflag:s14] =	ssyncadd.s32 $0xFFFFF000  }
0x58: {  	[spmem:s25] =	stream.linear.scatter [tilespmem:s13], [sflag:$0x5], $0x1000, $0x38;
	[tilespmem:$0x1C400] =	vst v63  }
0x59: {  	_ =	swait.ge [sflag:s14], $0x1000  }
0x5a: {  	[sflag:s14] =	ssyncset.done $0x0  }
0x5b: {  	s26 =	rddreg [dreg:$0x15];
	[sflag:s14] =	ssyncadd.s32 $0xFFFFF000  }
0x5c: {  	[spmem:s26] =	stream.linear.scatter [tilespmem:s13], [sflag:$0x5], $0x1000, $0x38;
	[tilespmem:$0x1C400] =	vst v63  }
0x5d: {  	_ =	swait.ge [sflag:s14], $0x1000  }
0x5e: {  	[sflag:s14] =	ssyncset.done $0x0  }
0x5f: {  	[sflag:s14] =	ssyncadd.s32 $0xFFFFF000  }
0x60: {  	[spmem:s29] =	stream.linear.scatter [tilespmem:s13], [sflag:$0x5], $0x1000, $0x38;
	[tilespmem:$0x1C400] =	vst v63  }
0x61: {  	_ =	swait.ge [sflag:s14], $0x1000  }
0x62: {  	[sflag:s14] =	ssyncset.done $0x0  }
0x63: {  	[sflag:s14] =	ssyncadd.s32 $0xFFFFF000  }
0x64: {  	[spmem:s30] =	stream.linear.scatter [tilespmem:s13], [sflag:$0x5], $0x1000, $0x38;
	[tilespmem:$0x1C400] =	vst v63  }
0x65: {  	_ =	swait.ge [sflag:s14], $0x1000  }
0x66: {  	[sflag:s14] =	ssyncset.done $0x0  }
0x67: {  	[sflag:s14] =	ssyncadd.s32 $0xFFFFF000  }
0x68: {  	[spmem:s31] =	stream.linear.scatter [tilespmem:s13], [sflag:$0x5], $0x1000, $0x38;
	[tilespmem:$0x1C400] =	vst v63  }
0x69: {  	_ =	swait.ge [sflag:s14], $0x1000  }
0x6a: {  	[sflag:s14] =	ssyncset.done $0x0  }
0x6b: {  	[sflag:s14] =	ssyncadd.s32 $0xFFFFF000  }
0x6c: {  	[spmem:s0] =	stream.linear.scatter [tilespmem:s13], [sflag:$0x5], $0x1000, $0x38;
	[tilespmem:$0x1C400] =	vst v63  }
0x6d: {  	_ =	swait.ge [sflag:s14], $0x1000  }
0x6e: {  	[sflag:s14] =	ssyncset.done $0x0  }
0x6f: {  	[sflag:s14] =	ssyncadd.s32 $0xFFFFF000  }
0x70: {  	[spmem:s1] =	stream.linear.scatter [tilespmem:s13], [sflag:$0x5], $0x1000, $0x38;
	[tilespmem:$0x1C400] =	vst v63  }
0x71: {  	_ =	swait.ge [sflag:s14], $0x1000  }
0x72: {  	[sflag:s14] =	ssyncset.done $0x0  }
0x73: {  	[sflag:s14] =	ssyncadd.s32 $0xFFFFF000  }
0x74: {  	[spmem:s7] =	stream.linear.scatter [tilespmem:s13], [sflag:$0x5], $0x1000, $0x38;
	[tilespmem:$0x1C400] =	vst v63  }
0x75: {  	_ =	swait.ge [sflag:s14], $0x1000  }
0x76: {  	[sflag:s14] =	ssyncset.done $0x0  }
0x77: {  	[sflag:s14] =	ssyncadd.s32 $0xFFFFF000  }
0x78: {  	[spmem:s9] =	stream.linear.scatter [tilespmem:s13], [sflag:$0x5], $0x1000, $0x38;
	[tilespmem:$0x1C400] =	vst v63  }
0x79: {  	_ =	swait.ge [sflag:s14], $0x1000  }
0x7a: {  	[sflag:s14] =	ssyncset.done $0x0  }
0x7b: {  	[sflag:s14] =	ssyncadd.s32 $0xFFFFF000  }
0x7c: {  	[spmem:s11] =	stream.linear.scatter [tilespmem:s13], [sflag:$0x5], $0x1000, $0x38;
	[tilespmem:$0x1C400] =	vst v63  }
0x7d: {  	_ =	swait.ge [sflag:s14], $0x1000  }
0x7e: {  	[sflag:s14] =	ssyncset.done $0x0  }
0x7f: {  	[sflag:s14] =	ssyncadd.s32 $0xFFFFF000  }
0x80: {  	[spmem:s12] =	stream.linear.scatter [tilespmem:s13], [sflag:$0x5], $0x1000, $0x38;
	[tilespmem:$0x1C400] =	vst v63  }
0x81: {  	_ =	swait.ge [sflag:s14], $0x1000  }
0x82: {  	[sflag:s14] =	ssyncset.done $0x0  }
0x83: {  	s28 =	rddreg [dreg:$0x4];
	[sflag:s14] =	ssyncadd.s32 $0xFFFFF000  }
0x84: {  	[spmem:s28] =	stream.linear.scatter [tilespmem:s13], [sflag:$0x5], $0x800, $0x38;
	[tilespmem:$0x1C400] =	vst v63  }
0x85: {  	_ =	swait.ge [sflag:s14], $0x800  }
0x86: {  	[sflag:s14] =	ssyncset.done $0x0  }
0x87: {  	[sflag:s14] =	ssyncadd.s32 $0xFFFFF800  }
0x88: {  	s24 =	simm.s32 $0x0;
	[bflag:$0x0] =	sbarrier.arrive $0xFFFF  }
.LBB2_2:
0x89: {  	p0 =	seq.s32 s24, $0x0  }
0x8a: {  	s25 =	simm.s32 @!p0 $0x3  }
0x8b: {  	_ =	swait.ge @!p0 [sflag:s25], $0x1000  }
0x8c: {  	s26 =	smul.u32 $0xE00, s24;
	[sflag:s25] =	ssyncset.done @!p0 $0x0  }
0x8d: {  	[sflag:s25] =	ssyncadd.s32 @!p0 $0xFFFFF000;
	s25 =	simm.s32 @!p0 $0x4  }
0x8e: {  	s26 =	sadd.s32 s26, s10;
	_ =	swait.ge @!p0 [sflag:s25], $0x1000  }
0x8f: {  	s26 =	sshrl.u32 s26, $0x3;
	[sflag:s25] =	ssyncset.done @!p0 $0x0  }
0x90: {  	s28 =	sadd.s32 s5, s26;
	[sflag:s25] =	ssyncadd.s32 @!p0 $0xFFFFF000  }
0x91: {  	[tilespmem:s3], [sflag:$0x5] =	stream.linear.gather [hbm4b:s28+s3], $0xE00, $0x38;
	[tilespmem:$0x1C400] =	vst v63  }
0x92: {  	_ =	swait.ge [sflag:s14], $0xE00  }
0x93: {  	[sflag:s14] =	ssyncset.done $0x0  }
0x94: {  	s26 =	sadd.s32 s6, s26;
	[sflag:s14] =	ssyncadd.s32 $0xFFFFF200  }
0x95: {  	[tilespmem:s15], [sflag:$0x5] =	stream.linear.gather [hbm4b:s26+s3], $0xE00, $0x38;
	[tilespmem:$0x1C400] =	vst v63  }
0x96: {  	_ =	swait.ge [sflag:s14], $0xE00  }
0x97: {  	[sflag:s14] =	ssyncset.done $0x0  }
0x98: {  	[sflag:s14] =	ssyncadd.s32 $0xFFFFF200  }
0x99: {  	[tilespmem:s13], [sflag:$0x1] =	stream.indirect.gather [hbm4b:s4+s16], $0x20, s3, s16, $0xb8;
	[tilespmem:$0x1C400] =	vst v63  }
0x9a: {  	_ = 	snop  }
0x9b: {  	[tilespmem:s17], [sflag:$0x2] =	stream.indirect.gather [hbm4b:s4+s16], $0x20, s16, s16, $0xb8;
	[tilespmem:$0x1C400] =	vst v63  }
0x9c: {  	_ =	swait.ge [sflag:s18], $0x1000  }
0x9d: {  	[sflag:s18] =	ssyncset.done $0x0  }
0x9e: {  	[sflag:s18] =	ssyncadd.s32 $0xFFFFF000  }
0x9f: {  	[spmem:s2] =	stream.indirect.scatter.add.bf16 [tilespmem:s13], [sflag:$0x3], $0x20, s15, s16, $0xb8;
	[tilespmem:$0x1C400] =	vst v63  }
0xa0: {  	_ =	swait.ge [sflag:s19], $0x1000  }
0xa1: {  	[sflag:s19] =	ssyncset.done $0x0  }
0xa2: {  	[sflag:s19] =	ssyncadd.s32 $0xFFFFF000  }
0xa3: {  	[spmem:s2] =	stream.indirect.scatter.add.bf16 [tilespmem:s17], [sflag:$0x4], $0x20, s20, s16, $0xb8;
	[tilespmem:$0x1C400] =	vst v63  }
0xa4: {  	_ =	swait.ge [sflag:s21], $0x1000  }
0xa5: {  	[sflag:s21] =	ssyncset.done $0x0  }
0xa6: {  	s28 =	simm.s32 $0x100;
	[sflag:s21] =	ssyncadd.s32 $0xFFFFF000  }
0xa7: {  	[tilespmem:s13], [sflag:$0x1] =	stream.indirect.gather [hbm4b:s4+s16], $0x20, s28, s16, $0xb8;
	[tilespmem:$0x1C400] =	vst v63  }
0xa8: {  	_ =	swait.ge [sflag:s22], $0x1000  }
0xa9: {  	[sflag:s22] =	ssyncset.done $0x0  }
0xaa: {  	s26 =	simm.s32 $0x180;
	[sflag:s22] =	ssyncadd.s32 $0xFFFFF000  }
0xab: {  	[tilespmem:s17], [sflag:$0x2] =	stream.indirect.gather [hbm4b:s4+s16], $0x20, s26, s16, $0xb8;
	[tilespmem:$0x1C400] =	vst v63  }
0xac: {  	_ =	swait.ge [sflag:s18], $0x1000  }
0xad: {  	[sflag:s18] =	ssyncset.done $0x0  }
0xae: {  	s28 =	simm.s32 $0xF00;
	[sflag:s18] =	ssyncadd.s32 $0xFFFFF000  }
0xaf: {  	[spmem:s2] =	stream.indirect.scatter.add.bf16 [tilespmem:s13], [sflag:$0x3], $0x20, s28, s16, $0xb8;
	[tilespmem:$0x1C400] =	vst v63  }
0xb0: {  	_ =	swait.ge [sflag:s19], $0x1000  }
0xb1: {  	[sflag:s19] =	ssyncset.done $0x0  }
0xb2: {  	s25 =	simm.s32 $0xFFFFD000;
	s26 =	simm.s32 $0xF80;
	[sflag:s19] =	ssyncadd.s32 $0xFFFFF000  }
.LBB2_3:
0xb3: {  	[spmem:s2] =	stream.indirect.scatter.add.bf16 [tilespmem:s17], [sflag:$0x4], $0x20, s26, s16, $0xb8;
	[tilespmem:$0x1C400] =	vst v63  }
0xb4: {  	s26 =	smov.u32 s25  }
0xb5: {  	p0 =	sne.s32 s25, $0xFFFFFC00;
	s25 =	sadd.s32 $0x400, s25;
	_ =	swait.ge [sflag:s21], $0x1000  }
0xb6: {  	s26 =	sshra.s32 s26, $0x2;
	[sflag:s21] =	ssyncset.done $0x0  }
0xb7: {  	s28 =	sadd.s32 $0xE00, s26;
	[sflag:s21] =	ssyncadd.s32 $0xFFFFF000  }
0xb8: {  	[tilespmem:s13], [sflag:$0x1] =	stream.indirect.gather [hbm4b:s4+s16], $0x20, s28, s16, $0xb8;
	[tilespmem:$0x1C400] =	vst v63  }
0xb9: {  	_ =	swait.ge [sflag:s22], $0x1000  }
0xba: {  	[sflag:s22] =	ssyncset.done $0x0  }
0xbb: {  	s28 =	sadd.s32 $0xE80, s26;
	[sflag:s22] =	ssyncadd.s32 $0xFFFFF000  }
0xbc: {  	[tilespmem:s17], [sflag:$0x2] =	stream.indirect.gather [hbm4b:s4+s16], $0x20, s28, s16, $0xb8;
	[tilespmem:$0x1C400] =	vst v63  }
0xbd: {  	_ =	swait.ge [sflag:s18], $0x1000  }
0xbe: {  	[sflag:s18] =	ssyncset.done $0x0  }
.Ltmp0:
0xbf: {  	s28 =	sadd.s32 $0x1C00, s26;
	[sflag:s18] =	ssyncadd.s32 $0xFFFFF000;
	(pc) =	sbr.rel @p0 .LBB2_3-.Ltmp0, $4  }
0xc0: {  	[spmem:s2] =	stream.indirect.scatter.add.bf16 [tilespmem:s13], [sflag:$0x3], $0x20, s28, s16, $0xb8;
	[tilespmem:$0x1C400] =	vst v63  }
0xc1: {  	_ =	swait.ge [sflag:s19], $0x1000  }
0xc2: {  	[sflag:s19] =	ssyncset.done $0x0  }
0xc3: {  	s26 =	sadd.s32 $0x1C80, s26;
	[sflag:s19] =	ssyncadd.s32 $0xFFFFF000  }
0xc4: {  	s24 =	sadd.s32 $0x1, s24  }
0xc5: {  	p0 =	sne.s32 s24, $0x7  }
.Ltmp1:
0xc6: {  	_ = 	snop;
	(pc) =	sbr.rel @p0 .LBB2_2-.Ltmp1, $2  }
0xc7: {  	_ =	sdelay $0x2  }
0xc8: {  	[spmem:s2] =	stream.indirect.scatter.add.bf16 [tilespmem:s17], [sflag:$0x4], $0x20, s26, s16, $0xb8;
	[tilespmem:$0x1C400] =	vst v63  }
0xc9: {  	_ =	swait.ge [sflag:s21], $0x1000  }
0xca: {  	[sflag:s21] =	ssyncset.done $0x0  }
0xcb: {  	[sflag:s21] =	ssyncadd.s32 $0xFFFFF000  }
0xcc: {  	_ =	swait.ge [sflag:s22], $0x1000  }
0xcd: {  	[sflag:s22] =	ssyncset.done $0x0  }
0xce: {  	[sflag:s22] =	ssyncadd.s32 $0xFFFFF000  }
0xcf: {  	s24 =	stileid.u32;
	[bflag:$0x0] =	sbarrier.arrive $0xFFFF  }
0xd0: {  	s24 =	sshll.u32 s24, $0x6;
	s25 =	rddreg [dreg:$0x5]  }
0xd1: {  	s24 =	sor.u32 $0x1C05, s24;
	s26 =	rddreg [dreg:$0x13]  }
0xd2: {  	[hbm:s25], [sflag:s24] =	dma.local [spmem:s26], $0x3100  }
0xd3: {  	_ =	swait.ge [sflag:s14], $0x3100  }
0xd4: {  	s23 =	sadd.s32 $0x1, s23;
	s28 =	rddreg [dreg:$0x6]  }
0xd5: {  	p0 =	sne.s32 s23, s28  }
.Ltmp2:
0xd6: {  	_ = 	snop;
	(pc) =	sbr.rel @p0 .LBB2_1-.Ltmp2, $3  }
0xd7: {  	_ =	sdelay $0x1  }
0xd8: {  	[sflag:s14] =	ssyncset.done $0x0  }
0xd9: {  	[sflag:s14] =	ssyncadd.s32 $0xFFFFCF00  }
0xda: {  	_ =	sfence.sel $0x180000  }
0xdb: {  	[bflag:$0x0] =	sbarrier.arrive $0xFFFF  }
0xdc: {  	_ =	strace $0x9000004D  }
0xdd: {  	s0 =	stileid.u32;
	[bflag:$0x2] =	sbarrier.arrive $0xFFFF  }
0xde: {  	p0 =	sne.s32 s0, $0x0;
	s0 =	rddreg [dreg:$0x2]  }
0xdf: {  	s0 =	sadd.s32 @!p0 $0x100000, s0  }
0xe0: {  	[sflag:s0] =	ssyncadd.tile.s32 @!p0 $0x1;
	_ =	shalt  }
.Lfunc_end2:
_tile_overlayer_lowered:
.L_overlay_start_2:
0xe1: {  	(tag) =	ssettag $0x2  }
0xe2: {  	s0 =	rddreg [dreg:$0x0];
	s2 =	stileid.u32  }
0xe3: {  	s1 =	rddreg [dreg:$0x1];
	p0 =	sne.s32 s2, $0x0  }
0xe4: {  	s3 =	rddreg [dreg:$0x2];
	[bflag:$0x3] =	sbarrier.arrive $0xFFFF;
	s2 =	simm.s32 @!p0 $0x1C05  }
0xe5: {  	[timem:s3], [sflag:s2] =	dma.local @!p0 [hbm:s0], s1  }
0xe6: {  	s0 =	simm.s32 @!p0 $0x5  }
0xe7: {  	_ =	swait.ge @!p0 [sflag:s0], s1  }
0xe8: {  	s1 =	ssub.s32 @!p0 $0x0, s1;
	[sflag:s0] =	ssyncset.done @!p0 $0x0  }
0xe9: {  	[sflag:s0] =	ssyncadd.s32 @!p0 s1  }
0xea: {  	[bflag:$0x3] =	sbarrier.arrive $0xFFFF  }
0xeb: {  	_ =	shalt  }

// kernel: kernel.19.cloned.1.call-start
scs
__scs_entry_jumppad:
0x0: {  	(pc) =	sbr.rel $0x88, $3  }
0x1: {  	(tag) =	ssettag $0x0;
	lr =	simm.s32 $0x1  }
0x2: {  	[smem:$0x3F95] =	sst lr;
	_ =	strace $0xD0000000  }
0x3: {  	_ = 	snop  }
0x4: {  	_ = 	snop  }
0x5: {  	_ = 	snop  }
0x6: {  	_ = 	snop  }
0x7: {  	_ = 	snop  }
__scs_overlays_trampoline_lowered:
0x8: {  	[smem:$0x3FA4] =	sst s0  }
0x9: {  	[smem:$0x3FA5] =	sst s1  }
0xa: {  	[smem:$0x3FA6] =	sst s2  }
0xb: {  	[smem:$0x3FA7] =	sst s3  }
0xc: {  	[smem:$0x3FA8] =	sst s4  }
0xd: {  	[smem:$0x3FA9] =	sst s5  }
0xe: {  	[smem:$0x3FAA] =	sst s6  }
0xf: {  	[smem:$0x3FAB] =	sst s7  }
0x10: {  	[smem:$0x3FAC] =	sst s8  }
0x11: {  	[smem:$0x3FAD] =	sst s9;
	s0 =	simm.s32 @!p0 $0x0  }
0x12: {  	s1 =	sld [smem:$0x3F93];
	s0 =	simm.s32 @p0 $0x1  }
0x13: {  	[smem:$0x3FAE] =	sst s0;
	s0 =	simm.s32 @!p1 $0x0  }
0x14: {  	s2 =	sld [smem:$0x3F92];
	s0 =	simm.s32 @p1 $0x1  }
0x15: {  	[smem:$0x3FAF] =	sst s0;
	s0 =	simm.s32 @!p2 $0x0  }
0x16: {  	s3 =	sld [smem:$0x3FDB];
	s0 =	simm.s32 @p2 $0x1  }
0x17: {  	s4 =	simm.s32 $0x1BF5;
	[smem:$0x3FB1] =	sst s0  }
0x18: {  	s0 =	sld [smem:$0x3F94];
	_ =	swait.ge [sflag:s4], $0x0  }
0x19: {  	s7 =	sld [smem:$0x3F95]  }
0x1a: {  	s8 =	sadd.s32 $0xFFFFE003, lr  }
0x1b: {  	s9 =	sadd.s32 $0xFFFFFEF7, lr;
	s5 =	simm.s32 $0xFFFFFFFF;
	p2 =	slt.u32 s8, $0xFFFFF086  }
0x1c: {  	p1 =	slt.u32 s9, $0xF7A;
	s5 =	simm.s32 @!p2 $0x0  }
0x1d: {  	s5 =	simm.s32 @p1 $0x1;
	p0 =	seq.s32 s7, s2  }
0x1e: {  	s7 =	smul.u32 @!p0 $0xF7A, s2;
	p2 =	seq.s32 @!p0 s5, $0x0  }
0x1f: {  	s9 =	smul.u32 $0xF7A, s1;
	s8 =	simm.s32 @!p0 $0x1BF5;
	p2 =	por !p2, p0  }
0x20: {  	[sflag:s8] =	ssyncset.s32 @!p0 $0xFFFFF086;
	s6 =	sadd.s32 @!p0 s3, s7;
	s7 =	simm.s32 @!p0 $0x108  }
0x21: {  	s3 =	sadd.s32 s3, s9;
	s6 =	sadd.s32 @!p0 $0x88, s6;
	s7 =	simm.s32 @p2 $0x1082  }
0x22: {  	[simem:s7], [sflag:s8] =	dma.local @!p0 [hbm:s6], $0xF7A  }
0x23: {  	s9 =	sor.u32 $0xD0000000, s2;
	s6 =	simm.s32 $0x108;
	_ =	swait.ge @!p0 [sflag:s8], $0x0  }
0x24: {  	s3 =	sadd.s32 $0x88, s3;
	s6 =	simm.s32 @!p1 $0x1082;
	[sflag:s4] =	ssyncset.s32 $0xFFFFF086  }
0x25: {  	[simem:s6], [sflag:s4] =	dma.local [hbm:s3], $0xF7A  }
0x26: {  	[smem:$0x3F95] =	sst s1;
	(tag) =	ssettag s2;
	_ =	strace s9  }
0x27: {  	s1 =	sld [smem:$0x3FA5]  }
0x28: {  	s2 =	sld [smem:$0x3FA6]  }
0x29: {  	s4 =	sld [smem:$0x3FA8]  }
0x2a: {  	p0 =	seq.s32 s5, $0x0;
	s5 =	sld [smem:$0x3FA9]  }
0x2b: {  	s6 =	sld [smem:$0x3FAA]  }
0x2c: {  	s7 =	sld [smem:$0x3FAB]  }
0x2d: {  	s3 =	simm.s32 $0x108;
	s8 =	sld [smem:$0x3FAC]  }
0x2e: {  	s3 =	simm.s32 @!p0 $0x1082;
	s9 =	sld [smem:$0x3FAD]  }
0x2f: {  	lr =	sadd.s32 s0, s3;
	s0 =	sld [smem:$0x3FA4]  }
0x30: {  	s3 =	sld [smem:$0x3FA7]  }
0x31: {  	[smem:$0x3FB0] =	sst s10  }
0x32: {  	s10 =	sld [smem:$0x3FAE];
	_ =	sdelay $0x3  }
0x33: {  	p0 =	seq.s32 s10, $0x1;
	s10 =	sld [smem:$0x3FB0];
	_ =	sdelay $0x3  }
0x34: {  	[smem:$0x3FB0] =	sst s10  }
0x35: {  	s10 =	sld [smem:$0x3FAF];
	_ =	sdelay $0x3  }
0x36: {  	p1 =	seq.s32 s10, $0x1;
	s10 =	sld [smem:$0x3FB0];
	_ =	sdelay $0x3  }
0x37: {  	[smem:$0x3FB0] =	sst s10  }
0x38: {  	s10 =	sld [smem:$0x3FB1]  }
0x39: {  	_ = 	snop;
	(pc) =	sbr.ind lr, $3  }
0x3a: {  	_ = 	snop  }
0x3b: {  	_ = 	snop  }
0x3c: {  	p2 =	seq.s32 s10, $0x1;
	s10 =	sld [smem:$0x3FB0]  }
0x3d: {  	_ =	shalt  }
0x3e: {  	_ =	shalt  }
0x3f: {  	_ =	shalt  }
0x40: {  	_ =	shalt  }
0x41: {  	_ =	shalt  }
0x42: {  	_ =	shalt  }
0x43: {  	_ =	shalt  }
0x44: {  	_ =	shalt  }
0x45: {  	_ =	shalt  }
0x46: {  	_ =	shalt  }
0x47: {  	_ =	shalt  }
0x48: {  	_ =	shalt  }
0x49: {  	_ =	shalt  }
0x4a: {  	_ =	shalt  }
0x4b: {  	_ =	shalt  }
0x4c: {  	_ =	shalt  }
0x4d: {  	_ =	shalt  }
0x4e: {  	_ =	shalt  }
0x4f: {  	_ =	shalt  }
0x50: {  	_ =	shalt  }
0x51: {  	_ =	shalt  }
0x52: {  	_ =	shalt  }
0x53: {  	_ =	shalt  }
0x54: {  	_ =	shalt  }
0x55: {  	_ =	shalt  }
0x56: {  	_ =	shalt  }
0x57: {  	_ =	shalt  }
0x58: {  	_ =	shalt  }
0x59: {  	_ =	shalt  }
0x5a: {  	_ =	shalt  }
0x5b: {  	_ =	shalt  }
0x5c: {  	_ =	shalt  }
0x5d: {  	_ =	shalt  }
0x5e: {  	_ =	shalt  }
0x5f: {  	_ =	shalt  }
0x60: {  	_ =	shalt  }
0x61: {  	_ =	shalt  }
0x62: {  	_ =	shalt  }
0x63: {  	_ =	shalt  }
0x64: {  	_ =	shalt  }
0x65: {  	_ =	shalt  }
0x66: {  	_ =	shalt  }
0x67: {  	_ =	shalt  }
0x68: {  	_ =	shalt  }
0x69: {  	_ =	shalt  }
0x6a: {  	_ =	shalt  }
0x6b: {  	_ =	shalt  }
0x6c: {  	_ =	shalt  }
0x6d: {  	_ =	shalt  }
0x6e: {  	_ =	shalt  }
0x6f: {  	_ =	shalt  }
0x70: {  	_ =	shalt  }
0x71: {  	_ =	shalt  }
0x72: {  	_ =	shalt  }
0x73: {  	_ =	shalt  }
0x74: {  	_ =	shalt  }
0x75: {  	_ =	shalt  }
0x76: {  	_ =	shalt  }
0x77: {  	_ =	shalt  }
0x78: {  	_ =	shalt  }
0x79: {  	_ =	shalt  }
0x7a: {  	_ =	shalt  }
0x7b: {  	_ =	shalt  }
0x7c: {  	_ =	shalt  }
0x7d: {  	_ =	shalt  }
0x7e: {  	_ =	shalt  }
0x7f: {  	_ =	shalt  }
0x80: {  	_ =	shalt  }
0x81: {  	_ =	shalt  }
0x82: {  	_ =	shalt  }
0x83: {  	_ =	shalt  }
0x84: {  	_ =	shalt  }
0x85: {  	_ =	shalt  }
0x86: {  	_ =	shalt  }
0x87: {  	_ =	shalt  }
.Lfunc_end0:
.L_simem_size_0:
called_computation.3_lowered:
.L_overlay_start_0:
0x88: {  	s2 =	sld [smem:$0x3FD9]  }
0x89: {  	s3 =	sld [smem:$0x3FFE];
	_ =	sdelay $0x1  }
0x8a: {  	s1 =	srdreg.scid  }
0x8b: {  	s0 =	sand.u32 $0x1, s1  }
0x8c: {  	s16 =	sshll.u32 s0, $0xA;
	s2 =	sadd.s32 s3, s2  }
0x8d: {  	s2 =	sadd.s32 s2, s16  }
0x8e: {  	[smem:$0x3FBC] =	sst s2  }
0x8f: {  	_ = 	snop  }
0x90: {  	(tm) =	ssettm $0x1  }
0x91: {  	s17 =	sld [smem:$0x3FFB];
	_ =	sdelay $0x3  }
0x92: {  	_ =	strace s17  }
0x93: {  	s2 =	sld [smem:$0x3FFC];
	_ =	sdelay $0x3  }
0x94: {  	_ =	strace s2  }
0x95: {  	s2 =	sld [smem:$0x3FFD];
	_ =	sdelay $0x3  }
0x96: {  	_ =	strace s2  }
0x97: {  	_ =	strace $0x8FFFFFFF  }
0x98: {  	s18 =	sld [smem:$0x3FDB];
	_ =	sdelay $0x1  }
0x99: {  	s19 =	simm.s32 $_scs_section_size  }
0x9a: {  	s4 =	simm.s32 $_size__tile_overlayer_lowered;
	s5 =	simm.s32 $_tile_overlayer_lowered  }
0x9b: {  	s22 =	simm.s32 $0x1BFF;
	s21 =	sshll.u32 s5, $0x1;
	s2 =	sadd.s32 s19, s18  }
0x9c: {  	s6 =	simm.s32 $0x0;
	s20 =	sshll.u32 s4, $0x1;
	s4 =	sadd.s32 s21, s2  }
0x9d: {  	[timem:s6], [sflag:s22] =	dma.local [hbm:s4], s20  }
0x9e: {  	_ =	swait.ge [sflag:s22], s20  }
0x9f: {  	s3 =	ssub.s32 $0x0, s20;
	[sflag:s22] =	ssyncset.done $0x0  }
0xa0: {  	[sflag:s22] =	ssyncadd.s32 s3;
	_ =	sdelay $0x1  }
0xa1: {  	s23 =	simm.s32 $0x1B8B  }
0xa2: {  	_ =	swait.ge [sflag:s23], $0x1  }
0xa3: {  	[sflag:s23] =	ssyncset.done $0x0  }
0xa4: {  	s25 =	simm.s32 $0x1B8E;
	s24 =	sld [smem:$0x3FFE];
	[sflag:s23] =	ssyncadd.s32 $0xFFFFFFFF  }
0xa5: {  	s26 =	simm.s32 $execute0_lowered;
	[smem:$0x3FD2] =	sst s25  }
0xa6: {  	s4 =	sshll.u32 s26, $0x1;
	_ =	strace $0x8000004F;
	[dreg:$0x1] =	wrdreg $0xFFFFFFFF  }
0xa7: {  	s28 =	simm.s32 $_size_execute0_lowered;
	s2 =	sadd.s32 s2, s4;
	[dreg:$0x0] =	wrdreg $0x0  }
0xa8: {  	s4 =	sshll.u32 s28, $0x1;
	[dreg:$0x2] =	wrdreg s2  }
0xa9: {  	[dreg:$0x3] =	wrdreg s4  }
0xaa: {  	[dreg:$0x4] =	wrdreg $0xC0  }
0xab: {  	_ =	task [dreg:s6], $0x5FFFF  }
0xac: {  	[dreg:$0x1] =	wrdreg $0xFFFFFFFF  }
0xad: {  	[dreg:$0x0] =	wrdreg $0x60  }
0xae: {  	[dreg:$0x2] =	wrdreg s24  }
0xaf: {  	[dreg:$0x3] =	wrdreg $0x2C000  }
0xb0: {  	[dreg:$0x4] =	wrdreg $0x9  }
0xb1: {  	_ =	task.clear_ibuf [dreg:s6], $0x5FFFF;
	_ =	strace $0x9000004F  }
0xb2: {  	s29 =	simm.s32 $0x9;
	_ =	strace $0x80000051  }
0xb3: {  	_ =	swait.ge [sflag:s29], $0x1  }
0xb4: {  	[sflag:s29] =	ssyncadd.s32 $0xFFFFFFFF  }
0xb5: {  	_ =	strace $0x90000051  }
0xb6: {  	_ =	sfence  }
0xb7: {  	s30 =	sld [smem:$0x0];
	_ =	sdelay $0x2  }
0xb8: {  	s31 =	sshll.u32 s1, $0xD;
	s1 =	sshrl.u32 s1, $0x2  }
0xb9: {  	s3 =	sand.u32 $0x4000, s31;
	s1 =	sadd.s32 s1, s30  }
0xba: {  	s0 =	sor.u32 s3, s0;
	s1 =	sshll.u32 s1, $0x11  }
0xbb: {  	s0 =	sor.u32 s1, s0  }
0xbc: {  	s0 =	sadd.s32 $0x8F2B, s0  }
0xbd: {  	[sflag:s0] =	ssyncadd.remote.s32 $0x1  }
0xbe: {  	_ =	sfence.sel $0xFFFF  }
0xbf: {  	[dreg:$0x0] =	wrdreg $0xFFFFFFFF;
	(pc) =	sbr.abs _section_cstart, $3  }
0xc0: {  	[dreg:$0x1] =	wrdreg $0xFFFFFFFF  }
0xc1: {  	_ =	task.clear_ibuf [dreg:s6], $0x2FFFF;
	_ =	strace $0x9FFFFFFF  }
0xc2: {  	(tm) =	ssettm $0x7FFFFFFF  }
0xc3: {  	_ =	shalt  }
tec
execute0_lowered:
.L_overlay_start_1:
0x0: {  	(tag) =	ssettag $0x1  }
0x1: {  	s0 =	rddreg [dreg:$0x0];
	s1 =	srdreg.scid  }
0x2: {  	s2 =	rddreg [dreg:$0x1];
	s11 =	stileid.u32  }
0x3: {  	s3 =	simm.s32 $0x0;
	s1 =	sand.u32 $0x1, s1;
	s7 =	smul.u32 $0x18800, s11  }
0x4: {  	[smem:$0x7FF] =	sst s3;
	s4 =	sadd.s32 $0x96000, s0;
	s9 =	smul.u32 $0x31000, s11  }
0x5: {  	s10 =	sadd.s32 $0x95E00, s0;
	s5 =	smul.u32 $0x188000, s1;
	_ =	strace $0x80000050  }
0x6: {  	[dreg:$0x3] =	wrdreg s10;
	s24 =	ssub.s32 $0x2, s1;
	s25 =	sshrl.u32 s9, $0x2  }
0x7: {  	s26 =	sshrl.u32 s24, $0x1;
	s6 =	sadd.s32 s7, s5;
	s5 =	sadd.s32 $0x2C00, s0  }
0x8: {  	s9 =	ssub.s32 s24, s26;
	s8 =	sshrl.u32 s6, $0x4;
	s6 =	sadd.s32 $0x1B400, s0  }
0x9: {  	s13 =	smax.u32 s9, $0x1;
	s0 =	sadd.s32 s8, s0;
	s8 =	sadd.s32 s25, s2  }
0xa: {  	[dreg:$0x6] =	wrdreg s13;
	s28 =	sadd.s32 $0xC000, s8  }
0xb: {  	s0 =	sadd.s32 $0xAE800, s0;
	[dreg:$0x4] =	wrdreg s28  }
0xc: {  	s14 =	sadd.s32 $0x800, s8;
	[dreg:$0x5] =	wrdreg s0  }
0xd: {  	s11 =	smul.u32 $0x6200, s11;
	s15 =	sadd.s32 $0x1000, s8;
	[dreg:$0x7] =	wrdreg s14  }
0xe: {  	s1 =	smul.u32 $0x62000, s1;
	s16 =	sadd.s32 $0x1800, s8;
	[dreg:$0x8] =	wrdreg s15  }
0xf: {  	s7 =	sshrl.u32 s7, $0x1;
	s17 =	sadd.s32 $0x2000, s8;
	[dreg:$0x9] =	wrdreg s16  }
0x10: {  	s10 =	sadd.s32 s11, s1;
	s18 =	sadd.s32 $0x2800, s8;
	[dreg:$0xa] =	wrdreg s17  }
0x11: {  	s12 =	sadd.s32 s7, s2;
	s19 =	sadd.s32 $0x3000, s8;
	[dreg:$0xb] =	wrdreg s18  }
0x12: {  	s13 =	simm.s32 $0x1C00;
	s20 =	sadd.s32 $0x3800, s8;
	[dreg:$0xc] =	wrdreg s19  }
0x13: {  	s21 =	sadd.s32 $0x4000, s8;
	s22 =	sadd.s32 $0x4800, s8;
	[dreg:$0xd] =	wrdreg s20  }
0x14: {  	s23 =	sadd.s32 $0x5000, s8;
	s24 =	sadd.s32 $0x5800, s8;
	[dreg:$0xe] =	wrdreg s21  }
0x15: {  	s25 =	sadd.s32 $0x6000, s8;
	s26 =	sadd.s32 $0x6800, s8;
	[dreg:$0xf] =	wrdreg s22  }
0x16: {  	s29 =	sadd.s32 $0x7800, s8;
	s30 =	sadd.s32 $0x8000, s8;
	[dreg:$0x10] =	wrdreg s23  }
0x17: {  	s31 =	sadd.s32 $0x8800, s8;
	s1 =	sadd.s32 $0x9800, s8;
	[dreg:$0x11] =	wrdreg s24  }
0x18: {  	s7 =	sadd.s32 $0xA000, s8;
	s9 =	sadd.s32 $0xA800, s8;
	[dreg:$0x12] =	wrdreg s25  }
0x19: {  	s11 =	sadd.s32 $0xB000, s8;
	s0 =	sshrl.u32 s12, $0x3;
	[dreg:$0x14] =	wrdreg s26  }
0x1a: {  	s28 =	sadd.s32 $0x7000, s8;
	s12 =	sadd.s32 $0xB800, s8;
	s14 =	simm.s32 $0x5  }
0x1b: {  	s15 =	simm.s32 $0xE00;
	s16 =	simm.s32 $0x80;
	s17 =	simm.s32 $0x2400  }
0x1c: {  	s18 =	simm.s32 $0x1;
	s19 =	simm.s32 $0x2;
	s20 =	simm.s32 $0xE80  }
0x1d: {  	s21 =	simm.s32 $0x3;
	s22 =	simm.s32 $0x4;
	[dreg:$0x13] =	wrdreg s0  }
0x1e: {  	s23 =	simm.s32 $0x0;
	[dreg:$0x15] =	wrdreg s28;
	s0 =	sadd.s32 $0x9000, s8  }
.LBB2_1:
0x1f: {  	s24 =	rddreg [dreg:$0x3]  }
0x20: {  	[tilespmem:s13], [sflag:$0x5] =	stream.linear.gather [hbm4b:s24+s3], $0x800, $0x38;
	[tilespmem:$0xF000] =	vst v63  }
0x21: {  	_ =	swait.ge [sflag:s14], $0x800  }
0x22: {  	[sflag:s14] =	ssyncset.done $0x0  }
0x23: {  	[sflag:s14] =	ssyncadd.s32 $0xFFFFF800  }
0x24: {  	[spmem:s8] =	stream.linear.scatter [tilespmem:s13], [sflag:$0x5], $0x800, $0x38;
	[tilespmem:$0xF000] =	vst v63  }
0x25: {  	_ =	swait.ge [sflag:s14], $0x800  }
0x26: {  	[sflag:s14] =	ssyncset.done $0x0  }
0x27: {  	s25 =	rddreg [dreg:$0x7];
	[sflag:s14] =	ssyncadd.s32 $0xFFFFF800  }
0x28: {  	[spmem:s25] =	stream.linear.scatter [tilespmem:s13], [sflag:$0x5], $0x800, $0x38;
	[tilespmem:$0xF000] =	vst v63  }
0x29: {  	_ =	swait.ge [sflag:s14], $0x800  }
0x2a: {  	[sflag:s14] =	ssyncset.done $0x0  }
0x2b: {  	s26 =	rddreg [dreg:$0x8];
	[sflag:s14] =	ssyncadd.s32 $0xFFFFF800  }
0x2c: {  	[spmem:s26] =	stream.linear.scatter [tilespmem:s13], [sflag:$0x5], $0x800, $0x38;
	[tilespmem:$0xF000] =	vst v63  }
0x2d: {  	_ =	swait.ge [sflag:s14], $0x800  }
0x2e: {  	[sflag:s14] =	ssyncset.done $0x0  }
0x2f: {  	s28 =	rddreg [dreg:$0x9];
	[sflag:s14] =	ssyncadd.s32 $0xFFFFF800  }
0x30: {  	[spmem:s28] =	stream.linear.scatter [tilespmem:s13], [sflag:$0x5], $0x800, $0x38;
	[tilespmem:$0xF000] =	vst v63  }
0x31: {  	_ =	swait.ge [sflag:s14], $0x800  }
0x32: {  	[sflag:s14] =	ssyncset.done $0x0  }
0x33: {  	s25 =	rddreg [dreg:$0xa];
	[sflag:s14] =	ssyncadd.s32 $0xFFFFF800  }
0x34: {  	[spmem:s25] =	stream.linear.scatter [tilespmem:s13], [sflag:$0x5], $0x800, $0x38;
	[tilespmem:$0xF000] =	vst v63  }
0x35: {  	_ =	swait.ge [sflag:s14], $0x800  }
0x36: {  	[sflag:s14] =	ssyncset.done $0x0  }
0x37: {  	s26 =	rddreg [dreg:$0xb];
	[sflag:s14] =	ssyncadd.s32 $0xFFFFF800  }
0x38: {  	[spmem:s26] =	stream.linear.scatter [tilespmem:s13], [sflag:$0x5], $0x800, $0x38;
	[tilespmem:$0xF000] =	vst v63  }
0x39: {  	_ =	swait.ge [sflag:s14], $0x800  }
0x3a: {  	[sflag:s14] =	ssyncset.done $0x0  }
0x3b: {  	s28 =	rddreg [dreg:$0xc];
	[sflag:s14] =	ssyncadd.s32 $0xFFFFF800  }
0x3c: {  	[spmem:s28] =	stream.linear.scatter [tilespmem:s13], [sflag:$0x5], $0x800, $0x38;
	[tilespmem:$0xF000] =	vst v63  }
0x3d: {  	_ =	swait.ge [sflag:s14], $0x800  }
0x3e: {  	[sflag:s14] =	ssyncset.done $0x0  }
0x3f: {  	s25 =	rddreg [dreg:$0xd];
	[sflag:s14] =	ssyncadd.s32 $0xFFFFF800  }
0x40: {  	[spmem:s25] =	stream.linear.scatter [tilespmem:s13], [sflag:$0x5], $0x800, $0x38;
	[tilespmem:$0xF000] =	vst v63  }
0x41: {  	_ =	swait.ge [sflag:s14], $0x800  }
0x42: {  	[sflag:s14] =	ssyncset.done $0x0  }
0x43: {  	s26 =	rddreg [dreg:$0xe];
	[sflag:s14] =	ssyncadd.s32 $0xFFFFF800  }
0x44: {  	[spmem:s26] =	stream.linear.scatter [tilespmem:s13], [sflag:$0x5], $0x800, $0x38;
	[tilespmem:$0xF000] =	vst v63  }
0x45: {  	_ =	swait.ge [sflag:s14], $0x800  }
0x46: {  	[sflag:s14] =	ssyncset.done $0x0  }
0x47: {  	s28 =	rddreg [dreg:$0xf];
	[sflag:s14] =	ssyncadd.s32 $0xFFFFF800  }
0x48: {  	[spmem:s28] =	stream.linear.scatter [tilespmem:s13], [sflag:$0x5], $0x800, $0x38;
	[tilespmem:$0xF000] =	vst v63  }
0x49: {  	_ =	swait.ge [sflag:s14], $0x800  }
0x4a: {  	[sflag:s14] =	ssyncset.done $0x0  }
0x4b: {  	s25 =	rddreg [dreg:$0x10];
	[sflag:s14] =	ssyncadd.s32 $0xFFFFF800  }
0x4c: {  	[spmem:s25] =	stream.linear.scatter [tilespmem:s13], [sflag:$0x5], $0x800, $0x38;
	[tilespmem:$0xF000] =	vst v63  }
0x4d: {  	_ =	swait.ge [sflag:s14], $0x800  }
0x4e: {  	[sflag:s14] =	ssyncset.done $0x0  }
0x4f: {  	s26 =	rddreg [dreg:$0x11];
	[sflag:s14] =	ssyncadd.s32 $0xFFFFF800  }
0x50: {  	[spmem:s26] =	stream.linear.scatter [tilespmem:s13], [sflag:$0x5], $0x800, $0x38;
	[tilespmem:$0xF000] =	vst v63  }
0x51: {  	_ =	swait.ge [sflag:s14], $0x800  }
0x52: {  	[sflag:s14] =	ssyncset.done $0x0  }
0x53: {  	s28 =	rddreg [dreg:$0x12];
	[sflag:s14] =	ssyncadd.s32 $0xFFFFF800  }
0x54: {  	[spmem:s28] =	stream.linear.scatter [tilespmem:s13], [sflag:$0x5], $0x800, $0x38;
	[tilespmem:$0xF000] =	vst v63  }
0x55: {  	_ =	swait.ge [sflag:s14], $0x800  }
0x56: {  	[sflag:s14] =	ssyncset.done $0x0  }
0x57: {  	s25 =	rddreg [dreg:$0x14];
	[sflag:s14] =	ssyncadd.s32 $0xFFFFF800  }
0x58: {  	[spmem:s25] =	stream.linear.scatter [tilespmem:s13], [sflag:$0x5], $0x800, $0x38;
	[tilespmem:$0xF000] =	vst v63  }
0x59: {  	_ =	swait.ge [sflag:s14], $0x800  }
0x5a: {  	[sflag:s14] =	ssyncset.done $0x0  }
0x5b: {  	s26 =	rddreg [dreg:$0x15];
	[sflag:s14] =	ssyncadd.s32 $0xFFFFF800  }
0x5c: {  	[spmem:s26] =	stream.linear.scatter [tilespmem:s13], [sflag:$0x5], $0x800, $0x38;
	[tilespmem:$0xF000] =	vst v63  }
0x5d: {  	_ =	swait.ge [sflag:s14], $0x800  }
0x5e: {  	[sflag:s14] =	ssyncset.done $0x0  }
0x5f: {  	[sflag:s14] =	ssyncadd.s32 $0xFFFFF800  }
0x60: {  	[spmem:s29] =	stream.linear.scatter [tilespmem:s13], [sflag:$0x5], $0x800, $0x38;
	[tilespmem:$0xF000] =	vst v63  }
0x61: {  	_ =	swait.ge [sflag:s14], $0x800  }
0x62: {  	[sflag:s14] =	ssyncset.done $0x0  }
0x63: {  	[sflag:s14] =	ssyncadd.s32 $0xFFFFF800  }
0x64: {  	[spmem:s30] =	stream.linear.scatter [tilespmem:s13], [sflag:$0x5], $0x800, $0x38;
	[tilespmem:$0xF000] =	vst v63  }
0x65: {  	_ =	swait.ge [sflag:s14], $0x800  }
0x66: {  	[sflag:s14] =	ssyncset.done $0x0  }
0x67: {  	[sflag:s14] =	ssyncadd.s32 $0xFFFFF800  }
0x68: {  	[spmem:s31] =	stream.linear.scatter [tilespmem:s13], [sflag:$0x5], $0x800, $0x38;
	[tilespmem:$0xF000] =	vst v63  }
0x69: {  	_ =	swait.ge [sflag:s14], $0x800  }
0x6a: {  	[sflag:s14] =	ssyncset.done $0x0  }
0x6b: {  	[sflag:s14] =	ssyncadd.s32 $0xFFFFF800  }
0x6c: {  	[spmem:s0] =	stream.linear.scatter [tilespmem:s13], [sflag:$0x5], $0x800, $0x38;
	[tilespmem:$0xF000] =	vst v63  }
0x6d: {  	_ =	swait.ge [sflag:s14], $0x800  }
0x6e: {  	[sflag:s14] =	ssyncset.done $0x0  }
0x6f: {  	[sflag:s14] =	ssyncadd.s32 $0xFFFFF800  }
0x70: {  	[spmem:s1] =	stream.linear.scatter [tilespmem:s13], [sflag:$0x5], $0x800, $0x38;
	[tilespmem:$0xF000] =	vst v63  }
0x71: {  	_ =	swait.ge [sflag:s14], $0x800  }
0x72: {  	[sflag:s14] =	ssyncset.done $0x0  }
0x73: {  	[sflag:s14] =	ssyncadd.s32 $0xFFFFF800  }
0x74: {  	[spmem:s7] =	stream.linear.scatter [tilespmem:s13], [sflag:$0x5], $0x800, $0x38;
	[tilespmem:$0xF000] =	vst v63  }
0x75: {  	_ =	swait.ge [sflag:s14], $0x800  }
0x76: {  	[sflag:s14] =	ssyncset.done $0x0  }
0x77: {  	[sflag:s14] =	ssyncadd.s32 $0xFFFFF800  }
0x78: {  	[spmem:s9] =	stream.linear.scatter [tilespmem:s13], [sflag:$0x5], $0x800, $0x38;
	[tilespmem:$0xF000] =	vst v63  }
0x79: {  	_ =	swait.ge [sflag:s14], $0x800  }
0x7a: {  	[sflag:s14] =	ssyncset.done $0x0  }
0x7b: {  	[sflag:s14] =	ssyncadd.s32 $0xFFFFF800  }
0x7c: {  	[spmem:s11] =	stream.linear.scatter [tilespmem:s13], [sflag:$0x5], $0x800, $0x38;
	[tilespmem:$0xF000] =	vst v63  }
0x7d: {  	_ =	swait.ge [sflag:s14], $0x800  }
0x7e: {  	[sflag:s14] =	ssyncset.done $0x0  }
0x7f: {  	[sflag:s14] =	ssyncadd.s32 $0xFFFFF800  }
0x80: {  	[spmem:s12] =	stream.linear.scatter [tilespmem:s13], [sflag:$0x5], $0x800, $0x38;
	[tilespmem:$0xF000] =	vst v63  }
0x81: {  	_ =	swait.ge [sflag:s14], $0x800  }
0x82: {  	[sflag:s14] =	ssyncset.done $0x0  }
0x83: {  	s28 =	rddreg [dreg:$0x4];
	[sflag:s14] =	ssyncadd.s32 $0xFFFFF800  }
0x84: {  	[spmem:s28] =	stream.linear.scatter [tilespmem:s13], [sflag:$0x5], $0x400, $0x38;
	[tilespmem:$0xF000] =	vst v63  }
0x85: {  	_ =	swait.ge [sflag:s14], $0x400  }
0x86: {  	[sflag:s14] =	ssyncset.done $0x0  }
0x87: {  	[sflag:s14] =	ssyncadd.s32 $0xFFFFFC00  }
0x88: {  	s24 =	simm.s32 $0x0;
	[bflag:$0x0] =	sbarrier.arrive $0xFFFF  }
.LBB2_2:
0x89: {  	p0 =	seq.s32 s24, $0x0  }
0x8a: {  	s25 =	simm.s32 @!p0 $0x3  }
0x8b: {  	_ =	swait.ge @!p0 [sflag:s25], $0x800  }
0x8c: {  	s26 =	smul.u32 $0xE00, s24;
	[sflag:s25] =	ssyncset.done @!p0 $0x0  }
0x8d: {  	[sflag:s25] =	ssyncadd.s32 @!p0 $0xFFFFF800;
	s25 =	simm.s32 @!p0 $0x4  }
0x8e: {  	s26 =	sadd.s32 s26, s10;
	_ =	swait.ge @!p0 [sflag:s25], $0x800  }
0x8f: {  	s26 =	sshrl.u32 s26, $0x3;
	[sflag:s25] =	ssyncset.done @!p0 $0x0  }
0x90: {  	s28 =	sadd.s32 s5, s26;
	[sflag:s25] =	ssyncadd.s32 @!p0 $0xFFFFF800  }
0x91: {  	[tilespmem:s3], [sflag:$0x5] =	stream.linear.gather [hbm4b:s28+s3], $0xE00, $0x38;
	[tilespmem:$0xF000] =	vst v63  }
0x92: {  	_ =	swait.ge [sflag:s14], $0xE00  }
0x93: {  	[sflag:s14] =	ssyncset.done $0x0  }
0x94: {  	s26 =	sadd.s32 s6, s26;
	[sflag:s14] =	ssyncadd.s32 $0xFFFFF200  }
0x95: {  	[tilespmem:s15], [sflag:$0x5] =	stream.linear.gather [hbm4b:s26+s3], $0xE00, $0x38;
	[tilespmem:$0xF000] =	vst v63  }
0x96: {  	_ =	swait.ge [sflag:s14], $0xE00  }
0x97: {  	[sflag:s14] =	ssyncset.done $0x0  }
0x98: {  	[sflag:s14] =	ssyncadd.s32 $0xFFFFF200  }
0x99: {  	[tilespmem:s13], [sflag:$0x1] =	stream.indirect.gather [hbm4b:s4+s16], $0x10, s3, s16, $0xb8;
	[tilespmem:$0xF000] =	vst v63  }
0x9a: {  	_ = 	snop  }
0x9b: {  	[tilespmem:s17], [sflag:$0x2] =	stream.indirect.gather [hbm4b:s4+s16], $0x10, s16, s16, $0xb8;
	[tilespmem:$0xF000] =	vst v63  }
0x9c: {  	_ =	swait.ge [sflag:s18], $0x800  }
0x9d: {  	[sflag:s18] =	ssyncset.done $0x0  }
0x9e: {  	[sflag:s18] =	ssyncadd.s32 $0xFFFFF800  }
0x9f: {  	[spmem:s2] =	stream.indirect.scatter.add.bf16 [tilespmem:s13], [sflag:$0x3], $0x10, s15, s16, $0xb8;
	[tilespmem:$0xF000] =	vst v63  }
0xa0: {  	_ =	swait.ge [sflag:s19], $0x800  }
0xa1: {  	[sflag:s19] =	ssyncset.done $0x0  }
0xa2: {  	[sflag:s19] =	ssyncadd.s32 $0xFFFFF800  }
0xa3: {  	[spmem:s2] =	stream.indirect.scatter.add.bf16 [tilespmem:s17], [sflag:$0x4], $0x10, s20, s16, $0xb8;
	[tilespmem:$0xF000] =	vst v63  }
0xa4: {  	_ =	swait.ge [sflag:s21], $0x800  }
0xa5: {  	[sflag:s21] =	ssyncset.done $0x0  }
0xa6: {  	s28 =	simm.s32 $0x100;
	[sflag:s21] =	ssyncadd.s32 $0xFFFFF800  }
0xa7: {  	[tilespmem:s13], [sflag:$0x1] =	stream.indirect.gather [hbm4b:s4+s16], $0x10, s28, s16, $0xb8;
	[tilespmem:$0xF000] =	vst v63  }
0xa8: {  	_ =	swait.ge [sflag:s22], $0x800  }
0xa9: {  	[sflag:s22] =	ssyncset.done $0x0  }
0xaa: {  	s26 =	simm.s32 $0x180;
	[sflag:s22] =	ssyncadd.s32 $0xFFFFF800  }
0xab: {  	[tilespmem:s17], [sflag:$0x2] =	stream.indirect.gather [hbm4b:s4+s16], $0x10, s26, s16, $0xb8;
	[tilespmem:$0xF000] =	vst v63  }
0xac: {  	_ =	swait.ge [sflag:s18], $0x800  }
0xad: {  	[sflag:s18] =	ssyncset.done $0x0  }
0xae: {  	s28 =	simm.s32 $0xF00;
	[sflag:s18] =	ssyncadd.s32 $0xFFFFF800  }
0xaf: {  	[spmem:s2] =	stream.indirect.scatter.add.bf16 [tilespmem:s13], [sflag:$0x3], $0x10, s28, s16, $0xb8;
	[tilespmem:$0xF000] =	vst v63  }
0xb0: {  	_ =	swait.ge [sflag:s19], $0x800  }
0xb1: {  	[sflag:s19] =	ssyncset.done $0x0  }
0xb2: {  	s25 =	simm.s32 $0xFFFFD000;
	s26 =	simm.s32 $0xF80;
	[sflag:s19] =	ssyncadd.s32 $0xFFFFF800  }
.LBB2_3:
0xb3: {  	[spmem:s2] =	stream.indirect.scatter.add.bf16 [tilespmem:s17], [sflag:$0x4], $0x10, s26, s16, $0xb8;
	[tilespmem:$0xF000] =	vst v63  }
0xb4: {  	s26 =	smov.u32 s25  }
0xb5: {  	p0 =	sne.s32 s25, $0xFFFFFC00;
	s25 =	sadd.s32 $0x400, s25;
	_ =	swait.ge [sflag:s21], $0x800  }
0xb6: {  	s26 =	sshra.s32 s26, $0x2;
	[sflag:s21] =	ssyncset.done $0x0  }
0xb7: {  	s28 =	sadd.s32 $0xE00, s26;
	[sflag:s21] =	ssyncadd.s32 $0xFFFFF800  }
0xb8: {  	[tilespmem:s13], [sflag:$0x1] =	stream.indirect.gather [hbm4b:s4+s16], $0x10, s28, s16, $0xb8;
	[tilespmem:$0xF000] =	vst v63  }
0xb9: {  	_ =	swait.ge [sflag:s22], $0x800  }
0xba: {  	[sflag:s22] =	ssyncset.done $0x0  }
0xbb: {  	s28 =	sadd.s32 $0xE80, s26;
	[sflag:s22] =	ssyncadd.s32 $0xFFFFF800  }
0xbc: {  	[tilespmem:s17], [sflag:$0x2] =	stream.indirect.gather [hbm4b:s4+s16], $0x10, s28, s16, $0xb8;
	[tilespmem:$0xF000] =	vst v63  }
0xbd: {  	_ =	swait.ge [sflag:s18], $0x800  }
0xbe: {  	[sflag:s18] =	ssyncset.done $0x0  }
.Ltmp0:
0xbf: {  	s28 =	sadd.s32 $0x1C00, s26;
	[sflag:s18] =	ssyncadd.s32 $0xFFFFF800;
	(pc) =	sbr.rel @p0 .LBB2_3-.Ltmp0, $4  }
0xc0: {  	[spmem:s2] =	stream.indirect.scatter.add.bf16 [tilespmem:s13], [sflag:$0x3], $0x10, s28, s16, $0xb8;
	[tilespmem:$0xF000] =	vst v63  }
0xc1: {  	_ =	swait.ge [sflag:s19], $0x800  }
0xc2: {  	[sflag:s19] =	ssyncset.done $0x0  }
0xc3: {  	s26 =	sadd.s32 $0x1C80, s26;
	[sflag:s19] =	ssyncadd.s32 $0xFFFFF800  }
0xc4: {  	s24 =	sadd.s32 $0x1, s24  }
0xc5: {  	p0 =	sne.s32 s24, $0x7  }
.Ltmp1:
0xc6: {  	_ = 	snop;
	(pc) =	sbr.rel @p0 .LBB2_2-.Ltmp1, $2  }
0xc7: {  	_ =	sdelay $0x2  }
0xc8: {  	[spmem:s2] =	stream.indirect.scatter.add.bf16 [tilespmem:s17], [sflag:$0x4], $0x10, s26, s16, $0xb8;
	[tilespmem:$0xF000] =	vst v63  }
0xc9: {  	_ =	swait.ge [sflag:s21], $0x800  }
0xca: {  	[sflag:s21] =	ssyncset.done $0x0  }
0xcb: {  	[sflag:s21] =	ssyncadd.s32 $0xFFFFF800  }
0xcc: {  	_ =	swait.ge [sflag:s22], $0x800  }
0xcd: {  	[sflag:s22] =	ssyncset.done $0x0  }
0xce: {  	[sflag:s22] =	ssyncadd.s32 $0xFFFFF800  }
0xcf: {  	s24 =	stileid.u32;
	[bflag:$0x0] =	sbarrier.arrive $0xFFFF  }
0xd0: {  	s24 =	sshll.u32 s24, $0x6;
	s25 =	rddreg [dreg:$0x5]  }
0xd1: {  	s24 =	sor.u32 $0x1C05, s24;
	s26 =	rddreg [dreg:$0x13]  }
0xd2: {  	[hbm:s25], [sflag:s24] =	dma.local [spmem:s26], $0x1880  }
0xd3: {  	_ =	swait.ge [sflag:s14], $0x1880  }
0xd4: {  	s23 =	sadd.s32 $0x1, s23;
	s28 =	rddreg [dreg:$0x6]  }
0xd5: {  	p0 =	sne.s32 s23, s28  }
.Ltmp2:
0xd6: {  	_ = 	snop;
	(pc) =	sbr.rel @p0 .LBB2_1-.Ltmp2, $3  }
0xd7: {  	_ =	sdelay $0x1  }
0xd8: {  	[sflag:s14] =	ssyncset.done $0x0  }
0xd9: {  	[sflag:s14] =	ssyncadd.s32 $0xFFFFE780  }
0xda: {  	_ =	sfence.sel $0x180000  }
0xdb: {  	[bflag:$0x0] =	sbarrier.arrive $0xFFFF  }
0xdc: {  	_ =	strace $0x90000050  }
0xdd: {  	s0 =	stileid.u32;
	[bflag:$0x2] =	sbarrier.arrive $0xFFFF  }
0xde: {  	p0 =	sne.s32 s0, $0x0;
	s0 =	rddreg [dreg:$0x2]  }
0xdf: {  	s0 =	sadd.s32 @!p0 $0x100000, s0  }
0xe0: {  	[sflag:s0] =	ssyncadd.tile.s32 @!p0 $0x1;
	_ =	shalt  }
.Lfunc_end2:
_tile_overlayer_lowered:
.L_overlay_start_2:
0xe1: {  	(tag) =	ssettag $0x2  }
0xe2: {  	s0 =	rddreg [dreg:$0x0];
	s2 =	stileid.u32  }
0xe3: {  	s1 =	rddreg [dreg:$0x1];
	p0 =	sne.s32 s2, $0x0  }
0xe4: {  	s3 =	rddreg [dreg:$0x2];
	[bflag:$0x3] =	sbarrier.arrive $0xFFFF;
	s2 =	simm.s32 @!p0 $0x1C05  }
0xe5: {  	[timem:s3], [sflag:s2] =	dma.local @!p0 [hbm:s0], s1  }
0xe6: {  	s0 =	simm.s32 @!p0 $0x5  }
0xe7: {  	_ =	swait.ge @!p0 [sflag:s0], s1  }
0xe8: {  	s1 =	ssub.s32 @!p0 $0x0, s1;
	[sflag:s0] =	ssyncset.done @!p0 $0x0  }
0xe9: {  	[sflag:s0] =	ssyncadd.s32 @!p0 s1  }
0xea: {  	[bflag:$0x3] =	sbarrier.arrive $0xFFFF  }
0xeb: {  	_ =	shalt  }

</sc_bundles>
